<compile_context>
chip_gen: v7x
topology: tpu7x:2x2x1
jax: 0.10.2.dev20260603
libtpu: 0.0.44.dev20260713+nightly
codegen_flags: <defaults>
</compile_context>

<pallas_src>
import functools

import jax
import jax.numpy as jnp
from jax import lax
from jax.experimental import pallas as pl
from jax.experimental.pallas import tpu as pltpu
from jax.experimental.pallas import tpu_sc as plsc

N = 10000
E = 320000
D = 128
DH = D // 2
NC, NS, L = 2, 16, 16
NPAD = 10240
PT = NPAD // NS
EPT1 = E // NS
C1 = 800
NC1 = EPT1 // C1
EPT3 = E // (NC * NS)
C3 = 40
NPR = N // NS

_MESH = plsc.VectorSubcoreMesh(
    core_axis_name="c", subcore_axis_name="s", num_cores=NC, num_subcores=NS)
_SC_PARAMS = pltpu.CompilerParams(needs_layout_passes=False)


def _zero_1d(ref, nwords):
    z = jnp.zeros((L,), jnp.float32)

    def body(i, _):
        ref[pl.ds(i * L, L)] = z
        return 0

    lax.fori_loop(0, nwords // L, body, 0)


@functools.partial(
    pl.kernel,
    out_type=jax.ShapeDtypeStruct((2, NPAD), jnp.float32),
    mesh=_MESH,
    compiler_params=_SC_PARAMS,
    scratch_types=[
        pltpu.VMEM_SHARED((NS, NPAD), jnp.float32),
        pltpu.VMEM((NPAD,), jnp.float32),
        pltpu.VMEM((C1,), jnp.int32),
        pltpu.VMEM((C1,), jnp.int32),
        pltpu.VMEM((PT,), jnp.float32),
        pltpu.VMEM((PT,), jnp.float32),
        pltpu.VMEM((PT,), jnp.float32),
        pltpu.SemaphoreType.DMA,
        pltpu.SemaphoreType.DMA,
    ],
)
def _norms_kernel(ei, norms, part_sh, loc, idxb0, idxb1, tmp0, tmp1, accb,
                  dsem0, dsem1):
    c = lax.axis_index("c")
    s = lax.axis_index("s")
    _zero_1d(loc, NPAD)
    ones = jnp.ones((L,), jnp.float32)
    eoff = s * EPT1

    def i_start(q, buf, sem):
        pltpu.async_copy(ei.at[pl.ds(c * E + eoff + q * C1, C1)], buf, sem)

    def i_wait(q, buf, sem):
        pltpu.make_async_copy(
            ei.at[pl.ds(c * E + eoff + q * C1, C1)], buf, sem).wait()

    def hist(buf):
        def inner(j, _):
            base = j * 5 * L
            for k in range(5):
                v = buf[pl.ds(base + k * L, L)]
                plsc.addupdate_scatter(loc, [v], ones)
            return 0

        lax.fori_loop(0, C1 // (5 * L), inner, 0)

    i_start(0, idxb0, dsem0)

    def chunk_pair(i, _):
        i_wait(2 * i, idxb0, dsem0)
        i_start(2 * i + 1, idxb1, dsem1)
        hist(idxb0)
        i_wait(2 * i + 1, idxb1, dsem1)
        i_start(2 * i + 2, idxb0, dsem0)
        hist(idxb1)
        return 0

    lax.fori_loop(0, (NC1 - 1) // 2, chunk_pair, 0)
    i_wait(NC1 - 1, idxb0, dsem0)
    hist(idxb0)
    pltpu.sync_copy(loc, part_sh.at[s])
    plsc.subcore_barrier()

    noff = s * PT
    pltpu.sync_copy(part_sh.at[0, pl.ds(noff, PT)], accb)

    def p_start(p, buf, sem):
        pltpu.async_copy(part_sh.at[p, pl.ds(noff, PT)], buf, sem)

    def p_wait(p, buf, sem):
        pltpu.make_async_copy(
            part_sh.at[p, pl.ds(noff, PT)], buf, sem).wait()

    def acc_add(buf):
        def add_(j, _):
            base = j * 4 * L
            for k in range(4):
                sl = pl.ds(base + k * L, L)
                accb[sl] = accb[sl] + buf[sl]
            return 0

        lax.fori_loop(0, PT // (4 * L), add_, 0)

    p_start(1, tmp0, dsem0)

    def red_pair(i, _):
        p = 2 * i + 1
        p_wait(p, tmp0, dsem0)
        p_start(p + 1, tmp1, dsem1)
        acc_add(tmp0)
        p_wait(p + 1, tmp1, dsem1)
        p_start(p + 2, tmp0, dsem0)
        acc_add(tmp1)
        return 0

    lax.fori_loop(0, (NS - 2) // 2, red_pair, 0)
    p_wait(NS - 1, tmp0, dsem0)
    acc_add(tmp0)

    def nrm(j, _):
        sl = pl.ds(j * L, L)
        d = jnp.maximum(accb[sl], 1.0)
        i = plsc.bitcast(d, jnp.int32)
        i = 0x5F3759DF - lax.shift_right_logical(i, 1)
        y = plsc.bitcast(i, jnp.float32)
        for _ in range(3):
            y = y * (1.5 - 0.5 * d * y * y)
        accb[sl] = y
        return 0

    lax.fori_loop(0, PT // L, nrm, 0)
    pltpu.sync_copy(accb, norms.at[c, pl.ds(noff, PT)])


NCH = EPT3 // C3
BC = 50
NBT = NCH // BC
NG = (BC - 6) // 4


@functools.partial(
    pl.kernel,
    out_type=jax.ShapeDtypeStruct((2, NPAD, D), jnp.float32),
    mesh=_MESH,
    compiler_params=_SC_PARAMS,
    scratch_types=[
        pltpu.VMEM_SHARED((NPAD, D), jnp.float32),
        pltpu.VMEM((BC, C3), jnp.int32),
        pltpu.VMEM((BC, C3), jnp.int32),
        [pltpu.VMEM((C3, D), jnp.float32)] * 4,
        [pltpu.SemaphoreType.DMA] * 4,
        [pltpu.SemaphoreType.DMA] * 4,
    ],
)
def _agg_kernel(hs, ei3, out, acc_sh, sidxb, didxb, rbufs,
                gsems, ssems):
    c = lax.axis_index("c")
    s = lax.axis_index("s")
    w = c * NS + s

    z = jnp.zeros((L,), jnp.float32)

    def zr(r, _):
        def zc(j, _):
            rbufs[0][r, pl.ds(j * L, L)] = z
            return 0

        lax.fori_loop(0, D // L, zc, 0)
        return 0

    lax.fori_loop(0, C3, zr, 0)

    def za(m, _):
        pltpu.sync_copy(rbufs[0], acc_sh.at[pl.ds(s * PT + m * C3, C3)])
        return 0

    lax.fori_loop(0, PT // C3, za, 0)
    plsc.subcore_barrier()

    def g_start(q, k):
        pltpu.async_copy(hs.at[sidxb.at[q]], rbufs[k], gsems[k])

    def g_wait(q, k):
        pltpu.make_async_copy(hs.at[sidxb.at[q]], rbufs[k], gsems[k]).wait()

    def s_start(q, k):
        pltpu.async_copy(rbufs[k], acc_sh.at[didxb.at[q]], ssems[k],
                         add=True)

    def s_wait(q, k):
        pltpu.make_async_copy(rbufs[k], acc_sh.at[didxb.at[q]],
                              ssems[k]).wait()

    def block(b, _):
        bb = w * NBT + b
        pltpu.sync_copy(ei3.at[bb], sidxb)
        pltpu.sync_copy(ei3.at[NC * NS * NBT + bb], didxb)
        g_start(0, 0)
        g_start(1, 1)
        g_start(2, 2)
        g_wait(0, 0)
        s_start(0, 0)
        g_start(3, 3)

        def grp(g, _):
            q = 4 * g
            g_wait(q + 1, 1)
            s_start(q + 1, 1)
            s_wait(q, 0)
            g_start(q + 4, 0)
            g_wait(q + 2, 2)
            s_start(q + 2, 2)
            s_wait(q + 1, 1)
            g_start(q + 5, 1)
            g_wait(q + 3, 3)
            s_start(q + 3, 3)
            s_wait(q + 2, 2)
            g_start(q + 6, 2)
            g_wait(q + 4, 0)
            s_start(q + 4, 0)
            s_wait(q + 3, 3)
            g_start(q + 7, 3)
            return 0

        lax.fori_loop(0, NG, grp, 0)
        qe = 4 * NG
        g_wait(qe + 1, 1)
        s_start(qe + 1, 1)
        s_wait(qe, 0)
        g_start(qe + 4, 0)
        g_wait(qe + 2, 2)
        s_start(qe + 2, 2)
        s_wait(qe + 1, 1)
        g_start(qe + 5, 1)
        g_wait(qe + 3, 3)
        s_start(qe + 3, 3)
        s_wait(qe + 2, 2)
        g_wait(qe + 4, 0)
        s_start(qe + 4, 0)
        s_wait(qe + 3, 3)
        g_wait(qe + 5, 1)
        s_start(qe + 5, 1)
        s_wait(qe + 4, 0)
        s_wait(qe + 5, 1)
        return 0

    lax.fori_loop(0, NBT, block, 0)

    plsc.subcore_barrier()
    pltpu.sync_copy(acc_sh.at[pl.ds(s * PT, PT)],
                    out.at[c, pl.ds(s * PT, PT)])


_BLK = 1024


def _matmul_body(x_ref, w_ref, o_ref):
    o_ref[...] = jnp.dot(x_ref[...], w_ref[...],
                         preferred_element_type=jnp.float32)


def _scale_body(h_ref, nrm_ref, o_ref):
    o_ref[...] = h_ref[...] * nrm_ref[0][:, None]


def _final_body(a0_ref, a1_ref, nrm_ref, b_ref, o_ref):
    o_ref[...] = (a0_ref[0] + a1_ref[0]) * nrm_ref[1][:, None] + b_ref[...]


def kernel(x, edge_index, W, b):
    h = pl.pallas_call(
        _matmul_body,
        grid=(NPAD // _BLK,),
        in_specs=[
            pl.BlockSpec((_BLK, D), lambda i: (i, 0)),
            pl.BlockSpec((D, D), lambda i: (0, 0)),
        ],
        out_specs=pl.BlockSpec((_BLK, D), lambda i: (i, 0)),
        out_shape=jax.ShapeDtypeStruct((N, D), jnp.float32),
    )(x, W)
    norms = _norms_kernel(edge_index.reshape(2 * E))

    hs = pl.pallas_call(
        _scale_body,
        grid=(NPAD // _BLK,),
        in_specs=[
            pl.BlockSpec((_BLK, D), lambda i: (i, 0)),
            pl.BlockSpec((2, _BLK), lambda i: (0, i)),
        ],
        out_specs=pl.BlockSpec((_BLK, D), lambda i: (i, 0)),
        out_shape=jax.ShapeDtypeStruct((N, D), jnp.float32),
    )(h, norms)

    ei3 = edge_index.reshape(2 * NC * NS * NBT, BC, C3)
    agg2 = _agg_kernel(hs, ei3)

    out = pl.pallas_call(
        _final_body,
        grid=(NPAD // _BLK,),
        in_specs=[
            pl.BlockSpec((1, _BLK, D), lambda i: (0, i, 0)),
            pl.BlockSpec((1, _BLK, D), lambda i: (1, i, 0)),
            pl.BlockSpec((2, _BLK), lambda i: (0, i)),
            pl.BlockSpec((1, D), lambda i: (0, 0)),
        ],
        out_specs=pl.BlockSpec((_BLK, D), lambda i: (i, 0)),
        out_shape=jax.ShapeDtypeStruct((N, D), jnp.float32),
    )(agg2, agg2, norms, b.reshape(1, D))
    return out

# --- scband reference (transcript-rebuilt; emitter-appended) ---
"""Pipeline reference for scband-model-38173669327128 (READ-ONLY COPY).

The authoritative reference and input builder live on the scoring server;
editing this copy changes nothing except your own understanding.
"""

import jax, jax.numpy as jnp
import numpy as np

N_NODES = 10000
N_EDGES = 320000
D_FEAT = 128

def setup_inputs(seed: int = 0) -> dict:
    key = jax.random.key(seed)
    k1, k2, k3, k4 = jax.random.split(key, 4)
    x = jax.random.normal(k1, (N_NODES, D_FEAT), dtype=jnp.float32)
    edge_index = jax.random.randint(k2, (2, N_EDGES), 0, N_NODES, dtype=jnp.int32)
    # learned params of the single-relation GraphConv layer (in_feats=out_feats=128)
    W = jax.random.normal(k3, (D_FEAT, D_FEAT), dtype=jnp.float32) / jnp.sqrt(D_FEAT)
    b = jnp.zeros((D_FEAT,), dtype=jnp.float32)
    return {"x": x, "edge_index": edge_index, "W": W, "b": b}

def reference(x, edge_index, W, b):
    # HeteroGNN with num_layers=1, use_attention=False, single relation:
    # HeteroGraphConv({rel: GraphConv(in, out, bias=True)}) + SimpleAggregator
    # -> single GraphConv with symmetric ('both') normalization:
    # out = D_in^{-1/2} A D_out^{-1/2} X W + b
    src = edge_index[0]
    dst = edge_index[1]
    N = x.shape[0]
    ones = jnp.ones((src.shape[0],), dtype=x.dtype)
    deg_out = jnp.zeros((N,), dtype=x.dtype).at[src].add(ones)
    deg_in = jnp.zeros((N,), dtype=x.dtype).at[dst].add(ones)
    norm_src = jnp.clip(deg_out, 1.0, None) ** -0.5
    norm_dst = jnp.clip(deg_in, 1.0, None) ** -0.5
    h = x @ W
    msg = jnp.take(h, src, axis=0) * norm_src[src][:, None]
    agg = jnp.zeros((N, h.shape[1]), dtype=h.dtype).at[dst].add(msg)
    out = agg * norm_dst[:, None] + b
    return out

if __name__ == "__main__":
    import jax
    _d = setup_inputs()
    print(jax.jit(kernel)(*tuple(_d.values())))

</pallas_src>

<mosaic_0001>
#map = affine_map<(d0, d1) -> (0, 0)>
#map1 = affine_map<(d0, d1) -> (0, 0, 0)>
module attributes {stable_mosaic.version = 14 : i64} {
  func.func @_agg_kernel(%arg0: i32, %arg1: i32, %arg2: memref<10000x128xf32, #tpu.memory_space<hbm>>, %arg3: memref<320x50x40xi32, #tpu.memory_space<hbm>>, %arg4: memref<2x10240x128xf32, #tpu.memory_space<hbm>>, %arg5: memref<10240x128xf32, #tpu.memory_space<vmem_shared>>, %arg6: memref<50x40xi32, #tpu.memory_space<vmem>>, %arg7: memref<50x40xi32, #tpu.memory_space<vmem>>, %arg8: memref<40x128xf32, #tpu.memory_space<vmem>>, %arg9: memref<40x128xf32, #tpu.memory_space<vmem>>, %arg10: memref<40x128xf32, #tpu.memory_space<vmem>>, %arg11: memref<40x128xf32, #tpu.memory_space<vmem>>, %arg12: memref<!tpu.dma_semaphore, #tpu.memory_space<semaphore_mem>>, %arg13: memref<!tpu.dma_semaphore, #tpu.memory_space<semaphore_mem>>, %arg14: memref<!tpu.dma_semaphore, #tpu.memory_space<semaphore_mem>>, %arg15: memref<!tpu.dma_semaphore, #tpu.memory_space<semaphore_mem>>, %arg16: memref<!tpu.dma_semaphore, #tpu.memory_space<semaphore_mem>>, %arg17: memref<!tpu.dma_semaphore, #tpu.memory_space<semaphore_mem>>, %arg18: memref<!tpu.dma_semaphore, #tpu.memory_space<semaphore_mem>>, %arg19: memref<!tpu.dma_semaphore, #tpu.memory_space<semaphore_mem>>) attributes {dimension_semantics = [#tpu.dimension_semantics<core_parallel>, #tpu.dimension_semantics<subcore_parallel>], iteration_bounds = array<i64: 2, 16>, scalar_prefetch = 0 : i64, scratch_operands = 15 : i64, tpu.core_type = #tpu.core_type<sc_vector_subcore>, window_params = [{transform_indices = #map}, {transform_indices = #map1}, {transform_indices = #map1}]} {
    %mul3A = arith.constant 16 : i32
    %mul3A_0 = arith.muli %arg0, %mul3A : i32
    %add3A = arith.addi %mul3A_0, %arg1 : i32
    %broadcast_in_dim3A = arith.constant 0.000000e+00 : f32
    %broadcast_in_dim3A_1 = vector.broadcast %broadcast_in_dim3A : f32 to vector<16xf32>
    %scan3A = arith.constant 0 : i32
    %scan3A_2 = arith.constant 0 : i32
    %scan3A_3 = arith.constant 40 : i32
    %scan3A_4 = arith.addi %scan3A_2, %scan3A_3 : i32
    %scan3A_5 = arith.constant 1 : i32
    %scan3A_6 = scf.for %scan3A_27 = %scan3A_2 to %scan3A_4 step %scan3A_5 iter_args(%scan3A_28 = %scan3A) -> (i32)  : i32 {
      %scan3A_29 = arith.constant 0 : i32
      %scan3A_30 = arith.constant 0 : i32
      %scan3A_31 = arith.constant 8 : i32
      %scan3A_32 = arith.addi %scan3A_30, %scan3A_31 : i32
      %scan3A_33 = arith.constant 1 : i32
      %scan3A_34 = scf.for %scan3A_37 = %scan3A_30 to %scan3A_32 step %scan3A_33 iter_args(%scan3A_38 = %scan3A_29) -> (i32)  : i32 {
        %mul3A_39 = arith.constant 16 : i32
        %mul3A_40 = arith.muli %scan3A_37, %mul3A_39 : i32
        %swap3A = arith.index_cast %scan3A_27 : i32 to index
        %swap3A_41 = arith.index_cast %mul3A_40 : i32 to index
        %swap3A_42 = tpu.vector_load %arg8[%swap3A, %swap3A_41] {strides = array<i32>} : memref<40x128xf32, #tpu.memory_space<vmem>>, vector<16xf32>,
        tpu.vector_store %arg8[%swap3A, %swap3A_41], %broadcast_in_dim3A_1 {strides = array<i32>} : memref<40x128xf32, #tpu.memory_space<vmem>>, vector<16xf32>,
        %scan3A_43 = arith.constant 0 : i32
        scf.yield %scan3A_43 : i32
      }
      %scan3A_35 = arith.constant 8 : i32
      %scan3A_36 = arith.constant 0 : i32
      scf.yield %scan3A_36 : i32
    }
    %scan3A_7 = arith.constant 40 : i32
    %scan3A_8 = arith.constant 0 : i32
    %scan3A_9 = arith.constant 0 : i32
    %scan3A_10 = arith.constant 16 : i32
    %scan3A_11 = arith.addi %scan3A_9, %scan3A_10 : i32
    %scan3A_12 = arith.constant 1 : i32
    %scan3A_13 = scf.for %scan3A_27 = %scan3A_9 to %scan3A_11 step %scan3A_12 iter_args(%scan3A_28 = %scan3A_8) -> (i32)  : i32 {
      %mul3A_29 = arith.constant 640 : i32
      %mul3A_30 = arith.muli %arg1, %mul3A_29 : i32
      %mul3A_31 = arith.constant 40 : i32
      %mul3A_32 = arith.muli %scan3A_27, %mul3A_31 : i32
      %add3A_33 = arith.addi %mul3A_30, %mul3A_32 : i32
      "tpu.region"() ({
        %run_scoped3A = tpu.sem_alloc : memref<!tpu.dma_semaphore, #tpu.memory_space<semaphore_mem>>
        %dma_start3A = arith.constant 0 : i32
        %dma_start3A_35 = tpu.memref_slice %arg5[%add3A_33, %dma_start3A] : memref<10240x128xf32, #tpu.memory_space<vmem_shared>> -> memref<40x128xf32, #tpu.memory_space<vmem_shared>>
        %dma_start3A_36 = arith.constant 0 : i32
        %dma_start3A_37 = tpu.memref_slice %arg5[%add3A_33, %dma_start3A_36] : memref<10240x128xf32, #tpu.memory_space<vmem_shared>> -> memref<40x128xf32, #tpu.memory_space<vmem_shared>>
        tpu.enqueue_dma source(%arg8 : memref<40x128xf32, #tpu.memory_space<vmem>>) target(%dma_start3A_37 : memref<40x128xf32, #tpu.memory_space<vmem_shared>>) target_semaphore(%run_scoped3A : memref<!tpu.dma_semaphore, #tpu.memory_space<semaphore_mem>>)
        %dma_wait3A = arith.constant 0 : i32
        %dma_wait3A_38 = tpu.memref_slice %arg5[%add3A_33, %dma_wait3A] : memref<10240x128xf32, #tpu.memory_space<vmem_shared>> -> memref<40x128xf32, #tpu.memory_space<vmem_shared>>
        %dma_wait3A_39 = arith.constant 0 : i32
        %dma_wait3A_40 = tpu.memref_slice %arg5[%add3A_33, %dma_wait3A_39] : memref<10240x128xf32, #tpu.memory_space<vmem_shared>> -> memref<40x128xf32, #tpu.memory_space<vmem_shared>>
        tpu.wait_dma2 semaphore(%run_scoped3A : memref<!tpu.dma_semaphore, #tpu.memory_space<semaphore_mem>>) src(%arg8 : memref<40x128xf32, #tpu.memory_space<vmem>>) dst(%dma_wait3A_40 : memref<40x128xf32, #tpu.memory_space<vmem_shared>>)
        tpu.yield
      }) : () -> ()
      %scan3A_34 = arith.constant 0 : i32
      scf.yield %scan3A_34 : i32
    }
    %scan3A_14 = arith.constant 16 : i32
    %barrier3A = arith.constant 0 : index
    tpu.barrier barrier_id(%barrier3A)
    %scan3A_15 = arith.constant 0 : i32
    %scan3A_16 = arith.constant 0 : i32
    %scan3A_17 = arith.constant 5 : i32
    %scan3A_18 = arith.addi %scan3A_16, %scan3A_17 : i32
    %scan3A_19 = arith.constant 1 : i32
    %scan3A_20 = scf.for %scan3A_27 = %scan3A_16 to %scan3A_18 step %scan3A_19 iter_args(%scan3A_28 = %scan3A_15) -> (i32)  : i32 {
      %mul3A_29 = arith.constant 5 : i32
      %mul3A_30 = arith.muli %add3A, %mul3A_29 : i32
      %add3A_31 = arith.addi %mul3A_30, %scan3A_27 : i32
      "tpu.region"() ({
        %run_scoped3A = tpu.sem_alloc : memref<!tpu.dma_semaphore, #tpu.memory_space<semaphore_mem>>
        %dma_start3A_208 = arith.constant 0 : i32
        %dma_start3A_209 = arith.constant 0 : i32
        %dma_start3A_210 = tpu.memref_slice %arg3[%add3A_31, %dma_start3A_208, %dma_start3A_209] : memref<320x50x40xi32, #tpu.memory_space<hbm>> -> memref<1x50x40xi32, #tpu.memory_space<hbm>>
        %dma_start3A_211 = tpu.memref_squeeze %dma_start3A_210 : memref<1x50x40xi32, #tpu.memory_space<hbm>> -> memref<50x40xi32, #tpu.memory_space<hbm>>
        %dma_start3A_212 = arith.constant 0 : i32
        %dma_start3A_213 = arith.constant 0 : i32
        %dma_start3A_214 = tpu.memref_slice %arg3[%add3A_31, %dma_start3A_212, %dma_start3A_213] : memref<320x50x40xi32, #tpu.memory_space<hbm>> -> memref<1x50x40xi32, #tpu.memory_space<hbm>>
        %dma_start3A_215 = tpu.memref_squeeze %dma_start3A_214 : memref<1x50x40xi32, #tpu.memory_space<hbm>> -> memref<50x40xi32, #tpu.memory_space<hbm>>
        tpu.enqueue_dma source(%dma_start3A_215 : memref<50x40xi32, #tpu.memory_space<hbm>>) target(%arg6 : memref<50x40xi32, #tpu.memory_space<vmem>>) target_semaphore(%run_scoped3A : memref<!tpu.dma_semaphore, #tpu.memory_space<semaphore_mem>>)
        %dma_wait3A_216 = arith.constant 0 : i32
        %dma_wait3A_217 = arith.constant 0 : i32
        %dma_wait3A_218 = tpu.memref_slice %arg3[%add3A_31, %dma_wait3A_216, %dma_wait3A_217] : memref<320x50x40xi32, #tpu.memory_space<hbm>> -> memref<1x50x40xi32, #tpu.memory_space<hbm>>
        %dma_wait3A_219 = tpu.memref_squeeze %dma_wait3A_218 : memref<1x50x40xi32, #tpu.memory_space<hbm>> -> memref<50x40xi32, #tpu.memory_space<hbm>>
        %dma_wait3A_220 = arith.constant 0 : i32
        %dma_wait3A_221 = arith.constant 0 : i32
        %dma_wait3A_222 = tpu.memref_slice %arg3[%add3A_31, %dma_wait3A_220, %dma_wait3A_221] : memref<320x50x40xi32, #tpu.memory_space<hbm>> -> memref<1x50x40xi32, #tpu.memory_space<hbm>>
        %dma_wait3A_223 = tpu.memref_squeeze %dma_wait3A_222 : memref<1x50x40xi32, #tpu.memory_space<hbm>> -> memref<50x40xi32, #tpu.memory_space<hbm>>
        tpu.wait_dma2 semaphore(%run_scoped3A : memref<!tpu.dma_semaphore, #tpu.memory_space<semaphore_mem>>) src(%dma_wait3A_223 : memref<50x40xi32, #tpu.memory_space<hbm>>) dst(%arg6 : memref<50x40xi32, #tpu.memory_space<vmem>>)
        tpu.yield
      }) : () -> ()
      %add3A_32 = arith.constant 160 : i32
      %add3A_33 = arith.addi %add3A_32, %add3A_31 : i32
      "tpu.region"() ({
        %run_scoped3A = tpu.sem_alloc : memref<!tpu.dma_semaphore, #tpu.memory_space<semaphore_mem>>
        %dma_start3A_208 = arith.constant 0 : i32
        %dma_start3A_209 = arith.constant 0 : i32
        %dma_start3A_210 = tpu.memref_slice %arg3[%add3A_33, %dma_start3A_208, %dma_start3A_209] : memref<320x50x40xi32, #tpu.memory_space<hbm>> -> memref<1x50x40xi32, #tpu.memory_space<hbm>>
        %dma_start3A_211 = tpu.memref_squeeze %dma_start3A_210 : memref<1x50x40xi32, #tpu.memory_space<hbm>> -> memref<50x40xi32, #tpu.memory_space<hbm>>
        %dma_start3A_212 = arith.constant 0 : i32
        %dma_start3A_213 = arith.constant 0 : i32
        %dma_start3A_214 = tpu.memref_slice %arg3[%add3A_33, %dma_start3A_212, %dma_start3A_213] : memref<320x50x40xi32, #tpu.memory_space<hbm>> -> memref<1x50x40xi32, #tpu.memory_space<hbm>>
        %dma_start3A_215 = tpu.memref_squeeze %dma_start3A_214 : memref<1x50x40xi32, #tpu.memory_space<hbm>> -> memref<50x40xi32, #tpu.memory_space<hbm>>
        tpu.enqueue_dma source(%dma_start3A_215 : memref<50x40xi32, #tpu.memory_space<hbm>>) target(%arg7 : memref<50x40xi32, #tpu.memory_space<vmem>>) target_semaphore(%run_scoped3A : memref<!tpu.dma_semaphore, #tpu.memory_space<semaphore_mem>>)
        %dma_wait3A_216 = arith.constant 0 : i32
        %dma_wait3A_217 = arith.constant 0 : i32
        %dma_wait3A_218 = tpu.memref_slice %arg3[%add3A_33, %dma_wait3A_216, %dma_wait3A_217] : memref<320x50x40xi32, #tpu.memory_space<hbm>> -> memref<1x50x40xi32, #tpu.memory_space<hbm>>
        %dma_wait3A_219 = tpu.memref_squeeze %dma_wait3A_218 : memref<1x50x40xi32, #tpu.memory_space<hbm>> -> memref<50x40xi32, #tpu.memory_space<hbm>>
        %dma_wait3A_220 = arith.constant 0 : i32
        %dma_wait3A_221 = arith.constant 0 : i32
        %dma_wait3A_222 = tpu.memref_slice %arg3[%add3A_33, %dma_wait3A_220, %dma_wait3A_221] : memref<320x50x40xi32, #tpu.memory_space<hbm>> -> memref<1x50x40xi32, #tpu.memory_space<hbm>>
        %dma_wait3A_223 = tpu.memref_squeeze %dma_wait3A_222 : memref<1x50x40xi32, #tpu.memory_space<hbm>> -> memref<50x40xi32, #tpu.memory_space<hbm>>
        tpu.wait_dma2 semaphore(%run_scoped3A : memref<!tpu.dma_semaphore, #tpu.memory_space<semaphore_mem>>) src(%dma_wait3A_223 : memref<50x40xi32, #tpu.memory_space<hbm>>) dst(%arg7 : memref<50x40xi32, #tpu.memory_space<vmem>>)
        tpu.yield
      }) : () -> ()
      %dma_start3A = arith.constant 0 : i32
      %dma_start3A_34 = arith.constant 0 : i32
      %dma_start3A_35 = tpu.memref_slice %arg6[%dma_start3A, %dma_start3A_34] : memref<50x40xi32, #tpu.memory_space<vmem>> -> memref<1x40xi32, #tpu.memory_space<vmem>>
      %dma_start3A_36 = tpu.memref_squeeze %dma_start3A_35 : memref<1x40xi32, #tpu.memory_space<vmem>> -> memref<40xi32, #tpu.memory_space<vmem>>
      %dma_start3A_37 = arith.constant 0 : i32
      %dma_start3A_38 = arith.constant 0 : i32
      %dma_start3A_39 = tpu.memref_slice %arg2[%dma_start3A_37, %dma_start3A_38] : memref<10000x128xf32, #tpu.memory_space<hbm>> -> memref<10000x128xf32, #tpu.memory_space<hbm>>
      tpu.enqueue_indirect_dma source(%dma_start3A_39 : memref<10000x128xf32, #tpu.memory_space<hbm>>) target(%arg8 : memref<40x128xf32, #tpu.memory_space<vmem>>) offsets(%dma_start3A_36 : memref<40xi32, #tpu.memory_space<vmem>>) semaphore(%arg12 : memref<!tpu.dma_semaphore, #tpu.memory_space<semaphore_mem>>)
      %dma_start3A_40 = arith.constant 1 : i32
      %dma_start3A_41 = arith.constant 0 : i32
      %dma_start3A_42 = tpu.memref_slice %arg6[%dma_start3A_40, %dma_start3A_41] : memref<50x40xi32, #tpu.memory_space<vmem>> -> memref<1x40xi32, #tpu.memory_space<vmem>>
      %dma_start3A_43 = tpu.memref_squeeze %dma_start3A_42 : memref<1x40xi32, #tpu.memory_space<vmem>> -> memref<40xi32, #tpu.memory_space<vmem>>
      %dma_start3A_44 = arith.constant 0 : i32
      %dma_start3A_45 = arith.constant 0 : i32
      %dma_start3A_46 = tpu.memref_slice %arg2[%dma_start3A_44, %dma_start3A_45] : memref<10000x128xf32, #tpu.memory_space<hbm>> -> memref<10000x128xf32, #tpu.memory_space<hbm>>
      tpu.enqueue_indirect_dma source(%dma_start3A_46 : memref<10000x128xf32, #tpu.memory_space<hbm>>) target(%arg9 : memref<40x128xf32, #tpu.memory_space<vmem>>) offsets(%dma_start3A_43 : memref<40xi32, #tpu.memory_space<vmem>>) semaphore(%arg13 : memref<!tpu.dma_semaphore, #tpu.memory_space<semaphore_mem>>)
      %dma_start3A_47 = arith.constant 2 : i32
      %dma_start3A_48 = arith.constant 0 : i32
      %dma_start3A_49 = tpu.memref_slice %arg6[%dma_start3A_47, %dma_start3A_48] : memref<50x40xi32, #tpu.memory_space<vmem>> -> memref<1x40xi32, #tpu.memory_space<vmem>>
      %dma_start3A_50 = tpu.memref_squeeze %dma_start3A_49 : memref<1x40xi32, #tpu.memory_space<vmem>> -> memref<40xi32, #tpu.memory_space<vmem>>
      %dma_start3A_51 = arith.constant 0 : i32
      %dma_start3A_52 = arith.constant 0 : i32
      %dma_start3A_53 = tpu.memref_slice %arg2[%dma_start3A_51, %dma_start3A_52] : memref<10000x128xf32, #tpu.memory_space<hbm>> -> memref<10000x128xf32, #tpu.memory_space<hbm>>
      tpu.enqueue_indirect_dma source(%dma_start3A_53 : memref<10000x128xf32, #tpu.memory_space<hbm>>) target(%arg10 : memref<40x128xf32, #tpu.memory_space<vmem>>) offsets(%dma_start3A_50 : memref<40xi32, #tpu.memory_space<vmem>>) semaphore(%arg14 : memref<!tpu.dma_semaphore, #tpu.memory_space<semaphore_mem>>)
      %dma_wait3A = arith.constant 0 : i32
      %dma_wait3A_54 = arith.constant 0 : i32
      %dma_wait3A_55 = tpu.memref_slice %arg6[%dma_wait3A, %dma_wait3A_54] : memref<50x40xi32, #tpu.memory_space<vmem>> -> memref<1x40xi32, #tpu.memory_space<vmem>>
      %dma_wait3A_56 = tpu.memref_squeeze %dma_wait3A_55 : memref<1x40xi32, #tpu.memory_space<vmem>> -> memref<40xi32, #tpu.memory_space<vmem>>
      %dma_wait3A_57 = arith.constant 0 : i32
      %dma_wait3A_58 = arith.constant 0 : i32
      %dma_wait3A_59 = tpu.memref_slice %arg2[%dma_wait3A_57, %dma_wait3A_58] : memref<10000x128xf32, #tpu.memory_space<hbm>> -> memref<10000x128xf32, #tpu.memory_space<hbm>>
      tpu.wait_indirect_dma semaphore(%arg12 : memref<!tpu.dma_semaphore, #tpu.memory_space<semaphore_mem>>) src(%dma_wait3A_59 : memref<10000x128xf32, #tpu.memory_space<hbm>>) dst(%arg8 : memref<40x128xf32, #tpu.memory_space<vmem>>)
      %dma_start3A_60 = arith.constant 0 : i32
      %dma_start3A_61 = arith.constant 0 : i32
      %dma_start3A_62 = tpu.memref_slice %arg7[%dma_start3A_60, %dma_start3A_61] : memref<50x40xi32, #tpu.memory_space<vmem>> -> memref<1x40xi32, #tpu.memory_space<vmem>>
      %dma_start3A_63 = tpu.memref_squeeze %dma_start3A_62 : memref<1x40xi32, #tpu.memory_space<vmem>> -> memref<40xi32, #tpu.memory_space<vmem>>
      %dma_start3A_64 = arith.constant 0 : i32
      %dma_start3A_65 = arith.constant 0 : i32
      %dma_start3A_66 = tpu.memref_slice %arg5[%dma_start3A_64, %dma_start3A_65] : memref<10240x128xf32, #tpu.memory_space<vmem_shared>> -> memref<10240x128xf32, #tpu.memory_space<vmem_shared>>
      tpu.enqueue_indirect_dma source(%arg8 : memref<40x128xf32, #tpu.memory_space<vmem>>) target(%dma_start3A_66 : memref<10240x128xf32, #tpu.memory_space<vmem_shared>>) offsets(%dma_start3A_63 : memref<40xi32, #tpu.memory_space<vmem>>) semaphore(%arg16 : memref<!tpu.dma_semaphore, #tpu.memory_space<semaphore_mem>>) {add = true}
      %dma_start3A_67 = arith.constant 3 : i32
      %dma_start3A_68 = arith.constant 0 : i32
      %dma_start3A_69 = tpu.memref_slice %arg6[%dma_start3A_67, %dma_start3A_68] : memref<50x40xi32, #tpu.memory_space<vmem>> -> memref<1x40xi32, #tpu.memory_space<vmem>>
      %dma_start3A_70 = tpu.memref_squeeze %dma_start3A_69 : memref<1x40xi32, #tpu.memory_space<vmem>> -> memref<40xi32, #tpu.memory_space<vmem>>
      %dma_start3A_71 = arith.constant 0 : i32
      %dma_start3A_72 = arith.constant 0 : i32
      %dma_start3A_73 = tpu.memref_slice %arg2[%dma_start3A_71, %dma_start3A_72] : memref<10000x128xf32, #tpu.memory_space<hbm>> -> memref<10000x128xf32, #tpu.memory_space<hbm>>
      tpu.enqueue_indirect_dma source(%dma_start3A_73 : memref<10000x128xf32, #tpu.memory_space<hbm>>) target(%arg11 : memref<40x128xf32, #tpu.memory_space<vmem>>) offsets(%dma_start3A_70 : memref<40xi32, #tpu.memory_space<vmem>>) semaphore(%arg15 : memref<!tpu.dma_semaphore, #tpu.memory_space<semaphore_mem>>)
      %scan3A_74 = arith.constant 0 : i32
      %scan3A_75 = arith.constant 0 : i32
      %scan3A_76 = arith.constant 11 : i32
      %scan3A_77 = arith.addi %scan3A_75, %scan3A_76 : i32
      %scan3A_78 = arith.constant 1 : i32
      %scan3A_79 = scf.for %scan3A_208 = %scan3A_75 to %scan3A_77 step %scan3A_78 iter_args(%scan3A_209 = %scan3A_74) -> (i32)  : i32 {
        %mul3A_210 = arith.constant 4 : i32
        %mul3A_211 = arith.muli %mul3A_210, %scan3A_208 : i32
        %add3A_212 = arith.constant 1 : i32
        %add3A_213 = arith.addi %mul3A_211, %add3A_212 : i32
        %dma_wait3A_214 = arith.constant 0 : i32
        %dma_wait3A_215 = tpu.memref_slice %arg6[%add3A_213, %dma_wait3A_214] : memref<50x40xi32, #tpu.memory_space<vmem>> -> memref<1x40xi32, #tpu.memory_space<vmem>>
        %dma_wait3A_216 = tpu.memref_squeeze %dma_wait3A_215 : memref<1x40xi32, #tpu.memory_space<vmem>> -> memref<40xi32, #tpu.memory_space<vmem>>
        %dma_wait3A_217 = arith.constant 0 : i32
        %dma_wait3A_218 = arith.constant 0 : i32
        %dma_wait3A_219 = tpu.memref_slice %arg2[%dma_wait3A_217, %dma_wait3A_218] : memref<10000x128xf32, #tpu.memory_space<hbm>> -> memref<10000x128xf32, #tpu.memory_space<hbm>>
        tpu.wait_indirect_dma semaphore(%arg13 : memref<!tpu.dma_semaphore, #tpu.memory_space<semaphore_mem>>) src(%dma_wait3A_219 : memref<10000x128xf32, #tpu.memory_space<hbm>>) dst(%arg9 : memref<40x128xf32, #tpu.memory_space<vmem>>)
        %add3A_220 = arith.constant 1 : i32
        %add3A_221 = arith.addi %mul3A_211, %add3A_220 : i32
        %dma_start3A_222 = arith.constant 0 : i32
        %dma_start3A_223 = tpu.memref_slice %arg7[%add3A_221, %dma_start3A_222] : memref<50x40xi32, #tpu.memory_space<vmem>> -> memref<1x40xi32, #tpu.memory_space<vmem>>
        %dma_start3A_224 = tpu.memref_squeeze %dma_start3A_223 : memref<1x40xi32, #tpu.memory_space<vmem>> -> memref<40xi32, #tpu.memory_space<vmem>>
        %dma_start3A_225 = arith.constant 0 : i32
        %dma_start3A_226 = arith.constant 0 : i32
        %dma_start3A_227 = tpu.memref_slice %arg5[%dma_start3A_225, %dma_start3A_226] : memref<10240x128xf32, #tpu.memory_space<vmem_shared>> -> memref<10240x128xf32, #tpu.memory_space<vmem_shared>>
        tpu.enqueue_indirect_dma source(%arg9 : memref<40x128xf32, #tpu.memory_space<vmem>>) target(%dma_start3A_227 : memref<10240x128xf32, #tpu.memory_space<vmem_shared>>) offsets(%dma_start3A_224 : memref<40xi32, #tpu.memory_space<vmem>>) semaphore(%arg17 : memref<!tpu.dma_semaphore, #tpu.memory_space<semaphore_mem>>) {add = true}
        %dma_wait3A_228 = arith.constant 0 : i32
        %dma_wait3A_229 = tpu.memref_slice %arg7[%mul3A_211, %dma_wait3A_228] : memref<50x40xi32, #tpu.memory_space<vmem>> -> memref<1x40xi32, #tpu.memory_space<vmem>>
        %dma_wait3A_230 = tpu.memref_squeeze %dma_wait3A_229 : memref<1x40xi32, #tpu.memory_space<vmem>> -> memref<40xi32, #tpu.memory_space<vmem>>
        %dma_wait3A_231 = arith.constant 0 : i32
        %dma_wait3A_232 = arith.constant 0 : i32
        %dma_wait3A_233 = tpu.memref_slice %arg5[%dma_wait3A_231, %dma_wait3A_232] : memref<10240x128xf32, #tpu.memory_space<vmem_shared>> -> memref<10240x128xf32, #tpu.memory_space<vmem_shared>>
        tpu.wait_indirect_dma semaphore(%arg16 : memref<!tpu.dma_semaphore, #tpu.memory_space<semaphore_mem>>) src(%arg8 : memref<40x128xf32, #tpu.memory_space<vmem>>) dst(%dma_wait3A_233 : memref<10240x128xf32, #tpu.memory_space<vmem_shared>>)
        %add3A_234 = arith.constant 4 : i32
        %add3A_235 = arith.addi %mul3A_211, %add3A_234 : i32
        %dma_start3A_236 = arith.constant 0 : i32
        %dma_start3A_237 = tpu.memref_slice %arg6[%add3A_235, %dma_start3A_236] : memref<50x40xi32, #tpu.memory_space<vmem>> -> memref<1x40xi32, #tpu.memory_space<vmem>>
        %dma_start3A_238 = tpu.memref_squeeze %dma_start3A_237 : memref<1x40xi32, #tpu.memory_space<vmem>> -> memref<40xi32, #tpu.memory_space<vmem>>
        %dma_start3A_239 = arith.constant 0 : i32
        %dma_start3A_240 = arith.constant 0 : i32
        %dma_start3A_241 = tpu.memref_slice %arg2[%dma_start3A_239, %dma_start3A_240] : memref<10000x128xf32, #tpu.memory_space<hbm>> -> memref<10000x128xf32, #tpu.memory_space<hbm>>
        tpu.enqueue_indirect_dma source(%dma_start3A_241 : memref<10000x128xf32, #tpu.memory_space<hbm>>) target(%arg8 : memref<40x128xf32, #tpu.memory_space<vmem>>) offsets(%dma_start3A_238 : memref<40xi32, #tpu.memory_space<vmem>>) semaphore(%arg12 : memref<!tpu.dma_semaphore, #tpu.memory_space<semaphore_mem>>)
        %add3A_242 = arith.constant 2 : i32
        %add3A_243 = arith.addi %mul3A_211, %add3A_242 : i32
        %dma_wait3A_244 = arith.constant 0 : i32
        %dma_wait3A_245 = tpu.memref_slice %arg6[%add3A_243, %dma_wait3A_244] : memref<50x40xi32, #tpu.memory_space<vmem>> -> memref<1x40xi32, #tpu.memory_space<vmem>>
        %dma_wait3A_246 = tpu.memref_squeeze %dma_wait3A_245 : memref<1x40xi32, #tpu.memory_space<vmem>> -> memref<40xi32, #tpu.memory_space<vmem>>
        %dma_wait3A_247 = arith.constant 0 : i32
        %dma_wait3A_248 = arith.constant 0 : i32
        %dma_wait3A_249 = tpu.memref_slice %arg2[%dma_wait3A_247, %dma_wait3A_248] : memref<10000x128xf32, #tpu.memory_space<hbm>> -> memref<10000x128xf32, #tpu.memory_space<hbm>>
        tpu.wait_indirect_dma semaphore(%arg14 : memref<!tpu.dma_semaphore, #tpu.memory_space<semaphore_mem>>) src(%dma_wait3A_249 : memref<10000x128xf32, #tpu.memory_space<hbm>>) dst(%arg10 : memref<40x128xf32, #tpu.memory_space<vmem>>)
        %add3A_250 = arith.constant 2 : i32
        %add3A_251 = arith.addi %mul3A_211, %add3A_250 : i32
        %dma_start3A_252 = arith.constant 0 : i32
        %dma_start3A_253 = tpu.memref_slice %arg7[%add3A_251, %dma_start3A_252] : memref<50x40xi32, #tpu.memory_space<vmem>> -> memref<1x40xi32, #tpu.memory_space<vmem>>
        %dma_start3A_254 = tpu.memref_squeeze %dma_start3A_253 : memref<1x40xi32, #tpu.memory_space<vmem>> -> memref<40xi32, #tpu.memory_space<vmem>>
        %dma_start3A_255 = arith.constant 0 : i32
        %dma_start3A_256 = arith.constant 0 : i32
        %dma_start3A_257 = tpu.memref_slice %arg5[%dma_start3A_255, %dma_start3A_256] : memref<10240x128xf32, #tpu.memory_space<vmem_shared>> -> memref<10240x128xf32, #tpu.memory_space<vmem_shared>>
        tpu.enqueue_indirect_dma source(%arg10 : memref<40x128xf32, #tpu.memory_space<vmem>>) target(%dma_start3A_257 : memref<10240x128xf32, #tpu.memory_space<vmem_shared>>) offsets(%dma_start3A_254 : memref<40xi32, #tpu.memory_space<vmem>>) semaphore(%arg18 : memref<!tpu.dma_semaphore, #tpu.memory_space<semaphore_mem>>) {add = true}
        %add3A_258 = arith.constant 1 : i32
        %add3A_259 = arith.addi %mul3A_211, %add3A_258 : i32
        %dma_wait3A_260 = arith.constant 0 : i32
        %dma_wait3A_261 = tpu.memref_slice %arg7[%add3A_259, %dma_wait3A_260] : memref<50x40xi32, #tpu.memory_space<vmem>> -> memref<1x40xi32, #tpu.memory_space<vmem>>
        %dma_wait3A_262 = tpu.memref_squeeze %dma_wait3A_261 : memref<1x40xi32, #tpu.memory_space<vmem>> -> memref<40xi32, #tpu.memory_space<vmem>>
        %dma_wait3A_263 = arith.constant 0 : i32
        %dma_wait3A_264 = arith.constant 0 : i32
        %dma_wait3A_265 = tpu.memref_slice %arg5[%dma_wait3A_263, %dma_wait3A_264] : memref<10240x128xf32, #tpu.memory_space<vmem_shared>> -> memref<10240x128xf32, #tpu.memory_space<vmem_shared>>
        tpu.wait_indirect_dma semaphore(%arg17 : memref<!tpu.dma_semaphore, #tpu.memory_space<semaphore_mem>>) src(%arg9 : memref<40x128xf32, #tpu.memory_space<vmem>>) dst(%dma_wait3A_265 : memref<10240x128xf32, #tpu.memory_space<vmem_shared>>)
        %add3A_266 = arith.constant 5 : i32
        %add3A_267 = arith.addi %mul3A_211, %add3A_266 : i32
        %dma_start3A_268 = arith.constant 0 : i32
        %dma_start3A_269 = tpu.memref_slice %arg6[%add3A_267, %dma_start3A_268] : memref<50x40xi32, #tpu.memory_space<vmem>> -> memref<1x40xi32, #tpu.memory_space<vmem>>
        %dma_start3A_270 = tpu.memref_squeeze %dma_start3A_269 : memref<1x40xi32, #tpu.memory_space<vmem>> -> memref<40xi32, #tpu.memory_space<vmem>>
        %dma_start3A_271 = arith.constant 0 : i32
        %dma_start3A_272 = arith.constant 0 : i32
        %dma_start3A_273 = tpu.memref_slice %arg2[%dma_start3A_271, %dma_start3A_272] : memref<10000x128xf32, #tpu.memory_space<hbm>> -> memref<10000x128xf32, #tpu.memory_space<hbm>>
        tpu.enqueue_indirect_dma source(%dma_start3A_273 : memref<10000x128xf32, #tpu.memory_space<hbm>>) target(%arg9 : memref<40x128xf32, #tpu.memory_space<vmem>>) offsets(%dma_start3A_270 : memref<40xi32, #tpu.memory_space<vmem>>) semaphore(%arg13 : memref<!tpu.dma_semaphore, #tpu.memory_space<semaphore_mem>>)
        %add3A_274 = arith.constant 3 : i32
        %add3A_275 = arith.addi %mul3A_211, %add3A_274 : i32
        %dma_wait3A_276 = arith.constant 0 : i32
        %dma_wait3A_277 = tpu.memref_slice %arg6[%add3A_275, %dma_wait3A_276] : memref<50x40xi32, #tpu.memory_space<vmem>> -> memref<1x40xi32, #tpu.memory_space<vmem>>
        %dma_wait3A_278 = tpu.memref_squeeze %dma_wait3A_277 : memref<1x40xi32, #tpu.memory_space<vmem>> -> memref<40xi32, #tpu.memory_space<vmem>>
        %dma_wait3A_279 = arith.constant 0 : i32
        %dma_wait3A_280 = arith.constant 0 : i32
        %dma_wait3A_281 = tpu.memref_slice %arg2[%dma_wait3A_279, %dma_wait3A_280] : memref<10000x128xf32, #tpu.memory_space<hbm>> -> memref<10000x128xf32, #tpu.memory_space<hbm>>
        tpu.wait_indirect_dma semaphore(%arg15 : memref<!tpu.dma_semaphore, #tpu.memory_space<semaphore_mem>>) src(%dma_wait3A_281 : memref<10000x128xf32, #tpu.memory_space<hbm>>) dst(%arg11 : memref<40x128xf32, #tpu.memory_space<vmem>>)
        %add3A_282 = arith.constant 3 : i32
        %add3A_283 = arith.addi %mul3A_211, %add3A_282 : i32
        %dma_start3A_284 = arith.constant 0 : i32
        %dma_start3A_285 = tpu.memref_slice %arg7[%add3A_283, %dma_start3A_284] : memref<50x40xi32, #tpu.memory_space<vmem>> -> memref<1x40xi32, #tpu.memory_space<vmem>>
        %dma_start3A_286 = tpu.memref_squeeze %dma_start3A_285 : memref<1x40xi32, #tpu.memory_space<vmem>> -> memref<40xi32, #tpu.memory_space<vmem>>
        %dma_start3A_287 = arith.constant 0 : i32
        %dma_start3A_288 = arith.constant 0 : i32
        %dma_start3A_289 = tpu.memref_slice %arg5[%dma_start3A_287, %dma_start3A_288] : memref<10240x128xf32, #tpu.memory_space<vmem_shared>> -> memref<10240x128xf32, #tpu.memory_space<vmem_shared>>
        tpu.enqueue_indirect_dma source(%arg11 : memref<40x128xf32, #tpu.memory_space<vmem>>) target(%dma_start3A_289 : memref<10240x128xf32, #tpu.memory_space<vmem_shared>>) offsets(%dma_start3A_286 : memref<40xi32, #tpu.memory_space<vmem>>) semaphore(%arg19 : memref<!tpu.dma_semaphore, #tpu.memory_space<semaphore_mem>>) {add = true}
        %add3A_290 = arith.constant 2 : i32
        %add3A_291 = arith.addi %mul3A_211, %add3A_290 : i32
        %dma_wait3A_292 = arith.constant 0 : i32
        %dma_wait3A_293 = tpu.memref_slice %arg7[%add3A_291, %dma_wait3A_292] : memref<50x40xi32, #tpu.memory_space<vmem>> -> memref<1x40xi32, #tpu.memory_space<vmem>>
        %dma_wait3A_294 = tpu.memref_squeeze %dma_wait3A_293 : memref<1x40xi32, #tpu.memory_space<vmem>> -> memref<40xi32, #tpu.memory_space<vmem>>
        %dma_wait3A_295 = arith.constant 0 : i32
        %dma_wait3A_296 = arith.constant 0 : i32
        %dma_wait3A_297 = tpu.memref_slice %arg5[%dma_wait3A_295, %dma_wait3A_296] : memref<10240x128xf32, #tpu.memory_space<vmem_shared>> -> memref<10240x128xf32, #tpu.memory_space<vmem_shared>>
        tpu.wait_indirect_dma semaphore(%arg18 : memref<!tpu.dma_semaphore, #tpu.memory_space<semaphore_mem>>) src(%arg10 : memref<40x128xf32, #tpu.memory_space<vmem>>) dst(%dma_wait3A_297 : memref<10240x128xf32, #tpu.memory_space<vmem_shared>>)
        %add3A_298 = arith.constant 6 : i32
        %add3A_299 = arith.addi %mul3A_211, %add3A_298 : i32
        %dma_start3A_300 = arith.constant 0 : i32
        %dma_start3A_301 = tpu.memref_slice %arg6[%add3A_299, %dma_start3A_300] : memref<50x40xi32, #tpu.memory_space<vmem>> -> memref<1x40xi32, #tpu.memory_space<vmem>>
        %dma_start3A_302 = tpu.memref_squeeze %dma_start3A_301 : memref<1x40xi32, #tpu.memory_space<vmem>> -> memref<40xi32, #tpu.memory_space<vmem>>
        %dma_start3A_303 = arith.constant 0 : i32
        %dma_start3A_304 = arith.constant 0 : i32
        %dma_start3A_305 = tpu.memref_slice %arg2[%dma_start3A_303, %dma_start3A_304] : memref<10000x128xf32, #tpu.memory_space<hbm>> -> memref<10000x128xf32, #tpu.memory_space<hbm>>
        tpu.enqueue_indirect_dma source(%dma_start3A_305 : memref<10000x128xf32, #tpu.memory_space<hbm>>) target(%arg10 : memref<40x128xf32, #tpu.memory_space<vmem>>) offsets(%dma_start3A_302 : memref<40xi32, #tpu.memory_space<vmem>>) semaphore(%arg14 : memref<!tpu.dma_semaphore, #tpu.memory_space<semaphore_mem>>)
        %add3A_306 = arith.constant 4 : i32
        %add3A_307 = arith.addi %mul3A_211, %add3A_306 : i32
        %dma_wait3A_308 = arith.constant 0 : i32
        %dma_wait3A_309 = tpu.memref_slice %arg6[%add3A_307, %dma_wait3A_308] : memref<50x40xi32, #tpu.memory_space<vmem>> -> memref<1x40xi32, #tpu.memory_space<vmem>>
        %dma_wait3A_310 = tpu.memref_squeeze %dma_wait3A_309 : memref<1x40xi32, #tpu.memory_space<vmem>> -> memref<40xi32, #tpu.memory_space<vmem>>
        %dma_wait3A_311 = arith.constant 0 : i32
        %dma_wait3A_312 = arith.constant 0 : i32
        %dma_wait3A_313 = tpu.memref_slice %arg2[%dma_wait3A_311, %dma_wait3A_312] : memref<10000x128xf32, #tpu.memory_space<hbm>> -> memref<10000x128xf32, #tpu.memory_space<hbm>>
        tpu.wait_indirect_dma semaphore(%arg12 : memref<!tpu.dma_semaphore, #tpu.memory_space<semaphore_mem>>) src(%dma_wait3A_313 : memref<10000x128xf32, #tpu.memory_space<hbm>>) dst(%arg8 : memref<40x128xf32, #tpu.memory_space<vmem>>)
        %add3A_314 = arith.constant 4 : i32
        %add3A_315 = arith.addi %mul3A_211, %add3A_314 : i32
        %dma_start3A_316 = arith.constant 0 : i32
        %dma_start3A_317 = tpu.memref_slice %arg7[%add3A_315, %dma_start3A_316] : memref<50x40xi32, #tpu.memory_space<vmem>> -> memref<1x40xi32, #tpu.memory_space<vmem>>
        %dma_start3A_318 = tpu.memref_squeeze %dma_start3A_317 : memref<1x40xi32, #tpu.memory_space<vmem>> -> memref<40xi32, #tpu.memory_space<vmem>>
        %dma_start3A_319 = arith.constant 0 : i32
        %dma_start3A_320 = arith.constant 0 : i32
        %dma_start3A_321 = tpu.memref_slice %arg5[%dma_start3A_319, %dma_start3A_320] : memref<10240x128xf32, #tpu.memory_space<vmem_shared>> -> memref<10240x128xf32, #tpu.memory_space<vmem_shared>>
        tpu.enqueue_indirect_dma source(%arg8 : memref<40x128xf32, #tpu.memory_space<vmem>>) target(%dma_start3A_321 : memref<10240x128xf32, #tpu.memory_space<vmem_shared>>) offsets(%dma_start3A_318 : memref<40xi32, #tpu.memory_space<vmem>>) semaphore(%arg16 : memref<!tpu.dma_semaphore, #tpu.memory_space<semaphore_mem>>) {add = true}
        %add3A_322 = arith.constant 3 : i32
        %add3A_323 = arith.addi %mul3A_211, %add3A_322 : i32
        %dma_wait3A_324 = arith.constant 0 : i32
        %dma_wait3A_325 = tpu.memref_slice %arg7[%add3A_323, %dma_wait3A_324] : memref<50x40xi32, #tpu.memory_space<vmem>> -> memref<1x40xi32, #tpu.memory_space<vmem>>
        %dma_wait3A_326 = tpu.memref_squeeze %dma_wait3A_325 : memref<1x40xi32, #tpu.memory_space<vmem>> -> memref<40xi32, #tpu.memory_space<vmem>>
        %dma_wait3A_327 = arith.constant 0 : i32
        %dma_wait3A_328 = arith.constant 0 : i32
        %dma_wait3A_329 = tpu.memref_slice %arg5[%dma_wait3A_327, %dma_wait3A_328] : memref<10240x128xf32, #tpu.memory_space<vmem_shared>> -> memref<10240x128xf32, #tpu.memory_space<vmem_shared>>
        tpu.wait_indirect_dma semaphore(%arg19 : memref<!tpu.dma_semaphore, #tpu.memory_space<semaphore_mem>>) src(%arg11 : memref<40x128xf32, #tpu.memory_space<vmem>>) dst(%dma_wait3A_329 : memref<10240x128xf32, #tpu.memory_space<vmem_shared>>)
        %add3A_330 = arith.constant 7 : i32
        %add3A_331 = arith.addi %mul3A_211, %add3A_330 : i32
        %dma_start3A_332 = arith.constant 0 : i32
        %dma_start3A_333 = tpu.memref_slice %arg6[%add3A_331, %dma_start3A_332] : memref<50x40xi32, #tpu.memory_space<vmem>> -> memref<1x40xi32, #tpu.memory_space<vmem>>
        %dma_start3A_334 = tpu.memref_squeeze %dma_start3A_333 : memref<1x40xi32, #tpu.memory_space<vmem>> -> memref<40xi32, #tpu.memory_space<vmem>>
        %dma_start3A_335 = arith.constant 0 : i32
        %dma_start3A_336 = arith.constant 0 : i32
        %dma_start3A_337 = tpu.memref_slice %arg2[%dma_start3A_335, %dma_start3A_336] : memref<10000x128xf32, #tpu.memory_space<hbm>> -> memref<10000x128xf32, #tpu.memory_space<hbm>>
        tpu.enqueue_indirect_dma source(%dma_start3A_337 : memref<10000x128xf32, #tpu.memory_space<hbm>>) target(%arg11 : memref<40x128xf32, #tpu.memory_space<vmem>>) offsets(%dma_start3A_334 : memref<40xi32, #tpu.memory_space<vmem>>) semaphore(%arg15 : memref<!tpu.dma_semaphore, #tpu.memory_space<semaphore_mem>>)
        %scan3A_338 = arith.constant 0 : i32
        scf.yield %scan3A_338 : i32
      }
      %scan3A_80 = arith.constant 11 : i32
      %dma_wait3A_81 = arith.constant 45 : i32
      %dma_wait3A_82 = arith.constant 0 : i32
      %dma_wait3A_83 = tpu.memref_slice %arg6[%dma_wait3A_81, %dma_wait3A_82] : memref<50x40xi32, #tpu.memory_space<vmem>> -> memref<1x40xi32, #tpu.memory_space<vmem>>
      %dma_wait3A_84 = tpu.memref_squeeze %dma_wait3A_83 : memref<1x40xi32, #tpu.memory_space<vmem>> -> memref<40xi32, #tpu.memory_space<vmem>>
      %dma_wait3A_85 = arith.constant 0 : i32
      %dma_wait3A_86 = arith.constant 0 : i32
      %dma_wait3A_87 = tpu.memref_slice %arg2[%dma_wait3A_85, %dma_wait3A_86] : memref<10000x128xf32, #tpu.memory_space<hbm>> -> memref<10000x128xf32, #tpu.memory_space<hbm>>
      tpu.wait_indirect_dma semaphore(%arg13 : memref<!tpu.dma_semaphore, #tpu.memory_space<semaphore_mem>>) src(%dma_wait3A_87 : memref<10000x128xf32, #tpu.memory_space<hbm>>) dst(%arg9 : memref<40x128xf32, #tpu.memory_space<vmem>>)
      %dma_start3A_88 = arith.constant 45 : i32
      %dma_start3A_89 = arith.constant 0 : i32
      %dma_start3A_90 = tpu.memref_slice %arg7[%dma_start3A_88, %dma_start3A_89] : memref<50x40xi32, #tpu.memory_space<vmem>> -> memref<1x40xi32, #tpu.memory_space<vmem>>
      %dma_start3A_91 = tpu.memref_squeeze %dma_start3A_90 : memref<1x40xi32, #tpu.memory_space<vmem>> -> memref<40xi32, #tpu.memory_space<vmem>>
      %dma_start3A_92 = arith.constant 0 : i32
      %dma_start3A_93 = arith.constant 0 : i32
      %dma_start3A_94 = tpu.memref_slice %arg5[%dma_start3A_92, %dma_start3A_93] : memref<10240x128xf32, #tpu.memory_space<vmem_shared>> -> memref<10240x128xf32, #tpu.memory_space<vmem_shared>>
      tpu.enqueue_indirect_dma source(%arg9 : memref<40x128xf32, #tpu.memory_space<vmem>>) target(%dma_start3A_94 : memref<10240x128xf32, #tpu.memory_space<vmem_shared>>) offsets(%dma_start3A_91 : memref<40xi32, #tpu.memory_space<vmem>>) semaphore(%arg17 : memref<!tpu.dma_semaphore, #tpu.memory_space<semaphore_mem>>) {add = true}
      %dma_wait3A_95 = arith.constant 44 : i32
      %dma_wait3A_96 = arith.constant 0 : i32
      %dma_wait3A_97 = tpu.memref_slice %arg7[%dma_wait3A_95, %dma_wait3A_96] : memref<50x40xi32, #tpu.memory_space<vmem>> -> memref<1x40xi32, #tpu.memory_space<vmem>>
      %dma_wait3A_98 = tpu.memref_squeeze %dma_wait3A_97 : memref<1x40xi32, #tpu.memory_space<vmem>> -> memref<40xi32, #tpu.memory_space<vmem>>
      %dma_wait3A_99 = arith.constant 0 : i32
      %dma_wait3A_100 = arith.constant 0 : i32
      %dma_wait3A_101 = tpu.memref_slice %arg5[%dma_wait3A_99, %dma_wait3A_100] : memref<10240x128xf32, #tpu.memory_space<vmem_shared>> -> memref<10240x128xf32, #tpu.memory_space<vmem_shared>>
      tpu.wait_indirect_dma semaphore(%arg16 : memref<!tpu.dma_semaphore, #tpu.memory_space<semaphore_mem>>) src(%arg8 : memref<40x128xf32, #tpu.memory_space<vmem>>) dst(%dma_wait3A_101 : memref<10240x128xf32, #tpu.memory_space<vmem_shared>>)
      %dma_start3A_102 = arith.constant 48 : i32
      %dma_start3A_103 = arith.constant 0 : i32
      %dma_start3A_104 = tpu.memref_slice %arg6[%dma_start3A_102, %dma_start3A_103] : memref<50x40xi32, #tpu.memory_space<vmem>> -> memref<1x40xi32, #tpu.memory_space<vmem>>
      %dma_start3A_105 = tpu.memref_squeeze %dma_start3A_104 : memref<1x40xi32, #tpu.memory_space<vmem>> -> memref<40xi32, #tpu.memory_space<vmem>>
      %dma_start3A_106 = arith.constant 0 : i32
      %dma_start3A_107 = arith.constant 0 : i32
      %dma_start3A_108 = tpu.memref_slice %arg2[%dma_start3A_106, %dma_start3A_107] : memref<10000x128xf32, #tpu.memory_space<hbm>> -> memref<10000x128xf32, #tpu.memory_space<hbm>>
      tpu.enqueue_indirect_dma source(%dma_start3A_108 : memref<10000x128xf32, #tpu.memory_space<hbm>>) target(%arg8 : memref<40x128xf32, #tpu.memory_space<vmem>>) offsets(%dma_start3A_105 : memref<40xi32, #tpu.memory_space<vmem>>) semaphore(%arg12 : memref<!tpu.dma_semaphore, #tpu.memory_space<semaphore_mem>>)
      %dma_wait3A_109 = arith.constant 46 : i32
      %dma_wait3A_110 = arith.constant 0 : i32
      %dma_wait3A_111 = tpu.memref_slice %arg6[%dma_wait3A_109, %dma_wait3A_110] : memref<50x40xi32, #tpu.memory_space<vmem>> -> memref<1x40xi32, #tpu.memory_space<vmem>>
      %dma_wait3A_112 = tpu.memref_squeeze %dma_wait3A_111 : memref<1x40xi32, #tpu.memory_space<vmem>> -> memref<40xi32, #tpu.memory_space<vmem>>
      %dma_wait3A_113 = arith.constant 0 : i32
      %dma_wait3A_114 = arith.constant 0 : i32
      %dma_wait3A_115 = tpu.memref_slice %arg2[%dma_wait3A_113, %dma_wait3A_114] : memref<10000x128xf32, #tpu.memory_space<hbm>> -> memref<10000x128xf32, #tpu.memory_space<hbm>>
      tpu.wait_indirect_dma semaphore(%arg14 : memref<!tpu.dma_semaphore, #tpu.memory_space<semaphore_mem>>) src(%dma_wait3A_115 : memref<10000x128xf32, #tpu.memory_space<hbm>>) dst(%arg10 : memref<40x128xf32, #tpu.memory_space<vmem>>)
      %dma_start3A_116 = arith.constant 46 : i32
      %dma_start3A_117 = arith.constant 0 : i32
      %dma_start3A_118 = tpu.memref_slice %arg7[%dma_start3A_116, %dma_start3A_117] : memref<50x40xi32, #tpu.memory_space<vmem>> -> memref<1x40xi32, #tpu.memory_space<vmem>>
      %dma_start3A_119 = tpu.memref_squeeze %dma_start3A_118 : memref<1x40xi32, #tpu.memory_space<vmem>> -> memref<40xi32, #tpu.memory_space<vmem>>
      %dma_start3A_120 = arith.constant 0 : i32
      %dma_start3A_121 = arith.constant 0 : i32
      %dma_start3A_122 = tpu.memref_slice %arg5[%dma_start3A_120, %dma_start3A_121] : memref<10240x128xf32, #tpu.memory_space<vmem_shared>> -> memref<10240x128xf32, #tpu.memory_space<vmem_shared>>
      tpu.enqueue_indirect_dma source(%arg10 : memref<40x128xf32, #tpu.memory_space<vmem>>) target(%dma_start3A_122 : memref<10240x128xf32, #tpu.memory_space<vmem_shared>>) offsets(%dma_start3A_119 : memref<40xi32, #tpu.memory_space<vmem>>) semaphore(%arg18 : memref<!tpu.dma_semaphore, #tpu.memory_space<semaphore_mem>>) {add = true}
      %dma_wait3A_123 = arith.constant 45 : i32
      %dma_wait3A_124 = arith.constant 0 : i32
      %dma_wait3A_125 = tpu.memref_slice %arg7[%dma_wait3A_123, %dma_wait3A_124] : memref<50x40xi32, #tpu.memory_space<vmem>> -> memref<1x40xi32, #tpu.memory_space<vmem>>
      %dma_wait3A_126 = tpu.memref_squeeze %dma_wait3A_125 : memref<1x40xi32, #tpu.memory_space<vmem>> -> memref<40xi32, #tpu.memory_space<vmem>>
      %dma_wait3A_127 = arith.constant 0 : i32
      %dma_wait3A_128 = arith.constant 0 : i32
      %dma_wait3A_129 = tpu.memref_slice %arg5[%dma_wait3A_127, %dma_wait3A_128] : memref<10240x128xf32, #tpu.memory_space<vmem_shared>> -> memref<10240x128xf32, #tpu.memory_space<vmem_shared>>
      tpu.wait_indirect_dma semaphore(%arg17 : memref<!tpu.dma_semaphore, #tpu.memory_space<semaphore_mem>>) src(%arg9 : memref<40x128xf32, #tpu.memory_space<vmem>>) dst(%dma_wait3A_129 : memref<10240x128xf32, #tpu.memory_space<vmem_shared>>)
      %dma_start3A_130 = arith.constant 49 : i32
      %dma_start3A_131 = arith.constant 0 : i32
      %dma_start3A_132 = tpu.memref_slice %arg6[%dma_start3A_130, %dma_start3A_131] : memref<50x40xi32, #tpu.memory_space<vmem>> -> memref<1x40xi32, #tpu.memory_space<vmem>>
      %dma_start3A_133 = tpu.memref_squeeze %dma_start3A_132 : memref<1x40xi32, #tpu.memory_space<vmem>> -> memref<40xi32, #tpu.memory_space<vmem>>
      %dma_start3A_134 = arith.constant 0 : i32
      %dma_start3A_135 = arith.constant 0 : i32
      %dma_start3A_136 = tpu.memref_slice %arg2[%dma_start3A_134, %dma_start3A_135] : memref<10000x128xf32, #tpu.memory_space<hbm>> -> memref<10000x128xf32, #tpu.memory_space<hbm>>
      tpu.enqueue_indirect_dma source(%dma_start3A_136 : memref<10000x128xf32, #tpu.memory_space<hbm>>) target(%arg9 : memref<40x128xf32, #tpu.memory_space<vmem>>) offsets(%dma_start3A_133 : memref<40xi32, #tpu.memory_space<vmem>>) semaphore(%arg13 : memref<!tpu.dma_semaphore, #tpu.memory_space<semaphore_mem>>)
      %dma_wait3A_137 = arith.constant 47 : i32
      %dma_wait3A_138 = arith.constant 0 : i32
      %dma_wait3A_139 = tpu.memref_slice %arg6[%dma_wait3A_137, %dma_wait3A_138] : memref<50x40xi32, #tpu.memory_space<vmem>> -> memref<1x40xi32, #tpu.memory_space<vmem>>
      %dma_wait3A_140 = tpu.memref_squeeze %dma_wait3A_139 : memref<1x40xi32, #tpu.memory_space<vmem>> -> memref<40xi32, #tpu.memory_space<vmem>>
      %dma_wait3A_141 = arith.constant 0 : i32
      %dma_wait3A_142 = arith.constant 0 : i32
      %dma_wait3A_143 = tpu.memref_slice %arg2[%dma_wait3A_141, %dma_wait3A_142] : memref<10000x128xf32, #tpu.memory_space<hbm>> -> memref<10000x128xf32, #tpu.memory_space<hbm>>
      tpu.wait_indirect_dma semaphore(%arg15 : memref<!tpu.dma_semaphore, #tpu.memory_space<semaphore_mem>>) src(%dma_wait3A_143 : memref<10000x128xf32, #tpu.memory_space<hbm>>) dst(%arg11 : memref<40x128xf32, #tpu.memory_space<vmem>>)
      %dma_start3A_144 = arith.constant 47 : i32
      %dma_start3A_145 = arith.constant 0 : i32
      %dma_start3A_146 = tpu.memref_slice %arg7[%dma_start3A_144, %dma_start3A_145] : memref<50x40xi32, #tpu.memory_space<vmem>> -> memref<1x40xi32, #tpu.memory_space<vmem>>
      %dma_start3A_147 = tpu.memref_squeeze %dma_start3A_146 : memref<1x40xi32, #tpu.memory_space<vmem>> -> memref<40xi32, #tpu.memory_space<vmem>>
      %dma_start3A_148 = arith.constant 0 : i32
      %dma_start3A_149 = arith.constant 0 : i32
      %dma_start3A_150 = tpu.memref_slice %arg5[%dma_start3A_148, %dma_start3A_149] : memref<10240x128xf32, #tpu.memory_space<vmem_shared>> -> memref<10240x128xf32, #tpu.memory_space<vmem_shared>>
      tpu.enqueue_indirect_dma source(%arg11 : memref<40x128xf32, #tpu.memory_space<vmem>>) target(%dma_start3A_150 : memref<10240x128xf32, #tpu.memory_space<vmem_shared>>) offsets(%dma_start3A_147 : memref<40xi32, #tpu.memory_space<vmem>>) semaphore(%arg19 : memref<!tpu.dma_semaphore, #tpu.memory_space<semaphore_mem>>) {add = true}
      %dma_wait3A_151 = arith.constant 46 : i32
      %dma_wait3A_152 = arith.constant 0 : i32
      %dma_wait3A_153 = tpu.memref_slice %arg7[%dma_wait3A_151, %dma_wait3A_152] : memref<50x40xi32, #tpu.memory_space<vmem>> -> memref<1x40xi32, #tpu.memory_space<vmem>>
      %dma_wait3A_154 = tpu.memref_squeeze %dma_wait3A_153 : memref<1x40xi32, #tpu.memory_space<vmem>> -> memref<40xi32, #tpu.memory_space<vmem>>
      %dma_wait3A_155 = arith.constant 0 : i32
      %dma_wait3A_156 = arith.constant 0 : i32
      %dma_wait3A_157 = tpu.memref_slice %arg5[%dma_wait3A_155, %dma_wait3A_156] : memref<10240x128xf32, #tpu.memory_space<vmem_shared>> -> memref<10240x128xf32, #tpu.memory_space<vmem_shared>>
      tpu.wait_indirect_dma semaphore(%arg18 : memref<!tpu.dma_semaphore, #tpu.memory_space<semaphore_mem>>) src(%arg10 : memref<40x128xf32, #tpu.memory_space<vmem>>) dst(%dma_wait3A_157 : memref<10240x128xf32, #tpu.memory_space<vmem_shared>>)
      %dma_wait3A_158 = arith.constant 48 : i32
      %dma_wait3A_159 = arith.constant 0 : i32
      %dma_wait3A_160 = tpu.memref_slice %arg6[%dma_wait3A_158, %dma_wait3A_159] : memref<50x40xi32, #tpu.memory_space<vmem>> -> memref<1x40xi32, #tpu.memory_space<vmem>>
      %dma_wait3A_161 = tpu.memref_squeeze %dma_wait3A_160 : memref<1x40xi32, #tpu.memory_space<vmem>> -> memref<40xi32, #tpu.memory_space<vmem>>
      %dma_wait3A_162 = arith.constant 0 : i32
      %dma_wait3A_163 = arith.constant 0 : i32
      %dma_wait3A_164 = tpu.memref_slice %arg2[%dma_wait3A_162, %dma_wait3A_163] : memref<10000x128xf32, #tpu.memory_space<hbm>> -> memref<10000x128xf32, #tpu.memory_space<hbm>>
      tpu.wait_indirect_dma semaphore(%arg12 : memref<!tpu.dma_semaphore, #tpu.memory_space<semaphore_mem>>) src(%dma_wait3A_164 : memref<10000x128xf32, #tpu.memory_space<hbm>>) dst(%arg8 : memref<40x128xf32, #tpu.memory_space<vmem>>)
      %dma_start3A_165 = arith.constant 48 : i32
      %dma_start3A_166 = arith.constant 0 : i32
      %dma_start3A_167 = tpu.memref_slice %arg7[%dma_start3A_165, %dma_start3A_166] : memref<50x40xi32, #tpu.memory_space<vmem>> -> memref<1x40xi32, #tpu.memory_space<vmem>>
      %dma_start3A_168 = tpu.memref_squeeze %dma_start3A_167 : memref<1x40xi32, #tpu.memory_space<vmem>> -> memref<40xi32, #tpu.memory_space<vmem>>
      %dma_start3A_169 = arith.constant 0 : i32
      %dma_start3A_170 = arith.constant 0 : i32
      %dma_start3A_171 = tpu.memref_slice %arg5[%dma_start3A_169, %dma_start3A_170] : memref<10240x128xf32, #tpu.memory_space<vmem_shared>> -> memref<10240x128xf32, #tpu.memory_space<vmem_shared>>
      tpu.enqueue_indirect_dma source(%arg8 : memref<40x128xf32, #tpu.memory_space<vmem>>) target(%dma_start3A_171 : memref<10240x128xf32, #tpu.memory_space<vmem_shared>>) offsets(%dma_start3A_168 : memref<40xi32, #tpu.memory_space<vmem>>) semaphore(%arg16 : memref<!tpu.dma_semaphore, #tpu.memory_space<semaphore_mem>>) {add = true}
      %dma_wait3A_172 = arith.constant 47 : i32
      %dma_wait3A_173 = arith.constant 0 : i32
      %dma_wait3A_174 = tpu.memref_slice %arg7[%dma_wait3A_172, %dma_wait3A_173] : memref<50x40xi32, #tpu.memory_space<vmem>> -> memref<1x40xi32, #tpu.memory_space<vmem>>
      %dma_wait3A_175 = tpu.memref_squeeze %dma_wait3A_174 : memref<1x40xi32, #tpu.memory_space<vmem>> -> memref<40xi32, #tpu.memory_space<vmem>>
      %dma_wait3A_176 = arith.constant 0 : i32
      %dma_wait3A_177 = arith.constant 0 : i32
      %dma_wait3A_178 = tpu.memref_slice %arg5[%dma_wait3A_176, %dma_wait3A_177] : memref<10240x128xf32, #tpu.memory_space<vmem_shared>> -> memref<10240x128xf32, #tpu.memory_space<vmem_shared>>
      tpu.wait_indirect_dma semaphore(%arg19 : memref<!tpu.dma_semaphore, #tpu.memory_space<semaphore_mem>>) src(%arg11 : memref<40x128xf32, #tpu.memory_space<vmem>>) dst(%dma_wait3A_178 : memref<10240x128xf32, #tpu.memory_space<vmem_shared>>)
      %dma_wait3A_179 = arith.constant 49 : i32
      %dma_wait3A_180 = arith.constant 0 : i32
      %dma_wait3A_181 = tpu.memref_slice %arg6[%dma_wait3A_179, %dma_wait3A_180] : memref<50x40xi32, #tpu.memory_space<vmem>> -> memref<1x40xi32, #tpu.memory_space<vmem>>
      %dma_wait3A_182 = tpu.memref_squeeze %dma_wait3A_181 : memref<1x40xi32, #tpu.memory_space<vmem>> -> memref<40xi32, #tpu.memory_space<vmem>>
      %dma_wait3A_183 = arith.constant 0 : i32
      %dma_wait3A_184 = arith.constant 0 : i32
      %dma_wait3A_185 = tpu.memref_slice %arg2[%dma_wait3A_183, %dma_wait3A_184] : memref<10000x128xf32, #tpu.memory_space<hbm>> -> memref<10000x128xf32, #tpu.memory_space<hbm>>
      tpu.wait_indirect_dma semaphore(%arg13 : memref<!tpu.dma_semaphore, #tpu.memory_space<semaphore_mem>>) src(%dma_wait3A_185 : memref<10000x128xf32, #tpu.memory_space<hbm>>) dst(%arg9 : memref<40x128xf32, #tpu.memory_space<vmem>>)
      %dma_start3A_186 = arith.constant 49 : i32
      %dma_start3A_187 = arith.constant 0 : i32
      %dma_start3A_188 = tpu.memref_slice %arg7[%dma_start3A_186, %dma_start3A_187] : memref<50x40xi32, #tpu.memory_space<vmem>> -> memref<1x40xi32, #tpu.memory_space<vmem>>
      %dma_start3A_189 = tpu.memref_squeeze %dma_start3A_188 : memref<1x40xi32, #tpu.memory_space<vmem>> -> memref<40xi32, #tpu.memory_space<vmem>>
      %dma_start3A_190 = arith.constant 0 : i32
      %dma_start3A_191 = arith.constant 0 : i32
      %dma_start3A_192 = tpu.memref_slice %arg5[%dma_start3A_190, %dma_start3A_191] : memref<10240x128xf32, #tpu.memory_space<vmem_shared>> -> memref<10240x128xf32, #tpu.memory_space<vmem_shared>>
      tpu.enqueue_indirect_dma source(%arg9 : memref<40x128xf32, #tpu.memory_space<vmem>>) target(%dma_start3A_192 : memref<10240x128xf32, #tpu.memory_space<vmem_shared>>) offsets(%dma_start3A_189 : memref<40xi32, #tpu.memory_space<vmem>>) semaphore(%arg17 : memref<!tpu.dma_semaphore, #tpu.memory_space<semaphore_mem>>) {add = true}
      %dma_wait3A_193 = arith.constant 48 : i32
      %dma_wait3A_194 = arith.constant 0 : i32
      %dma_wait3A_195 = tpu.memref_slice %arg7[%dma_wait3A_193, %dma_wait3A_194] : memref<50x40xi32, #tpu.memory_space<vmem>> -> memref<1x40xi32, #tpu.memory_space<vmem>>
      %dma_wait3A_196 = tpu.memref_squeeze %dma_wait3A_195 : memref<1x40xi32, #tpu.memory_space<vmem>> -> memref<40xi32, #tpu.memory_space<vmem>>
      %dma_wait3A_197 = arith.constant 0 : i32
      %dma_wait3A_198 = arith.constant 0 : i32
      %dma_wait3A_199 = tpu.memref_slice %arg5[%dma_wait3A_197, %dma_wait3A_198] : memref<10240x128xf32, #tpu.memory_space<vmem_shared>> -> memref<10240x128xf32, #tpu.memory_space<vmem_shared>>
      tpu.wait_indirect_dma semaphore(%arg16 : memref<!tpu.dma_semaphore, #tpu.memory_space<semaphore_mem>>) src(%arg8 : memref<40x128xf32, #tpu.memory_space<vmem>>) dst(%dma_wait3A_199 : memref<10240x128xf32, #tpu.memory_space<vmem_shared>>)
      %dma_wait3A_200 = arith.constant 49 : i32
      %dma_wait3A_201 = arith.constant 0 : i32
      %dma_wait3A_202 = tpu.memref_slice %arg7[%dma_wait3A_200, %dma_wait3A_201] : memref<50x40xi32, #tpu.memory_space<vmem>> -> memref<1x40xi32, #tpu.memory_space<vmem>>
      %dma_wait3A_203 = tpu.memref_squeeze %dma_wait3A_202 : memref<1x40xi32, #tpu.memory_space<vmem>> -> memref<40xi32, #tpu.memory_space<vmem>>
      %dma_wait3A_204 = arith.constant 0 : i32
      %dma_wait3A_205 = arith.constant 0 : i32
      %dma_wait3A_206 = tpu.memref_slice %arg5[%dma_wait3A_204, %dma_wait3A_205] : memref<10240x128xf32, #tpu.memory_space<vmem_shared>> -> memref<10240x128xf32, #tpu.memory_space<vmem_shared>>
      tpu.wait_indirect_dma semaphore(%arg17 : memref<!tpu.dma_semaphore, #tpu.memory_space<semaphore_mem>>) src(%arg9 : memref<40x128xf32, #tpu.memory_space<vmem>>) dst(%dma_wait3A_206 : memref<10240x128xf32, #tpu.memory_space<vmem_shared>>)
      %scan3A_207 = arith.constant 0 : i32
      scf.yield %scan3A_207 : i32
    }
    %scan3A_21 = arith.constant 5 : i32
    %barrier3A_22 = arith.constant 0 : index
    tpu.barrier barrier_id(%barrier3A_22)
    %mul3A_23 = arith.constant 640 : i32
    %mul3A_24 = arith.muli %arg1, %mul3A_23 : i32
    %mul3A_25 = arith.constant 640 : i32
    %mul3A_26 = arith.muli %arg1, %mul3A_25 : i32
    "tpu.region"() ({
      %run_scoped3A = tpu.sem_alloc : memref<!tpu.dma_semaphore, #tpu.memory_space<semaphore_mem>>
      %dma_start3A = arith.constant 0 : i32
      %dma_start3A_27 = tpu.memref_slice %arg4[%arg0, %mul3A_26, %dma_start3A] : memref<2x10240x128xf32, #tpu.memory_space<hbm>> -> memref<1x640x128xf32, #tpu.memory_space<hbm>>
      %dma_start3A_28 = tpu.memref_squeeze %dma_start3A_27 : memref<1x640x128xf32, #tpu.memory_space<hbm>> -> memref<640x128xf32, #tpu.memory_space<hbm>>
      %dma_start3A_29 = arith.constant 0 : i32
      %dma_start3A_30 = tpu.memref_slice %arg5[%mul3A_24, %dma_start3A_29] : memref<10240x128xf32, #tpu.memory_space<vmem_shared>> -> memref<640x128xf32, #tpu.memory_space<vmem_shared>>
      tpu.enqueue_dma source(%dma_start3A_30 : memref<640x128xf32, #tpu.memory_space<vmem_shared>>) target(%dma_start3A_28 : memref<640x128xf32, #tpu.memory_space<hbm>>) target_semaphore(%run_scoped3A : memref<!tpu.dma_semaphore, #tpu.memory_space<semaphore_mem>>)
      %dma_wait3A = arith.constant 0 : i32
      %dma_wait3A_31 = tpu.memref_slice %arg4[%arg0, %mul3A_26, %dma_wait3A] : memref<2x10240x128xf32, #tpu.memory_space<hbm>> -> memref<1x640x128xf32, #tpu.memory_space<hbm>>
      %dma_wait3A_32 = tpu.memref_squeeze %dma_wait3A_31 : memref<1x640x128xf32, #tpu.memory_space<hbm>> -> memref<640x128xf32, #tpu.memory_space<hbm>>
      %dma_wait3A_33 = arith.constant 0 : i32
      %dma_wait3A_34 = tpu.memref_slice %arg5[%mul3A_24, %dma_wait3A_33] : memref<10240x128xf32, #tpu.memory_space<vmem_shared>> -> memref<640x128xf32, #tpu.memory_space<vmem_shared>>
      tpu.wait_dma2 semaphore(%run_scoped3A : memref<!tpu.dma_semaphore, #tpu.memory_space<semaphore_mem>>) src(%dma_wait3A_34 : memref<640x128xf32, #tpu.memory_space<vmem_shared>>) dst(%dma_wait3A_32 : memref<640x128xf32, #tpu.memory_space<hbm>>)
      tpu.yield
    }) : () -> ()
    return
  }
}

#map = affine_map<(d0, d1) -> (0)>
#map1 = affine_map<(d0, d1) -> (0, 0)>
module attributes {stable_mosaic.version = 14 : i64} {
  func.func @_norms_kernel(%arg0: i32, %arg1: i32, %arg2: memref<640000xi32, #tpu.memory_space<hbm>>, %arg3: memref<2x10240xf32, #tpu.memory_space<hbm>>, %arg4: memref<16x10240xf32, #tpu.memory_space<vmem_shared>>, %arg5: memref<10240xf32, #tpu.memory_space<vmem>>, %arg6: memref<800xi32, #tpu.memory_space<vmem>>, %arg7: memref<800xi32, #tpu.memory_space<vmem>>, %arg8: memref<640xf32, #tpu.memory_space<vmem>>, %arg9: memref<640xf32, #tpu.memory_space<vmem>>, %arg10: memref<640xf32, #tpu.memory_space<vmem>>, %arg11: memref<!tpu.dma_semaphore, #tpu.memory_space<semaphore_mem>>, %arg12: memref<!tpu.dma_semaphore, #tpu.memory_space<semaphore_mem>>) attributes {dimension_semantics = [#tpu.dimension_semantics<core_parallel>, #tpu.dimension_semantics<subcore_parallel>], iteration_bounds = array<i64: 2, 16>, scalar_prefetch = 0 : i64, scratch_operands = 9 : i64, tpu.core_type = #tpu.core_type<sc_vector_subcore>, window_params = [{transform_indices = #map}, {transform_indices = #map1}]} {
    %broadcast_in_dim3A = arith.constant 0.000000e+00 : f32
    %broadcast_in_dim3A_0 = vector.broadcast %broadcast_in_dim3A : f32 to vector<16xf32>
    %scan3A = arith.constant 0 : i32
    %scan3A_1 = arith.constant 0 : i32
    %scan3A_2 = arith.constant 640 : i32
    %scan3A_3 = arith.addi %scan3A_1, %scan3A_2 : i32
    %scan3A_4 = arith.constant 1 : i32
    %scan3A_5 = scf.for %scan3A_68 = %scan3A_1 to %scan3A_3 step %scan3A_4 iter_args(%scan3A_69 = %scan3A) -> (i32)  : i32 {
      %mul3A_70 = arith.constant 16 : i32
      %mul3A_71 = arith.muli %scan3A_68, %mul3A_70 : i32
      %swap3A = arith.index_cast %mul3A_71 : i32 to index
      %swap3A_72 = tpu.vector_load %arg5[%swap3A] {strides = array<i32>} : memref<10240xf32, #tpu.memory_space<vmem>>, vector<16xf32>,
      tpu.vector_store %arg5[%swap3A], %broadcast_in_dim3A_0 {strides = array<i32>} : memref<10240xf32, #tpu.memory_space<vmem>>, vector<16xf32>,
      %scan3A_73 = arith.constant 0 : i32
      scf.yield %scan3A_73 : i32
    }
    %scan3A_6 = arith.constant 640 : i32
    %broadcast_in_dim3A_7 = arith.constant 1.000000e+00 : f32
    %broadcast_in_dim3A_8 = vector.broadcast %broadcast_in_dim3A_7 : f32 to vector<16xf32>
    %mul3A = arith.constant 20000 : i32
    %mul3A_9 = arith.muli %arg1, %mul3A : i32
    %mul3A_10 = arith.constant 320000 : i32
    %mul3A_11 = arith.muli %arg0, %mul3A_10 : i32
    %add3A = arith.addi %mul3A_11, %mul3A_9 : i32
    %add3A_12 = arith.constant 0 : i32
    %add3A_13 = arith.addi %add3A, %add3A_12 : i32
    %dma_start3A = tpu.memref_slice %arg2[%add3A_13] : memref<640000xi32, #tpu.memory_space<hbm>> -> memref<800xi32, #tpu.memory_space<hbm>>
    %dma_start3A_14 = tpu.memref_slice %arg2[%add3A_13] : memref<640000xi32, #tpu.memory_space<hbm>> -> memref<800xi32, #tpu.memory_space<hbm>>
    tpu.enqueue_dma source(%dma_start3A_14 : memref<800xi32, #tpu.memory_space<hbm>>) target(%arg6 : memref<800xi32, #tpu.memory_space<vmem>>) target_semaphore(%arg11 : memref<!tpu.dma_semaphore, #tpu.memory_space<semaphore_mem>>)
    %scan3A_15 = arith.constant 0 : i32
    %scan3A_16 = arith.constant 0 : i32
    %scan3A_17 = arith.constant 12 : i32
    %scan3A_18 = arith.addi %scan3A_16, %scan3A_17 : i32
    %scan3A_19 = arith.constant 1 : i32
    %scan3A_20 = scf.for %scan3A_68 = %scan3A_16 to %scan3A_18 step %scan3A_19 iter_args(%scan3A_69 = %scan3A_15) -> (i32)  : i32 {
      %mul3A_70 = arith.constant 2 : i32
      %mul3A_71 = arith.muli %mul3A_70, %scan3A_68 : i32
      %mul3A_72 = arith.constant 320000 : i32
      %mul3A_73 = arith.muli %arg0, %mul3A_72 : i32
      %add3A_74 = arith.addi %mul3A_73, %mul3A_9 : i32
      %mul3A_75 = arith.constant 800 : i32
      %mul3A_76 = arith.muli %mul3A_71, %mul3A_75 : i32
      %add3A_77 = arith.addi %add3A_74, %mul3A_76 : i32
      %dma_wait3A_78 = tpu.memref_slice %arg2[%add3A_77] : memref<640000xi32, #tpu.memory_space<hbm>> -> memref<800xi32, #tpu.memory_space<hbm>>
      %dma_wait3A_79 = tpu.memref_slice %arg2[%add3A_77] : memref<640000xi32, #tpu.memory_space<hbm>> -> memref<800xi32, #tpu.memory_space<hbm>>
      tpu.wait_dma2 semaphore(%arg11 : memref<!tpu.dma_semaphore, #tpu.memory_space<semaphore_mem>>) src(%dma_wait3A_79 : memref<800xi32, #tpu.memory_space<hbm>>) dst(%arg6 : memref<800xi32, #tpu.memory_space<vmem>>)
      %mul3A_80 = arith.constant 2 : i32
      %mul3A_81 = arith.muli %mul3A_80, %scan3A_68 : i32
      %add3A_82 = arith.constant 1 : i32
      %add3A_83 = arith.addi %mul3A_81, %add3A_82 : i32
      %mul3A_84 = arith.constant 320000 : i32
      %mul3A_85 = arith.muli %arg0, %mul3A_84 : i32
      %add3A_86 = arith.addi %mul3A_85, %mul3A_9 : i32
      %mul3A_87 = arith.constant 800 : i32
      %mul3A_88 = arith.muli %add3A_83, %mul3A_87 : i32
      %add3A_89 = arith.addi %add3A_86, %mul3A_88 : i32
      %dma_start3A_90 = tpu.memref_slice %arg2[%add3A_89] : memref<640000xi32, #tpu.memory_space<hbm>> -> memref<800xi32, #tpu.memory_space<hbm>>
      %dma_start3A_91 = tpu.memref_slice %arg2[%add3A_89] : memref<640000xi32, #tpu.memory_space<hbm>> -> memref<800xi32, #tpu.memory_space<hbm>>
      tpu.enqueue_dma source(%dma_start3A_91 : memref<800xi32, #tpu.memory_space<hbm>>) target(%arg7 : memref<800xi32, #tpu.memory_space<vmem>>) target_semaphore(%arg12 : memref<!tpu.dma_semaphore, #tpu.memory_space<semaphore_mem>>)
      %scan3A_92 = arith.constant 0 : i32
      %scan3A_93 = arith.constant 0 : i32
      %scan3A_94 = arith.constant 10 : i32
      %scan3A_95 = arith.addi %scan3A_93, %scan3A_94 : i32
      %scan3A_96 = arith.constant 1 : i32
      %scan3A_97 = scf.for %scan3A_131 = %scan3A_93 to %scan3A_95 step %scan3A_96 iter_args(%scan3A_132 = %scan3A_92) -> (i32)  : i32 {
        %mul3A_133 = arith.constant 5 : i32
        %mul3A_134 = arith.muli %scan3A_131, %mul3A_133 : i32
        %mul3A_135 = arith.constant 16 : i32
        %mul3A_136 = arith.muli %mul3A_134, %mul3A_135 : i32
        %add3A_137 = arith.constant 0 : i32
        %add3A_138 = arith.addi %mul3A_136, %add3A_137 : i32
        %get3A = arith.index_cast %add3A_138 : i32 to index
        %get3A_139 = tpu.vector_load %arg6[%get3A] {strides = array<i32>} : memref<800xi32, #tpu.memory_space<vmem>>, vector<16xi32>,
        tpu.vector_store_idx %arg5[%get3A_139], %broadcast_in_dim3A_8 {add = true} : memref<10240xf32, #tpu.memory_space<vmem>>[vector<16xi32>], vector<16xf32>,
        %add3A_140 = arith.constant 16 : i32
        %add3A_141 = arith.addi %mul3A_136, %add3A_140 : i32
        %get3A_142 = arith.index_cast %add3A_141 : i32 to index
        %get3A_143 = tpu.vector_load %arg6[%get3A_142] {strides = array<i32>} : memref<800xi32, #tpu.memory_space<vmem>>, vector<16xi32>,
        tpu.vector_store_idx %arg5[%get3A_143], %broadcast_in_dim3A_8 {add = true} : memref<10240xf32, #tpu.memory_space<vmem>>[vector<16xi32>], vector<16xf32>,
        %add3A_144 = arith.constant 32 : i32
        %add3A_145 = arith.addi %mul3A_136, %add3A_144 : i32
        %get3A_146 = arith.index_cast %add3A_145 : i32 to index
        %get3A_147 = tpu.vector_load %arg6[%get3A_146] {strides = array<i32>} : memref<800xi32, #tpu.memory_space<vmem>>, vector<16xi32>,
        tpu.vector_store_idx %arg5[%get3A_147], %broadcast_in_dim3A_8 {add = true} : memref<10240xf32, #tpu.memory_space<vmem>>[vector<16xi32>], vector<16xf32>,
        %add3A_148 = arith.constant 48 : i32
        %add3A_149 = arith.addi %mul3A_136, %add3A_148 : i32
        %get3A_150 = arith.index_cast %add3A_149 : i32 to index
        %get3A_151 = tpu.vector_load %arg6[%get3A_150] {strides = array<i32>} : memref<800xi32, #tpu.memory_space<vmem>>, vector<16xi32>,
        tpu.vector_store_idx %arg5[%get3A_151], %broadcast_in_dim3A_8 {add = true} : memref<10240xf32, #tpu.memory_space<vmem>>[vector<16xi32>], vector<16xf32>,
        %add3A_152 = arith.constant 64 : i32
        %add3A_153 = arith.addi %mul3A_136, %add3A_152 : i32
        %get3A_154 = arith.index_cast %add3A_153 : i32 to index
        %get3A_155 = tpu.vector_load %arg6[%get3A_154] {strides = array<i32>} : memref<800xi32, #tpu.memory_space<vmem>>, vector<16xi32>,
        tpu.vector_store_idx %arg5[%get3A_155], %broadcast_in_dim3A_8 {add = true} : memref<10240xf32, #tpu.memory_space<vmem>>[vector<16xi32>], vector<16xf32>,
        %scan3A_156 = arith.constant 0 : i32
        scf.yield %scan3A_156 : i32
      }
      %scan3A_98 = arith.constant 10 : i32
      %mul3A_99 = arith.constant 2 : i32
      %mul3A_100 = arith.muli %mul3A_99, %scan3A_68 : i32
      %add3A_101 = arith.constant 1 : i32
      %add3A_102 = arith.addi %mul3A_100, %add3A_101 : i32
      %mul3A_103 = arith.constant 320000 : i32
      %mul3A_104 = arith.muli %arg0, %mul3A_103 : i32
      %add3A_105 = arith.addi %mul3A_104, %mul3A_9 : i32
      %mul3A_106 = arith.constant 800 : i32
      %mul3A_107 = arith.muli %add3A_102, %mul3A_106 : i32
      %add3A_108 = arith.addi %add3A_105, %mul3A_107 : i32
      %dma_wait3A_109 = tpu.memref_slice %arg2[%add3A_108] : memref<640000xi32, #tpu.memory_space<hbm>> -> memref<800xi32, #tpu.memory_space<hbm>>
      %dma_wait3A_110 = tpu.memref_slice %arg2[%add3A_108] : memref<640000xi32, #tpu.memory_space<hbm>> -> memref<800xi32, #tpu.memory_space<hbm>>
      tpu.wait_dma2 semaphore(%arg12 : memref<!tpu.dma_semaphore, #tpu.memory_space<semaphore_mem>>) src(%dma_wait3A_110 : memref<800xi32, #tpu.memory_space<hbm>>) dst(%arg7 : memref<800xi32, #tpu.memory_space<vmem>>)
      %mul3A_111 = arith.constant 2 : i32
      %mul3A_112 = arith.muli %mul3A_111, %scan3A_68 : i32
      %add3A_113 = arith.constant 2 : i32
      %add3A_114 = arith.addi %mul3A_112, %add3A_113 : i32
      %mul3A_115 = arith.constant 320000 : i32
      %mul3A_116 = arith.muli %arg0, %mul3A_115 : i32
      %add3A_117 = arith.addi %mul3A_116, %mul3A_9 : i32
      %mul3A_118 = arith.constant 800 : i32
      %mul3A_119 = arith.muli %add3A_114, %mul3A_118 : i32
      %add3A_120 = arith.addi %add3A_117, %mul3A_119 : i32
      %dma_start3A_121 = tpu.memref_slice %arg2[%add3A_120] : memref<640000xi32, #tpu.memory_space<hbm>> -> memref<800xi32, #tpu.memory_space<hbm>>
      %dma_start3A_122 = tpu.memref_slice %arg2[%add3A_120] : memref<640000xi32, #tpu.memory_space<hbm>> -> memref<800xi32, #tpu.memory_space<hbm>>
      tpu.enqueue_dma source(%dma_start3A_122 : memref<800xi32, #tpu.memory_space<hbm>>) target(%arg6 : memref<800xi32, #tpu.memory_space<vmem>>) target_semaphore(%arg11 : memref<!tpu.dma_semaphore, #tpu.memory_space<semaphore_mem>>)
      %scan3A_123 = arith.constant 0 : i32
      %scan3A_124 = arith.constant 0 : i32
      %scan3A_125 = arith.constant 10 : i32
      %scan3A_126 = arith.addi %scan3A_124, %scan3A_125 : i32
      %scan3A_127 = arith.constant 1 : i32
      %scan3A_128 = scf.for %scan3A_131 = %scan3A_124 to %scan3A_126 step %scan3A_127 iter_args(%scan3A_132 = %scan3A_123) -> (i32)  : i32 {
        %mul3A_133 = arith.constant 5 : i32
        %mul3A_134 = arith.muli %scan3A_131, %mul3A_133 : i32
        %mul3A_135 = arith.constant 16 : i32
        %mul3A_136 = arith.muli %mul3A_134, %mul3A_135 : i32
        %add3A_137 = arith.constant 0 : i32
        %add3A_138 = arith.addi %mul3A_136, %add3A_137 : i32
        %get3A = arith.index_cast %add3A_138 : i32 to index
        %get3A_139 = tpu.vector_load %arg7[%get3A] {strides = array<i32>} : memref<800xi32, #tpu.memory_space<vmem>>, vector<16xi32>,
        tpu.vector_store_idx %arg5[%get3A_139], %broadcast_in_dim3A_8 {add = true} : memref<10240xf32, #tpu.memory_space<vmem>>[vector<16xi32>], vector<16xf32>,
        %add3A_140 = arith.constant 16 : i32
        %add3A_141 = arith.addi %mul3A_136, %add3A_140 : i32
        %get3A_142 = arith.index_cast %add3A_141 : i32 to index
        %get3A_143 = tpu.vector_load %arg7[%get3A_142] {strides = array<i32>} : memref<800xi32, #tpu.memory_space<vmem>>, vector<16xi32>,
        tpu.vector_store_idx %arg5[%get3A_143], %broadcast_in_dim3A_8 {add = true} : memref<10240xf32, #tpu.memory_space<vmem>>[vector<16xi32>], vector<16xf32>,
        %add3A_144 = arith.constant 32 : i32
        %add3A_145 = arith.addi %mul3A_136, %add3A_144 : i32
        %get3A_146 = arith.index_cast %add3A_145 : i32 to index
        %get3A_147 = tpu.vector_load %arg7[%get3A_146] {strides = array<i32>} : memref<800xi32, #tpu.memory_space<vmem>>, vector<16xi32>,
        tpu.vector_store_idx %arg5[%get3A_147], %broadcast_in_dim3A_8 {add = true} : memref<10240xf32, #tpu.memory_space<vmem>>[vector<16xi32>], vector<16xf32>,
        %add3A_148 = arith.constant 48 : i32
        %add3A_149 = arith.addi %mul3A_136, %add3A_148 : i32
        %get3A_150 = arith.index_cast %add3A_149 : i32 to index
        %get3A_151 = tpu.vector_load %arg7[%get3A_150] {strides = array<i32>} : memref<800xi32, #tpu.memory_space<vmem>>, vector<16xi32>,
        tpu.vector_store_idx %arg5[%get3A_151], %broadcast_in_dim3A_8 {add = true} : memref<10240xf32, #tpu.memory_space<vmem>>[vector<16xi32>], vector<16xf32>,
        %add3A_152 = arith.constant 64 : i32
        %add3A_153 = arith.addi %mul3A_136, %add3A_152 : i32
        %get3A_154 = arith.index_cast %add3A_153 : i32 to index
        %get3A_155 = tpu.vector_load %arg7[%get3A_154] {strides = array<i32>} : memref<800xi32, #tpu.memory_space<vmem>>, vector<16xi32>,
        tpu.vector_store_idx %arg5[%get3A_155], %broadcast_in_dim3A_8 {add = true} : memref<10240xf32, #tpu.memory_space<vmem>>[vector<16xi32>], vector<16xf32>,
        %scan3A_156 = arith.constant 0 : i32
        scf.yield %scan3A_156 : i32
      }
      %scan3A_129 = arith.constant 10 : i32
      %scan3A_130 = arith.constant 0 : i32
      scf.yield %scan3A_130 : i32
    }
    %scan3A_21 = arith.constant 12 : i32
    %mul3A_22 = arith.constant 320000 : i32
    %mul3A_23 = arith.muli %arg0, %mul3A_22 : i32
    %add3A_24 = arith.addi %mul3A_23, %mul3A_9 : i32
    %add3A_25 = arith.constant 19200 : i32
    %add3A_26 = arith.addi %add3A_24, %add3A_25 : i32
    %dma_wait3A = tpu.memref_slice %arg2[%add3A_26] : memref<640000xi32, #tpu.memory_space<hbm>> -> memref<800xi32, #tpu.memory_space<hbm>>
    %dma_wait3A_27 = tpu.memref_slice %arg2[%add3A_26] : memref<640000xi32, #tpu.memory_space<hbm>> -> memref<800xi32, #tpu.memory_space<hbm>>
    tpu.wait_dma2 semaphore(%arg11 : memref<!tpu.dma_semaphore, #tpu.memory_space<semaphore_mem>>) src(%dma_wait3A_27 : memref<800xi32, #tpu.memory_space<hbm>>) dst(%arg6 : memref<800xi32, #tpu.memory_space<vmem>>)
    %scan3A_28 = arith.constant 0 : i32
    %scan3A_29 = arith.constant 0 : i32
    %scan3A_30 = arith.constant 10 : i32
    %scan3A_31 = arith.addi %scan3A_29, %scan3A_30 : i32
    %scan3A_32 = arith.constant 1 : i32
    %scan3A_33 = scf.for %scan3A_68 = %scan3A_29 to %scan3A_31 step %scan3A_32 iter_args(%scan3A_69 = %scan3A_28) -> (i32)  : i32 {
      %mul3A_70 = arith.constant 5 : i32
      %mul3A_71 = arith.muli %scan3A_68, %mul3A_70 : i32
      %mul3A_72 = arith.constant 16 : i32
      %mul3A_73 = arith.muli %mul3A_71, %mul3A_72 : i32
      %add3A_74 = arith.constant 0 : i32
      %add3A_75 = arith.addi %mul3A_73, %add3A_74 : i32
      %get3A = arith.index_cast %add3A_75 : i32 to index
      %get3A_76 = tpu.vector_load %arg6[%get3A] {strides = array<i32>} : memref<800xi32, #tpu.memory_space<vmem>>, vector<16xi32>,
      tpu.vector_store_idx %arg5[%get3A_76], %broadcast_in_dim3A_8 {add = true} : memref<10240xf32, #tpu.memory_space<vmem>>[vector<16xi32>], vector<16xf32>,
      %add3A_77 = arith.constant 16 : i32
      %add3A_78 = arith.addi %mul3A_73, %add3A_77 : i32
      %get3A_79 = arith.index_cast %add3A_78 : i32 to index
      %get3A_80 = tpu.vector_load %arg6[%get3A_79] {strides = array<i32>} : memref<800xi32, #tpu.memory_space<vmem>>, vector<16xi32>,
      tpu.vector_store_idx %arg5[%get3A_80], %broadcast_in_dim3A_8 {add = true} : memref<10240xf32, #tpu.memory_space<vmem>>[vector<16xi32>], vector<16xf32>,
      %add3A_81 = arith.constant 32 : i32
      %add3A_82 = arith.addi %mul3A_73, %add3A_81 : i32
      %get3A_83 = arith.index_cast %add3A_82 : i32 to index
      %get3A_84 = tpu.vector_load %arg6[%get3A_83] {strides = array<i32>} : memref<800xi32, #tpu.memory_space<vmem>>, vector<16xi32>,
      tpu.vector_store_idx %arg5[%get3A_84], %broadcast_in_dim3A_8 {add = true} : memref<10240xf32, #tpu.memory_space<vmem>>[vector<16xi32>], vector<16xf32>,
      %add3A_85 = arith.constant 48 : i32
      %add3A_86 = arith.addi %mul3A_73, %add3A_85 : i32
      %get3A_87 = arith.index_cast %add3A_86 : i32 to index
      %get3A_88 = tpu.vector_load %arg6[%get3A_87] {strides = array<i32>} : memref<800xi32, #tpu.memory_space<vmem>>, vector<16xi32>,
      tpu.vector_store_idx %arg5[%get3A_88], %broadcast_in_dim3A_8 {add = true} : memref<10240xf32, #tpu.memory_space<vmem>>[vector<16xi32>], vector<16xf32>,
      %add3A_89 = arith.constant 64 : i32
      %add3A_90 = arith.addi %mul3A_73, %add3A_89 : i32
      %get3A_91 = arith.index_cast %add3A_90 : i32 to index
      %get3A_92 = tpu.vector_load %arg6[%get3A_91] {strides = array<i32>} : memref<800xi32, #tpu.memory_space<vmem>>, vector<16xi32>,
      tpu.vector_store_idx %arg5[%get3A_92], %broadcast_in_dim3A_8 {add = true} : memref<10240xf32, #tpu.memory_space<vmem>>[vector<16xi32>], vector<16xf32>,
      %scan3A_93 = arith.constant 0 : i32
      scf.yield %scan3A_93 : i32
    }
    %scan3A_34 = arith.constant 10 : i32
    "tpu.region"() ({
      %run_scoped3A_68 = tpu.sem_alloc : memref<!tpu.dma_semaphore, #tpu.memory_space<semaphore_mem>>
      %dma_start3A_69 = arith.constant 0 : i32
      %dma_start3A_70 = tpu.memref_slice %arg4[%arg1, %dma_start3A_69] : memref<16x10240xf32, #tpu.memory_space<vmem_shared>> -> memref<1x10240xf32, #tpu.memory_space<vmem_shared>>
      %dma_start3A_71 = tpu.memref_squeeze %dma_start3A_70 : memref<1x10240xf32, #tpu.memory_space<vmem_shared>> -> memref<10240xf32, #tpu.memory_space<vmem_shared>>
      %dma_start3A_72 = arith.constant 0 : i32
      %dma_start3A_73 = tpu.memref_slice %arg4[%arg1, %dma_start3A_72] : memref<16x10240xf32, #tpu.memory_space<vmem_shared>> -> memref<1x10240xf32, #tpu.memory_space<vmem_shared>>
      %dma_start3A_74 = tpu.memref_squeeze %dma_start3A_73 : memref<1x10240xf32, #tpu.memory_space<vmem_shared>> -> memref<10240xf32, #tpu.memory_space<vmem_shared>>
      tpu.enqueue_dma source(%arg5 : memref<10240xf32, #tpu.memory_space<vmem>>) target(%dma_start3A_74 : memref<10240xf32, #tpu.memory_space<vmem_shared>>) target_semaphore(%run_scoped3A_68 : memref<!tpu.dma_semaphore, #tpu.memory_space<semaphore_mem>>)
      %dma_wait3A_75 = arith.constant 0 : i32
      %dma_wait3A_76 = tpu.memref_slice %arg4[%arg1, %dma_wait3A_75] : memref<16x10240xf32, #tpu.memory_space<vmem_shared>> -> memref<1x10240xf32, #tpu.memory_space<vmem_shared>>
      %dma_wait3A_77 = tpu.memref_squeeze %dma_wait3A_76 : memref<1x10240xf32, #tpu.memory_space<vmem_shared>> -> memref<10240xf32, #tpu.memory_space<vmem_shared>>
      %dma_wait3A_78 = arith.constant 0 : i32
      %dma_wait3A_79 = tpu.memref_slice %arg4[%arg1, %dma_wait3A_78] : memref<16x10240xf32, #tpu.memory_space<vmem_shared>> -> memref<1x10240xf32, #tpu.memory_space<vmem_shared>>
      %dma_wait3A_80 = tpu.memref_squeeze %dma_wait3A_79 : memref<1x10240xf32, #tpu.memory_space<vmem_shared>> -> memref<10240xf32, #tpu.memory_space<vmem_shared>>
      tpu.wait_dma2 semaphore(%run_scoped3A_68 : memref<!tpu.dma_semaphore, #tpu.memory_space<semaphore_mem>>) src(%arg5 : memref<10240xf32, #tpu.memory_space<vmem>>) dst(%dma_wait3A_80 : memref<10240xf32, #tpu.memory_space<vmem_shared>>)
      tpu.yield
    }) : () -> ()
    %barrier3A = arith.constant 0 : index
    tpu.barrier barrier_id(%barrier3A)
    %mul3A_35 = arith.constant 640 : i32
    %mul3A_36 = arith.muli %arg1, %mul3A_35 : i32
    %run_scoped3A = arith.constant 0 : i32
    "tpu.region"() ({
      %run_scoped3A_68 = tpu.sem_alloc : memref<!tpu.dma_semaphore, #tpu.memory_space<semaphore_mem>>
      %dma_start3A_69 = tpu.memref_slice %arg4[%run_scoped3A, %mul3A_36] : memref<16x10240xf32, #tpu.memory_space<vmem_shared>> -> memref<1x640xf32, #tpu.memory_space<vmem_shared>>
      %dma_start3A_70 = tpu.memref_squeeze %dma_start3A_69 : memref<1x640xf32, #tpu.memory_space<vmem_shared>> -> memref<640xf32, #tpu.memory_space<vmem_shared>>
      %dma_start3A_71 = tpu.memref_slice %arg4[%run_scoped3A, %mul3A_36] : memref<16x10240xf32, #tpu.memory_space<vmem_shared>> -> memref<1x640xf32, #tpu.memory_space<vmem_shared>>
      %dma_start3A_72 = tpu.memref_squeeze %dma_start3A_71 : memref<1x640xf32, #tpu.memory_space<vmem_shared>> -> memref<640xf32, #tpu.memory_space<vmem_shared>>
      tpu.enqueue_dma source(%dma_start3A_72 : memref<640xf32, #tpu.memory_space<vmem_shared>>) target(%arg10 : memref<640xf32, #tpu.memory_space<vmem>>) target_semaphore(%run_scoped3A_68 : memref<!tpu.dma_semaphore, #tpu.memory_space<semaphore_mem>>)
      %dma_wait3A_73 = tpu.memref_slice %arg4[%run_scoped3A, %mul3A_36] : memref<16x10240xf32, #tpu.memory_space<vmem_shared>> -> memref<1x640xf32, #tpu.memory_space<vmem_shared>>
      %dma_wait3A_74 = tpu.memref_squeeze %dma_wait3A_73 : memref<1x640xf32, #tpu.memory_space<vmem_shared>> -> memref<640xf32, #tpu.memory_space<vmem_shared>>
      %dma_wait3A_75 = tpu.memref_slice %arg4[%run_scoped3A, %mul3A_36] : memref<16x10240xf32, #tpu.memory_space<vmem_shared>> -> memref<1x640xf32, #tpu.memory_space<vmem_shared>>
      %dma_wait3A_76 = tpu.memref_squeeze %dma_wait3A_75 : memref<1x640xf32, #tpu.memory_space<vmem_shared>> -> memref<640xf32, #tpu.memory_space<vmem_shared>>
      tpu.wait_dma2 semaphore(%run_scoped3A_68 : memref<!tpu.dma_semaphore, #tpu.memory_space<semaphore_mem>>) src(%dma_wait3A_76 : memref<640xf32, #tpu.memory_space<vmem_shared>>) dst(%arg10 : memref<640xf32, #tpu.memory_space<vmem>>)
      tpu.yield
    }) : () -> ()
    %dma_start3A_37 = arith.constant 1 : i32
    %dma_start3A_38 = tpu.memref_slice %arg4[%dma_start3A_37, %mul3A_36] : memref<16x10240xf32, #tpu.memory_space<vmem_shared>> -> memref<1x640xf32, #tpu.memory_space<vmem_shared>>
    %dma_start3A_39 = tpu.memref_squeeze %dma_start3A_38 : memref<1x640xf32, #tpu.memory_space<vmem_shared>> -> memref<640xf32, #tpu.memory_space<vmem_shared>>
    %dma_start3A_40 = tpu.memref_slice %arg4[%dma_start3A_37, %mul3A_36] : memref<16x10240xf32, #tpu.memory_space<vmem_shared>> -> memref<1x640xf32, #tpu.memory_space<vmem_shared>>
    %dma_start3A_41 = tpu.memref_squeeze %dma_start3A_40 : memref<1x640xf32, #tpu.memory_space<vmem_shared>> -> memref<640xf32, #tpu.memory_space<vmem_shared>>
    tpu.enqueue_dma source(%dma_start3A_41 : memref<640xf32, #tpu.memory_space<vmem_shared>>) target(%arg8 : memref<640xf32, #tpu.memory_space<vmem>>) target_semaphore(%arg11 : memref<!tpu.dma_semaphore, #tpu.memory_space<semaphore_mem>>)
    %scan3A_42 = arith.constant 0 : i32
    %scan3A_43 = arith.constant 0 : i32
    %scan3A_44 = arith.constant 7 : i32
    %scan3A_45 = arith.addi %scan3A_43, %scan3A_44 : i32
    %scan3A_46 = arith.constant 1 : i32
    %scan3A_47 = scf.for %scan3A_68 = %scan3A_43 to %scan3A_45 step %scan3A_46 iter_args(%scan3A_69 = %scan3A_42) -> (i32)  : i32 {
      %mul3A_70 = arith.constant 2 : i32
      %mul3A_71 = arith.muli %mul3A_70, %scan3A_68 : i32
      %add3A_72 = arith.constant 1 : i32
      %add3A_73 = arith.addi %mul3A_71, %add3A_72 : i32
      %dma_wait3A_74 = tpu.memref_slice %arg4[%add3A_73, %mul3A_36] : memref<16x10240xf32, #tpu.memory_space<vmem_shared>> -> memref<1x640xf32, #tpu.memory_space<vmem_shared>>
      %dma_wait3A_75 = tpu.memref_squeeze %dma_wait3A_74 : memref<1x640xf32, #tpu.memory_space<vmem_shared>> -> memref<640xf32, #tpu.memory_space<vmem_shared>>
      %dma_wait3A_76 = tpu.memref_slice %arg4[%add3A_73, %mul3A_36] : memref<16x10240xf32, #tpu.memory_space<vmem_shared>> -> memref<1x640xf32, #tpu.memory_space<vmem_shared>>
      %dma_wait3A_77 = tpu.memref_squeeze %dma_wait3A_76 : memref<1x640xf32, #tpu.memory_space<vmem_shared>> -> memref<640xf32, #tpu.memory_space<vmem_shared>>
      tpu.wait_dma2 semaphore(%arg11 : memref<!tpu.dma_semaphore, #tpu.memory_space<semaphore_mem>>) src(%dma_wait3A_77 : memref<640xf32, #tpu.memory_space<vmem_shared>>) dst(%arg8 : memref<640xf32, #tpu.memory_space<vmem>>)
      %add3A_78 = arith.constant 1 : i32
      %add3A_79 = arith.addi %add3A_73, %add3A_78 : i32
      %dma_start3A_80 = tpu.memref_slice %arg4[%add3A_79, %mul3A_36] : memref<16x10240xf32, #tpu.memory_space<vmem_shared>> -> memref<1x640xf32, #tpu.memory_space<vmem_shared>>
      %dma_start3A_81 = tpu.memref_squeeze %dma_start3A_80 : memref<1x640xf32, #tpu.memory_space<vmem_shared>> -> memref<640xf32, #tpu.memory_space<vmem_shared>>
      %dma_start3A_82 = tpu.memref_slice %arg4[%add3A_79, %mul3A_36] : memref<16x10240xf32, #tpu.memory_space<vmem_shared>> -> memref<1x640xf32, #tpu.memory_space<vmem_shared>>
      %dma_start3A_83 = tpu.memref_squeeze %dma_start3A_82 : memref<1x640xf32, #tpu.memory_space<vmem_shared>> -> memref<640xf32, #tpu.memory_space<vmem_shared>>
      tpu.enqueue_dma source(%dma_start3A_83 : memref<640xf32, #tpu.memory_space<vmem_shared>>) target(%arg9 : memref<640xf32, #tpu.memory_space<vmem>>) target_semaphore(%arg12 : memref<!tpu.dma_semaphore, #tpu.memory_space<semaphore_mem>>)
      %scan3A_84 = arith.constant 0 : i32
      %scan3A_85 = arith.constant 0 : i32
      %scan3A_86 = arith.constant 10 : i32
      %scan3A_87 = arith.addi %scan3A_85, %scan3A_86 : i32
      %scan3A_88 = arith.constant 1 : i32
      %scan3A_89 = scf.for %scan3A_111 = %scan3A_85 to %scan3A_87 step %scan3A_88 iter_args(%scan3A_112 = %scan3A_84) -> (i32)  : i32 {
        %mul3A_113 = arith.constant 4 : i32
        %mul3A_114 = arith.muli %scan3A_111, %mul3A_113 : i32
        %mul3A_115 = arith.constant 16 : i32
        %mul3A_116 = arith.muli %mul3A_114, %mul3A_115 : i32
        %add3A_117 = arith.constant 0 : i32
        %add3A_118 = arith.addi %mul3A_116, %add3A_117 : i32
        %get3A = arith.index_cast %add3A_118 : i32 to index
        %get3A_119 = tpu.vector_load %arg10[%get3A] {strides = array<i32>} : memref<640xf32, #tpu.memory_space<vmem>>, vector<16xf32>,
        %get3A_120 = arith.index_cast %add3A_118 : i32 to index
        %get3A_121 = tpu.vector_load %arg8[%get3A_120] {strides = array<i32>} : memref<640xf32, #tpu.memory_space<vmem>>, vector<16xf32>,
        %add3A_122 = arith.addf %get3A_119, %get3A_121 : vector<16xf32>
        %swap3A = arith.index_cast %add3A_118 : i32 to index
        %swap3A_123 = tpu.vector_load %arg10[%swap3A] {strides = array<i32>} : memref<640xf32, #tpu.memory_space<vmem>>, vector<16xf32>,
        tpu.vector_store %arg10[%swap3A], %add3A_122 {strides = array<i32>} : memref<640xf32, #tpu.memory_space<vmem>>, vector<16xf32>,
        %add3A_124 = arith.constant 16 : i32
        %add3A_125 = arith.addi %mul3A_116, %add3A_124 : i32
        %get3A_126 = arith.index_cast %add3A_125 : i32 to index
        %get3A_127 = tpu.vector_load %arg10[%get3A_126] {strides = array<i32>} : memref<640xf32, #tpu.memory_space<vmem>>, vector<16xf32>,
        %get3A_128 = arith.index_cast %add3A_125 : i32 to index
        %get3A_129 = tpu.vector_load %arg8[%get3A_128] {strides = array<i32>} : memref<640xf32, #tpu.memory_space<vmem>>, vector<16xf32>,
        %add3A_130 = arith.addf %get3A_127, %get3A_129 : vector<16xf32>
        %swap3A_131 = arith.index_cast %add3A_125 : i32 to index
        %swap3A_132 = tpu.vector_load %arg10[%swap3A_131] {strides = array<i32>} : memref<640xf32, #tpu.memory_space<vmem>>, vector<16xf32>,
        tpu.vector_store %arg10[%swap3A_131], %add3A_130 {strides = array<i32>} : memref<640xf32, #tpu.memory_space<vmem>>, vector<16xf32>,
        %add3A_133 = arith.constant 32 : i32
        %add3A_134 = arith.addi %mul3A_116, %add3A_133 : i32
        %get3A_135 = arith.index_cast %add3A_134 : i32 to index
        %get3A_136 = tpu.vector_load %arg10[%get3A_135] {strides = array<i32>} : memref<640xf32, #tpu.memory_space<vmem>>, vector<16xf32>,
        %get3A_137 = arith.index_cast %add3A_134 : i32 to index
        %get3A_138 = tpu.vector_load %arg8[%get3A_137] {strides = array<i32>} : memref<640xf32, #tpu.memory_space<vmem>>, vector<16xf32>,
        %add3A_139 = arith.addf %get3A_136, %get3A_138 : vector<16xf32>
        %swap3A_140 = arith.index_cast %add3A_134 : i32 to index
        %swap3A_141 = tpu.vector_load %arg10[%swap3A_140] {strides = array<i32>} : memref<640xf32, #tpu.memory_space<vmem>>, vector<16xf32>,
        tpu.vector_store %arg10[%swap3A_140], %add3A_139 {strides = array<i32>} : memref<640xf32, #tpu.memory_space<vmem>>, vector<16xf32>,
        %add3A_142 = arith.constant 48 : i32
        %add3A_143 = arith.addi %mul3A_116, %add3A_142 : i32
        %get3A_144 = arith.index_cast %add3A_143 : i32 to index
        %get3A_145 = tpu.vector_load %arg10[%get3A_144] {strides = array<i32>} : memref<640xf32, #tpu.memory_space<vmem>>, vector<16xf32>,
        %get3A_146 = arith.index_cast %add3A_143 : i32 to index
        %get3A_147 = tpu.vector_load %arg8[%get3A_146] {strides = array<i32>} : memref<640xf32, #tpu.memory_space<vmem>>, vector<16xf32>,
        %add3A_148 = arith.addf %get3A_145, %get3A_147 : vector<16xf32>
        %swap3A_149 = arith.index_cast %add3A_143 : i32 to index
        %swap3A_150 = tpu.vector_load %arg10[%swap3A_149] {strides = array<i32>} : memref<640xf32, #tpu.memory_space<vmem>>, vector<16xf32>,
        tpu.vector_store %arg10[%swap3A_149], %add3A_148 {strides = array<i32>} : memref<640xf32, #tpu.memory_space<vmem>>, vector<16xf32>,
        %scan3A_151 = arith.constant 0 : i32
        scf.yield %scan3A_151 : i32
      }
      %scan3A_90 = arith.constant 10 : i32
      %add3A_91 = arith.constant 1 : i32
      %add3A_92 = arith.addi %add3A_73, %add3A_91 : i32
      %dma_wait3A_93 = tpu.memref_slice %arg4[%add3A_92, %mul3A_36] : memref<16x10240xf32, #tpu.memory_space<vmem_shared>> -> memref<1x640xf32, #tpu.memory_space<vmem_shared>>
      %dma_wait3A_94 = tpu.memref_squeeze %dma_wait3A_93 : memref<1x640xf32, #tpu.memory_space<vmem_shared>> -> memref<640xf32, #tpu.memory_space<vmem_shared>>
      %dma_wait3A_95 = tpu.memref_slice %arg4[%add3A_92, %mul3A_36] : memref<16x10240xf32, #tpu.memory_space<vmem_shared>> -> memref<1x640xf32, #tpu.memory_space<vmem_shared>>
      %dma_wait3A_96 = tpu.memref_squeeze %dma_wait3A_95 : memref<1x640xf32, #tpu.memory_space<vmem_shared>> -> memref<640xf32, #tpu.memory_space<vmem_shared>>
      tpu.wait_dma2 semaphore(%arg12 : memref<!tpu.dma_semaphore, #tpu.memory_space<semaphore_mem>>) src(%dma_wait3A_96 : memref<640xf32, #tpu.memory_space<vmem_shared>>) dst(%arg9 : memref<640xf32, #tpu.memory_space<vmem>>)
      %add3A_97 = arith.constant 2 : i32
      %add3A_98 = arith.addi %add3A_73, %add3A_97 : i32
      %dma_start3A_99 = tpu.memref_slice %arg4[%add3A_98, %mul3A_36] : memref<16x10240xf32, #tpu.memory_space<vmem_shared>> -> memref<1x640xf32, #tpu.memory_space<vmem_shared>>
      %dma_start3A_100 = tpu.memref_squeeze %dma_start3A_99 : memref<1x640xf32, #tpu.memory_space<vmem_shared>> -> memref<640xf32, #tpu.memory_space<vmem_shared>>
      %dma_start3A_101 = tpu.memref_slice %arg4[%add3A_98, %mul3A_36] : memref<16x10240xf32, #tpu.memory_space<vmem_shared>> -> memref<1x640xf32, #tpu.memory_space<vmem_shared>>
      %dma_start3A_102 = tpu.memref_squeeze %dma_start3A_101 : memref<1x640xf32, #tpu.memory_space<vmem_shared>> -> memref<640xf32, #tpu.memory_space<vmem_shared>>
      tpu.enqueue_dma source(%dma_start3A_102 : memref<640xf32, #tpu.memory_space<vmem_shared>>) target(%arg8 : memref<640xf32, #tpu.memory_space<vmem>>) target_semaphore(%arg11 : memref<!tpu.dma_semaphore, #tpu.memory_space<semaphore_mem>>)
      %scan3A_103 = arith.constant 0 : i32
      %scan3A_104 = arith.constant 0 : i32
      %scan3A_105 = arith.constant 10 : i32
      %scan3A_106 = arith.addi %scan3A_104, %scan3A_105 : i32
      %scan3A_107 = arith.constant 1 : i32
      %scan3A_108 = scf.for %scan3A_111 = %scan3A_104 to %scan3A_106 step %scan3A_107 iter_args(%scan3A_112 = %scan3A_103) -> (i32)  : i32 {
        %mul3A_113 = arith.constant 4 : i32
        %mul3A_114 = arith.muli %scan3A_111, %mul3A_113 : i32
        %mul3A_115 = arith.constant 16 : i32
        %mul3A_116 = arith.muli %mul3A_114, %mul3A_115 : i32
        %add3A_117 = arith.constant 0 : i32
        %add3A_118 = arith.addi %mul3A_116, %add3A_117 : i32
        %get3A = arith.index_cast %add3A_118 : i32 to index
        %get3A_119 = tpu.vector_load %arg10[%get3A] {strides = array<i32>} : memref<640xf32, #tpu.memory_space<vmem>>, vector<16xf32>,
        %get3A_120 = arith.index_cast %add3A_118 : i32 to index
        %get3A_121 = tpu.vector_load %arg9[%get3A_120] {strides = array<i32>} : memref<640xf32, #tpu.memory_space<vmem>>, vector<16xf32>,
        %add3A_122 = arith.addf %get3A_119, %get3A_121 : vector<16xf32>
        %swap3A = arith.index_cast %add3A_118 : i32 to index
        %swap3A_123 = tpu.vector_load %arg10[%swap3A] {strides = array<i32>} : memref<640xf32, #tpu.memory_space<vmem>>, vector<16xf32>,
        tpu.vector_store %arg10[%swap3A], %add3A_122 {strides = array<i32>} : memref<640xf32, #tpu.memory_space<vmem>>, vector<16xf32>,
        %add3A_124 = arith.constant 16 : i32
        %add3A_125 = arith.addi %mul3A_116, %add3A_124 : i32
        %get3A_126 = arith.index_cast %add3A_125 : i32 to index
        %get3A_127 = tpu.vector_load %arg10[%get3A_126] {strides = array<i32>} : memref<640xf32, #tpu.memory_space<vmem>>, vector<16xf32>,
        %get3A_128 = arith.index_cast %add3A_125 : i32 to index
        %get3A_129 = tpu.vector_load %arg9[%get3A_128] {strides = array<i32>} : memref<640xf32, #tpu.memory_space<vmem>>, vector<16xf32>,
        %add3A_130 = arith.addf %get3A_127, %get3A_129 : vector<16xf32>
        %swap3A_131 = arith.index_cast %add3A_125 : i32 to index
        %swap3A_132 = tpu.vector_load %arg10[%swap3A_131] {strides = array<i32>} : memref<640xf32, #tpu.memory_space<vmem>>, vector<16xf32>,
        tpu.vector_store %arg10[%swap3A_131], %add3A_130 {strides = array<i32>} : memref<640xf32, #tpu.memory_space<vmem>>, vector<16xf32>,
        %add3A_133 = arith.constant 32 : i32
        %add3A_134 = arith.addi %mul3A_116, %add3A_133 : i32
        %get3A_135 = arith.index_cast %add3A_134 : i32 to index
        %get3A_136 = tpu.vector_load %arg10[%get3A_135] {strides = array<i32>} : memref<640xf32, #tpu.memory_space<vmem>>, vector<16xf32>,
        %get3A_137 = arith.index_cast %add3A_134 : i32 to index
        %get3A_138 = tpu.vector_load %arg9[%get3A_137] {strides = array<i32>} : memref<640xf32, #tpu.memory_space<vmem>>, vector<16xf32>,
        %add3A_139 = arith.addf %get3A_136, %get3A_138 : vector<16xf32>
        %swap3A_140 = arith.index_cast %add3A_134 : i32 to index
        %swap3A_141 = tpu.vector_load %arg10[%swap3A_140] {strides = array<i32>} : memref<640xf32, #tpu.memory_space<vmem>>, vector<16xf32>,
        tpu.vector_store %arg10[%swap3A_140], %add3A_139 {strides = array<i32>} : memref<640xf32, #tpu.memory_space<vmem>>, vector<16xf32>,
        %add3A_142 = arith.constant 48 : i32
        %add3A_143 = arith.addi %mul3A_116, %add3A_142 : i32
        %get3A_144 = arith.index_cast %add3A_143 : i32 to index
        %get3A_145 = tpu.vector_load %arg10[%get3A_144] {strides = array<i32>} : memref<640xf32, #tpu.memory_space<vmem>>, vector<16xf32>,
        %get3A_146 = arith.index_cast %add3A_143 : i32 to index
        %get3A_147 = tpu.vector_load %arg9[%get3A_146] {strides = array<i32>} : memref<640xf32, #tpu.memory_space<vmem>>, vector<16xf32>,
        %add3A_148 = arith.addf %get3A_145, %get3A_147 : vector<16xf32>
        %swap3A_149 = arith.index_cast %add3A_143 : i32 to index
        %swap3A_150 = tpu.vector_load %arg10[%swap3A_149] {strides = array<i32>} : memref<640xf32, #tpu.memory_space<vmem>>, vector<16xf32>,
        tpu.vector_store %arg10[%swap3A_149], %add3A_148 {strides = array<i32>} : memref<640xf32, #tpu.memory_space<vmem>>, vector<16xf32>,
        %scan3A_151 = arith.constant 0 : i32
        scf.yield %scan3A_151 : i32
      }
      %scan3A_109 = arith.constant 10 : i32
      %scan3A_110 = arith.constant 0 : i32
      scf.yield %scan3A_110 : i32
    }
    %scan3A_48 = arith.constant 7 : i32
    %dma_wait3A_49 = arith.constant 15 : i32
    %dma_wait3A_50 = tpu.memref_slice %arg4[%dma_wait3A_49, %mul3A_36] : memref<16x10240xf32, #tpu.memory_space<vmem_shared>> -> memref<1x640xf32, #tpu.memory_space<vmem_shared>>
    %dma_wait3A_51 = tpu.memref_squeeze %dma_wait3A_50 : memref<1x640xf32, #tpu.memory_space<vmem_shared>> -> memref<640xf32, #tpu.memory_space<vmem_shared>>
    %dma_wait3A_52 = tpu.memref_slice %arg4[%dma_wait3A_49, %mul3A_36] : memref<16x10240xf32, #tpu.memory_space<vmem_shared>> -> memref<1x640xf32, #tpu.memory_space<vmem_shared>>
    %dma_wait3A_53 = tpu.memref_squeeze %dma_wait3A_52 : memref<1x640xf32, #tpu.memory_space<vmem_shared>> -> memref<640xf32, #tpu.memory_space<vmem_shared>>
    tpu.wait_dma2 semaphore(%arg11 : memref<!tpu.dma_semaphore, #tpu.memory_space<semaphore_mem>>) src(%dma_wait3A_53 : memref<640xf32, #tpu.memory_space<vmem_shared>>) dst(%arg8 : memref<640xf32, #tpu.memory_space<vmem>>)
    %scan3A_54 = arith.constant 0 : i32
    %scan3A_55 = arith.constant 0 : i32
    %scan3A_56 = arith.constant 10 : i32
    %scan3A_57 = arith.addi %scan3A_55, %scan3A_56 : i32
    %scan3A_58 = arith.constant 1 : i32
    %scan3A_59 = scf.for %scan3A_68 = %scan3A_55 to %scan3A_57 step %scan3A_58 iter_args(%scan3A_69 = %scan3A_54) -> (i32)  : i32 {
      %mul3A_70 = arith.constant 4 : i32
      %mul3A_71 = arith.muli %scan3A_68, %mul3A_70 : i32
      %mul3A_72 = arith.constant 16 : i32
      %mul3A_73 = arith.muli %mul3A_71, %mul3A_72 : i32
      %add3A_74 = arith.constant 0 : i32
      %add3A_75 = arith.addi %mul3A_73, %add3A_74 : i32
      %get3A = arith.index_cast %add3A_75 : i32 to index
      %get3A_76 = tpu.vector_load %arg10[%get3A] {strides = array<i32>} : memref<640xf32, #tpu.memory_space<vmem>>, vector<16xf32>,
      %get3A_77 = arith.index_cast %add3A_75 : i32 to index
      %get3A_78 = tpu.vector_load %arg8[%get3A_77] {strides = array<i32>} : memref<640xf32, #tpu.memory_space<vmem>>, vector<16xf32>,
      %add3A_79 = arith.addf %get3A_76, %get3A_78 : vector<16xf32>
      %swap3A = arith.index_cast %add3A_75 : i32 to index
      %swap3A_80 = tpu.vector_load %arg10[%swap3A] {strides = array<i32>} : memref<640xf32, #tpu.memory_space<vmem>>, vector<16xf32>,
      tpu.vector_store %arg10[%swap3A], %add3A_79 {strides = array<i32>} : memref<640xf32, #tpu.memory_space<vmem>>, vector<16xf32>,
      %add3A_81 = arith.constant 16 : i32
      %add3A_82 = arith.addi %mul3A_73, %add3A_81 : i32
      %get3A_83 = arith.index_cast %add3A_82 : i32 to index
      %get3A_84 = tpu.vector_load %arg10[%get3A_83] {strides = array<i32>} : memref<640xf32, #tpu.memory_space<vmem>>, vector<16xf32>,
      %get3A_85 = arith.index_cast %add3A_82 : i32 to index
      %get3A_86 = tpu.vector_load %arg8[%get3A_85] {strides = array<i32>} : memref<640xf32, #tpu.memory_space<vmem>>, vector<16xf32>,
      %add3A_87 = arith.addf %get3A_84, %get3A_86 : vector<16xf32>
      %swap3A_88 = arith.index_cast %add3A_82 : i32 to index
      %swap3A_89 = tpu.vector_load %arg10[%swap3A_88] {strides = array<i32>} : memref<640xf32, #tpu.memory_space<vmem>>, vector<16xf32>,
      tpu.vector_store %arg10[%swap3A_88], %add3A_87 {strides = array<i32>} : memref<640xf32, #tpu.memory_space<vmem>>, vector<16xf32>,
      %add3A_90 = arith.constant 32 : i32
      %add3A_91 = arith.addi %mul3A_73, %add3A_90 : i32
      %get3A_92 = arith.index_cast %add3A_91 : i32 to index
      %get3A_93 = tpu.vector_load %arg10[%get3A_92] {strides = array<i32>} : memref<640xf32, #tpu.memory_space<vmem>>, vector<16xf32>,
      %get3A_94 = arith.index_cast %add3A_91 : i32 to index
      %get3A_95 = tpu.vector_load %arg8[%get3A_94] {strides = array<i32>} : memref<640xf32, #tpu.memory_space<vmem>>, vector<16xf32>,
      %add3A_96 = arith.addf %get3A_93, %get3A_95 : vector<16xf32>
      %swap3A_97 = arith.index_cast %add3A_91 : i32 to index
      %swap3A_98 = tpu.vector_load %arg10[%swap3A_97] {strides = array<i32>} : memref<640xf32, #tpu.memory_space<vmem>>, vector<16xf32>,
      tpu.vector_store %arg10[%swap3A_97], %add3A_96 {strides = array<i32>} : memref<640xf32, #tpu.memory_space<vmem>>, vector<16xf32>,
      %add3A_99 = arith.constant 48 : i32
      %add3A_100 = arith.addi %mul3A_73, %add3A_99 : i32
      %get3A_101 = arith.index_cast %add3A_100 : i32 to index
      %get3A_102 = tpu.vector_load %arg10[%get3A_101] {strides = array<i32>} : memref<640xf32, #tpu.memory_space<vmem>>, vector<16xf32>,
      %get3A_103 = arith.index_cast %add3A_100 : i32 to index
      %get3A_104 = tpu.vector_load %arg8[%get3A_103] {strides = array<i32>} : memref<640xf32, #tpu.memory_space<vmem>>, vector<16xf32>,
      %add3A_105 = arith.addf %get3A_102, %get3A_104 : vector<16xf32>
      %swap3A_106 = arith.index_cast %add3A_100 : i32 to index
      %swap3A_107 = tpu.vector_load %arg10[%swap3A_106] {strides = array<i32>} : memref<640xf32, #tpu.memory_space<vmem>>, vector<16xf32>,
      tpu.vector_store %arg10[%swap3A_106], %add3A_105 {strides = array<i32>} : memref<640xf32, #tpu.memory_space<vmem>>, vector<16xf32>,
      %scan3A_108 = arith.constant 0 : i32
      scf.yield %scan3A_108 : i32
    }
    %scan3A_60 = arith.constant 10 : i32
    %scan3A_61 = arith.constant 0 : i32
    %scan3A_62 = arith.constant 0 : i32
    %scan3A_63 = arith.constant 40 : i32
    %scan3A_64 = arith.addi %scan3A_62, %scan3A_63 : i32
    %scan3A_65 = arith.constant 1 : i32
    %scan3A_66 = scf.for %scan3A_68 = %scan3A_62 to %scan3A_64 step %scan3A_65 iter_args(%scan3A_69 = %scan3A_61) -> (i32)  : i32 {
      %mul3A_70 = arith.constant 16 : i32
      %mul3A_71 = arith.muli %scan3A_68, %mul3A_70 : i32
      %get3A = arith.index_cast %mul3A_71 : i32 to index
      %get3A_72 = tpu.vector_load %arg10[%get3A] {strides = array<i32>} : memref<640xf32, #tpu.memory_space<vmem>>, vector<16xf32>,
      %max3A = arith.constant 1.000000e+00 : f32
      %max3A_73 = vector.broadcast %max3A : f32 to vector<16xf32>
      %max3A_74 = arith.maximumf %get3A_72, %max3A_73 : vector<16xf32>
      %bitcast3A = vector.bitcast %max3A_74 : vector<16xf32> to vector<16xi32>
      %shift_right_logical3A = arith.constant 1 : i32
      %shift_right_logical3A_75 = vector.broadcast %shift_right_logical3A : i32 to vector<16xi32>
      %shift_right_logical3A_76 = arith.shrui %bitcast3A, %shift_right_logical3A_75 : vector<16xi32>
      %sub3A = arith.constant 1597463007 : i32
      %sub3A_77 = vector.broadcast %sub3A : i32 to vector<16xi32>
      %sub3A_78 = arith.subi %sub3A_77, %shift_right_logical3A_76 : vector<16xi32>
      %bitcast3A_79 = vector.bitcast %sub3A_78 : vector<16xi32> to vector<16xf32>
      %mul3A_80 = arith.constant 5.000000e-01 : f32
      %mul3A_81 = vector.broadcast %mul3A_80 : f32 to vector<16xf32>
      %mul3A_82 = arith.mulf %mul3A_81, %max3A_74 : vector<16xf32>
      %mul3A_83 = arith.mulf %mul3A_82, %bitcast3A_79 : vector<16xf32>
      %mul3A_84 = arith.mulf %mul3A_83, %bitcast3A_79 : vector<16xf32>
      %sub3A_85 = arith.constant 1.500000e+00 : f32
      %sub3A_86 = vector.broadcast %sub3A_85 : f32 to vector<16xf32>
      %sub3A_87 = arith.subf %sub3A_86, %mul3A_84 : vector<16xf32>
      %mul3A_88 = arith.mulf %bitcast3A_79, %sub3A_87 : vector<16xf32>
      %mul3A_89 = arith.constant 5.000000e-01 : f32
      %mul3A_90 = vector.broadcast %mul3A_89 : f32 to vector<16xf32>
      %mul3A_91 = arith.mulf %mul3A_90, %max3A_74 : vector<16xf32>
      %mul3A_92 = arith.mulf %mul3A_91, %mul3A_88 : vector<16xf32>
      %mul3A_93 = arith.mulf %mul3A_92, %mul3A_88 : vector<16xf32>
      %sub3A_94 = arith.constant 1.500000e+00 : f32
      %sub3A_95 = vector.broadcast %sub3A_94 : f32 to vector<16xf32>
      %sub3A_96 = arith.subf %sub3A_95, %mul3A_93 : vector<16xf32>
      %mul3A_97 = arith.mulf %mul3A_88, %sub3A_96 : vector<16xf32>
      %mul3A_98 = arith.constant 5.000000e-01 : f32
      %mul3A_99 = vector.broadcast %mul3A_98 : f32 to vector<16xf32>
      %mul3A_100 = arith.mulf %mul3A_99, %max3A_74 : vector<16xf32>
      %mul3A_101 = arith.mulf %mul3A_100, %mul3A_97 : vector<16xf32>
      %mul3A_102 = arith.mulf %mul3A_101, %mul3A_97 : vector<16xf32>
      %sub3A_103 = arith.constant 1.500000e+00 : f32
      %sub3A_104 = vector.broadcast %sub3A_103 : f32 to vector<16xf32>
      %sub3A_105 = arith.subf %sub3A_104, %mul3A_102 : vector<16xf32>
      %mul3A_106 = arith.mulf %mul3A_97, %sub3A_105 : vector<16xf32>
      %swap3A = arith.index_cast %mul3A_71 : i32 to index
      %swap3A_107 = tpu.vector_load %arg10[%swap3A] {strides = array<i32>} : memref<640xf32, #tpu.memory_space<vmem>>, vector<16xf32>,
      tpu.vector_store %arg10[%swap3A], %mul3A_106 {strides = array<i32>} : memref<640xf32, #tpu.memory_space<vmem>>, vector<16xf32>,
      %scan3A_108 = arith.constant 0 : i32
      scf.yield %scan3A_108 : i32
    }
    %scan3A_67 = arith.constant 40 : i32
    "tpu.region"() ({
      %run_scoped3A_68 = tpu.sem_alloc : memref<!tpu.dma_semaphore, #tpu.memory_space<semaphore_mem>>
      %dma_start3A_69 = tpu.memref_slice %arg3[%arg0, %mul3A_36] : memref<2x10240xf32, #tpu.memory_space<hbm>> -> memref<1x640xf32, #tpu.memory_space<hbm>>
      %dma_start3A_70 = tpu.memref_squeeze %dma_start3A_69 : memref<1x640xf32, #tpu.memory_space<hbm>> -> memref<640xf32, #tpu.memory_space<hbm>>
      %dma_start3A_71 = tpu.memref_slice %arg3[%arg0, %mul3A_36] : memref<2x10240xf32, #tpu.memory_space<hbm>> -> memref<1x640xf32, #tpu.memory_space<hbm>>
      %dma_start3A_72 = tpu.memref_squeeze %dma_start3A_71 : memref<1x640xf32, #tpu.memory_space<hbm>> -> memref<640xf32, #tpu.memory_space<hbm>>
      tpu.enqueue_dma source(%arg10 : memref<640xf32, #tpu.memory_space<vmem>>) target(%dma_start3A_72 : memref<640xf32, #tpu.memory_space<hbm>>) target_semaphore(%run_scoped3A_68 : memref<!tpu.dma_semaphore, #tpu.memory_space<semaphore_mem>>)
      %dma_wait3A_73 = tpu.memref_slice %arg3[%arg0, %mul3A_36] : memref<2x10240xf32, #tpu.memory_space<hbm>> -> memref<1x640xf32, #tpu.memory_space<hbm>>
      %dma_wait3A_74 = tpu.memref_squeeze %dma_wait3A_73 : memref<1x640xf32, #tpu.memory_space<hbm>> -> memref<640xf32, #tpu.memory_space<hbm>>
      %dma_wait3A_75 = tpu.memref_slice %arg3[%arg0, %mul3A_36] : memref<2x10240xf32, #tpu.memory_space<hbm>> -> memref<1x640xf32, #tpu.memory_space<hbm>>
      %dma_wait3A_76 = tpu.memref_squeeze %dma_wait3A_75 : memref<1x640xf32, #tpu.memory_space<hbm>> -> memref<640xf32, #tpu.memory_space<hbm>>
      tpu.wait_dma2 semaphore(%run_scoped3A_68 : memref<!tpu.dma_semaphore, #tpu.memory_space<semaphore_mem>>) src(%arg10 : memref<640xf32, #tpu.memory_space<vmem>>) dst(%dma_wait3A_76 : memref<640xf32, #tpu.memory_space<hbm>>)
      tpu.yield
    }) : () -> ()
    return
  }
}

module attributes {stable_mosaic.version = 14 : i64} {
  func.func @_matmul_body(%arg0: i32, %arg1: memref<1024x128xf32, #tpu.memory_space<vmem>>, %arg2: memref<128x128xf32, #tpu.memory_space<vmem>>, %arg3: memref<1024x128xf32, #tpu.memory_space<vmem>>) attributes {dimension_semantics = [#tpu.dimension_semantics<arbitrary>], iteration_bounds = array<i64: 10>, scalar_prefetch = 0 : i64, scratch_operands = 0 : i64, tpu.core_type = #tpu.core_type<tc>, window_params = [{transform_indices = @transform_0, window_bounds = array<i64: 1024, 128>}, {pipeline_mode = #tpu.pipeline_mode<synchronous>, transform_indices = @transform_1, window_bounds = array<i64: 128, 128>}, {transform_indices = @transform_2, window_bounds = array<i64: 1024, 128>}]} {
    %get3A = arith.constant 0 : index
    %get3A_0 = arith.constant 0 : index
    %get3A_1 = vector.load %arg1[%get3A, %get3A_0] : memref<1024x128xf32, #tpu.memory_space<vmem>>, vector<1024x128xf32>
    %get3A_2 = arith.constant 0 : index
    %get3A_3 = arith.constant 0 : index
    %get3A_4 = vector.load %arg2[%get3A_2, %get3A_3] : memref<128x128xf32, #tpu.memory_space<vmem>>, vector<128x128xf32>
    %dot_general3A = arith.constant dense<0.000000e+00> : vector<1024x128xf32>
    %dot_general3A_5 = tpu.matmul %get3A_1, %get3A_4, %dot_general3A {dimension_numbers = #tpu.dot_dimension_numbers<[1], [0], [0], [1], [0, 0, 1, 1], [], []>, transpose_lhs_hint = false} : vector<1024x128xf32>, vector<128x128xf32>, vector<1024x128xf32> -> vector<1024x128xf32>
    %swap3A = arith.constant 0 : index
    %swap3A_6 = arith.constant 0 : index
    %swap3A_7 = vector.load %arg3[%swap3A, %swap3A_6] : memref<1024x128xf32, #tpu.memory_space<vmem>>, vector<1024x128xf32>
    tpu.vector_store %arg3[%swap3A, %swap3A_6], %dot_general3A_5 {strides = array<i32>} : memref<1024x128xf32, #tpu.memory_space<vmem>>, vector<1024x128xf32>,
    return
  }
  func.func @transform_0(%arg0: i32) -> (i32, i32) {
    %c0_i32 = arith.constant 0 : i32
    %c0_i32_0 = arith.constant 0 : i32
    return %arg0, %c0_i32 : i32, i32
  }
  func.func @transform_1(%arg0: i32) -> (i32, i32) {
    %c0_i32 = arith.constant 0 : i32
    %c0_i32_0 = arith.constant 0 : i32
    %c0_i32_1 = arith.constant 0 : i32
    return %c0_i32, %c0_i32_0 : i32, i32
  }
  func.func @transform_2(%arg0: i32) -> (i32, i32) {
    %c0_i32 = arith.constant 0 : i32
    %c0_i32_0 = arith.constant 0 : i32
    return %arg0, %c0_i32 : i32, i32
  }
}

module attributes {stable_mosaic.version = 14 : i64} {
  func.func @_scale_body(%arg0: i32, %arg1: memref<1024x128xf32, #tpu.memory_space<vmem>>, %arg2: memref<2x1024xf32, #tpu.memory_space<vmem>>, %arg3: memref<1024x128xf32, #tpu.memory_space<vmem>>) attributes {dimension_semantics = [#tpu.dimension_semantics<arbitrary>], iteration_bounds = array<i64: 10>, scalar_prefetch = 0 : i64, scratch_operands = 0 : i64, tpu.core_type = #tpu.core_type<tc>, window_params = [{transform_indices = @transform_0, window_bounds = array<i64: 1024, 128>}, {transform_indices = @transform_1, window_bounds = array<i64: 2, 1024>}, {transform_indices = @transform_2, window_bounds = array<i64: 1024, 128>}]} {
    %get3A = arith.constant 0 : index
    %get3A_0 = arith.constant 0 : index
    %get3A_1 = vector.load %arg1[%get3A, %get3A_0] : memref<1024x128xf32, #tpu.memory_space<vmem>>, vector<1024x128xf32>
    %get3A_2 = arith.constant 0 : index
    %get3A_3 = arith.constant 0 : index
    %get3A_4 = vector.load %arg2[%get3A_2, %get3A_3] : memref<2x1024xf32, #tpu.memory_space<vmem>>, vector<1x1024xf32>
    %get3A_5 = vector.shape_cast %get3A_4 : vector<1x1024xf32> to vector<1024xf32>
    %broadcast_in_dim3A = vector.shape_cast %get3A_5 : vector<1024xf32> to vector<1024x1xf32>
    %mul3A = vector.broadcast %broadcast_in_dim3A : vector<1024x1xf32> to vector<1024x128xf32>
    %mul3A_6 = arith.mulf %get3A_1, %mul3A : vector<1024x128xf32>
    %swap3A = arith.constant 0 : index
    %swap3A_7 = arith.constant 0 : index
    %swap3A_8 = vector.load %arg3[%swap3A, %swap3A_7] : memref<1024x128xf32, #tpu.memory_space<vmem>>, vector<1024x128xf32>
    tpu.vector_store %arg3[%swap3A, %swap3A_7], %mul3A_6 {strides = array<i32>} : memref<1024x128xf32, #tpu.memory_space<vmem>>, vector<1024x128xf32>,
    return
  }
  func.func @transform_0(%arg0: i32) -> (i32, i32) {
    %c0_i32 = arith.constant 0 : i32
    %c0_i32_0 = arith.constant 0 : i32
    return %arg0, %c0_i32 : i32, i32
  }
  func.func @transform_1(%arg0: i32) -> (i32, i32) {
    %c0_i32 = arith.constant 0 : i32
    %c0_i32_0 = arith.constant 0 : i32
    return %c0_i32, %arg0 : i32, i32
  }
  func.func @transform_2(%arg0: i32) -> (i32, i32) {
    %c0_i32 = arith.constant 0 : i32
    %c0_i32_0 = arith.constant 0 : i32
    return %arg0, %c0_i32 : i32, i32
  }
}

module attributes {stable_mosaic.version = 14 : i64} {
  func.func @_final_body(%arg0: i32, %arg1: memref<1x1024x128xf32, #tpu.memory_space<vmem>>, %arg2: memref<1x1024x128xf32, #tpu.memory_space<vmem>>, %arg3: memref<2x1024xf32, #tpu.memory_space<vmem>>, %arg4: memref<1x128xf32, #tpu.memory_space<vmem>>, %arg5: memref<1024x128xf32, #tpu.memory_space<vmem>>) attributes {dimension_semantics = [#tpu.dimension_semantics<arbitrary>], iteration_bounds = array<i64: 10>, scalar_prefetch = 0 : i64, scratch_operands = 0 : i64, tpu.core_type = #tpu.core_type<tc>, window_params = [{transform_indices = @transform_0, window_bounds = array<i64: 1, 1024, 128>}, {transform_indices = @transform_1, window_bounds = array<i64: 1, 1024, 128>}, {transform_indices = @transform_2, window_bounds = array<i64: 2, 1024>}, {pipeline_mode = #tpu.pipeline_mode<synchronous>, transform_indices = @transform_3, window_bounds = array<i64: 1, 128>}, {transform_indices = @transform_4, window_bounds = array<i64: 1024, 128>}]} {
    %get3A = arith.constant 0 : index
    %get3A_0 = arith.constant 0 : index
    %get3A_1 = arith.constant 0 : index
    %get3A_2 = vector.load %arg1[%get3A, %get3A_0, %get3A_1] : memref<1x1024x128xf32, #tpu.memory_space<vmem>>, vector<1x1024x128xf32>
    %get3A_3 = vector.shape_cast %get3A_2 : vector<1x1024x128xf32> to vector<1024x128xf32>
    %get3A_4 = arith.constant 0 : index
    %get3A_5 = arith.constant 0 : index
    %get3A_6 = arith.constant 0 : index
    %get3A_7 = vector.load %arg2[%get3A_4, %get3A_5, %get3A_6] : memref<1x1024x128xf32, #tpu.memory_space<vmem>>, vector<1x1024x128xf32>
    %get3A_8 = vector.shape_cast %get3A_7 : vector<1x1024x128xf32> to vector<1024x128xf32>
    %add3A = arith.addf %get3A_3, %get3A_8 : vector<1024x128xf32>
    %get3A_9 = arith.constant 1 : index
    %get3A_10 = arith.constant 0 : index
    %get3A_11 = vector.load %arg3[%get3A_9, %get3A_10] : memref<2x1024xf32, #tpu.memory_space<vmem>>, vector<1x1024xf32>
    %get3A_12 = vector.shape_cast %get3A_11 : vector<1x1024xf32> to vector<1024xf32>
    %broadcast_in_dim3A = vector.shape_cast %get3A_12 : vector<1024xf32> to vector<1024x1xf32>
    %mul3A = vector.broadcast %broadcast_in_dim3A : vector<1024x1xf32> to vector<1024x128xf32>
    %mul3A_13 = arith.mulf %add3A, %mul3A : vector<1024x128xf32>
    %get3A_14 = arith.constant 0 : index
    %get3A_15 = arith.constant 0 : index
    %get3A_16 = vector.load %arg4[%get3A_14, %get3A_15] : memref<1x128xf32, #tpu.memory_space<vmem>>, vector<1x128xf32>
    %add3A_17 = vector.broadcast %get3A_16 : vector<1x128xf32> to vector<1024x128xf32>
    %add3A_18 = arith.addf %mul3A_13, %add3A_17 : vector<1024x128xf32>
    %swap3A = arith.constant 0 : index
    %swap3A_19 = arith.constant 0 : index
    %swap3A_20 = vector.load %arg5[%swap3A, %swap3A_19] : memref<1024x128xf32, #tpu.memory_space<vmem>>, vector<1024x128xf32>
    tpu.vector_store %arg5[%swap3A, %swap3A_19], %add3A_18 {strides = array<i32>} : memref<1024x128xf32, #tpu.memory_space<vmem>>, vector<1024x128xf32>,
    return
  }
  func.func @transform_0(%arg0: i32) -> (i32, i32, i32) {
    %c0_i32 = arith.constant 0 : i32
    %c0_i32_0 = arith.constant 0 : i32
    %c0_i32_1 = arith.constant 0 : i32
    return %c0_i32, %arg0, %c0_i32_0 : i32, i32, i32
  }
  func.func @transform_1(%arg0: i32) -> (i32, i32, i32) {
    %c1_i32 = arith.constant 1 : i32
    %c0_i32 = arith.constant 0 : i32
    %c0_i32_0 = arith.constant 0 : i32
    return %c1_i32, %arg0, %c0_i32 : i32, i32, i32
  }
  func.func @transform_2(%arg0: i32) -> (i32, i32) {
    %c0_i32 = arith.constant 0 : i32
    %c0_i32_0 = arith.constant 0 : i32
    return %c0_i32, %arg0 : i32, i32
  }
  func.func @transform_3(%arg0: i32) -> (i32, i32) {
    %c0_i32 = arith.constant 0 : i32
    %c0_i32_0 = arith.constant 0 : i32
    %c0_i32_1 = arith.constant 0 : i32
    return %c0_i32, %c0_i32_0 : i32, i32
  }
  func.func @transform_4(%arg0: i32) -> (i32, i32) {
    %c0_i32 = arith.constant 0 : i32
    %c0_i32_0 = arith.constant 0 : i32
    return %arg0, %c0_i32 : i32, i32
  }
}

</mosaic_0001>

<sc_bundles>
// kernel: kernel.10.cloned.1.call-start
scs
__scs_entry_jumppad:
0x0: {  	(pc) =	sbr.rel $0x88, $3  }
0x1: {  	(tag) =	ssettag $0x0;
	lr =	simm.s32 $0x1  }
0x2: {  	[smem:$0x3F9D] =	sst lr;
	_ =	strace $0xD0000000  }
0x3: {  	_ = 	snop  }
0x4: {  	_ = 	snop  }
0x5: {  	_ = 	snop  }
0x6: {  	_ = 	snop  }
0x7: {  	_ = 	snop  }
__scs_overlays_trampoline_lowered:
0x8: {  	[smem:$0x3FAC] =	sst s0  }
0x9: {  	[smem:$0x3FAD] =	sst s1  }
0xa: {  	[smem:$0x3FAE] =	sst s2  }
0xb: {  	[smem:$0x3FAF] =	sst s3  }
0xc: {  	[smem:$0x3FB0] =	sst s4  }
0xd: {  	[smem:$0x3FB1] =	sst s5  }
0xe: {  	[smem:$0x3FB2] =	sst s6  }
0xf: {  	[smem:$0x3FB3] =	sst s7  }
0x10: {  	[smem:$0x3FB4] =	sst s8  }
0x11: {  	[smem:$0x3FB5] =	sst s9;
	s0 =	simm.s32 @!p0 $0x0  }
0x12: {  	s1 =	sld [smem:$0x3F9B];
	s0 =	simm.s32 @p0 $0x1  }
0x13: {  	[smem:$0x3FB6] =	sst s0;
	s0 =	simm.s32 @!p1 $0x0  }
0x14: {  	s2 =	sld [smem:$0x3F9A];
	s0 =	simm.s32 @p1 $0x1  }
0x15: {  	[smem:$0x3FB7] =	sst s0;
	s0 =	simm.s32 @!p2 $0x0  }
0x16: {  	s3 =	sld [smem:$0x3FDB];
	s0 =	simm.s32 @p2 $0x1  }
0x17: {  	s4 =	simm.s32 $0x1BF5;
	[smem:$0x3FB9] =	sst s0  }
0x18: {  	s0 =	sld [smem:$0x3F9C];
	_ =	swait.ge [sflag:s4], $0x0  }
0x19: {  	s7 =	sld [smem:$0x3F9D]  }
0x1a: {  	s8 =	sadd.s32 $0xFFFFE003, lr  }
0x1b: {  	s9 =	sadd.s32 $0xFFFFFEF7, lr;
	s5 =	simm.s32 $0xFFFFFFFF;
	p2 =	slt.u32 s8, $0xFFFFF086  }
0x1c: {  	p1 =	slt.u32 s9, $0xF7A;
	s5 =	simm.s32 @!p2 $0x0  }
0x1d: {  	s5 =	simm.s32 @p1 $0x1;
	p0 =	seq.s32 s7, s2  }
0x1e: {  	s7 =	smul.u32 @!p0 $0xF7A, s2;
	p2 =	seq.s32 @!p0 s5, $0x0  }
0x1f: {  	s9 =	smul.u32 $0xF7A, s1;
	s8 =	simm.s32 @!p0 $0x1BF5;
	p2 =	por !p2, p0  }
0x20: {  	[sflag:s8] =	ssyncset.s32 @!p0 $0xFFFFF086;
	s6 =	sadd.s32 @!p0 s3, s7;
	s7 =	simm.s32 @!p0 $0x108  }
0x21: {  	s3 =	sadd.s32 s3, s9;
	s6 =	sadd.s32 @!p0 $0x88, s6;
	s7 =	simm.s32 @p2 $0x1082  }
0x22: {  	[simem:s7], [sflag:s8] =	dma.local @!p0 [hbm:s6], $0xF7A  }
0x23: {  	s9 =	sor.u32 $0xD0000000, s2;
	s6 =	simm.s32 $0x108;
	_ =	swait.ge @!p0 [sflag:s8], $0x0  }
0x24: {  	s3 =	sadd.s32 $0x88, s3;
	s6 =	simm.s32 @!p1 $0x1082;
	[sflag:s4] =	ssyncset.s32 $0xFFFFF086  }
0x25: {  	[simem:s6], [sflag:s4] =	dma.local [hbm:s3], $0xF7A  }
0x26: {  	[smem:$0x3F9D] =	sst s1;
	(tag) =	ssettag s2;
	_ =	strace s9  }
0x27: {  	s1 =	sld [smem:$0x3FAD]  }
0x28: {  	s2 =	sld [smem:$0x3FAE]  }
0x29: {  	s4 =	sld [smem:$0x3FB0]  }
0x2a: {  	p0 =	seq.s32 s5, $0x0;
	s5 =	sld [smem:$0x3FB1]  }
0x2b: {  	s6 =	sld [smem:$0x3FB2]  }
0x2c: {  	s7 =	sld [smem:$0x3FB3]  }
0x2d: {  	s3 =	simm.s32 $0x108;
	s8 =	sld [smem:$0x3FB4]  }
0x2e: {  	s3 =	simm.s32 @!p0 $0x1082;
	s9 =	sld [smem:$0x3FB5]  }
0x2f: {  	lr =	sadd.s32 s0, s3;
	s0 =	sld [smem:$0x3FAC]  }
0x30: {  	s3 =	sld [smem:$0x3FAF]  }
0x31: {  	[smem:$0x3FB8] =	sst s10  }
0x32: {  	s10 =	sld [smem:$0x3FB6];
	_ =	sdelay $0x3  }
0x33: {  	p0 =	seq.s32 s10, $0x1;
	s10 =	sld [smem:$0x3FB8];
	_ =	sdelay $0x3  }
0x34: {  	[smem:$0x3FB8] =	sst s10  }
0x35: {  	s10 =	sld [smem:$0x3FB7];
	_ =	sdelay $0x3  }
0x36: {  	p1 =	seq.s32 s10, $0x1;
	s10 =	sld [smem:$0x3FB8];
	_ =	sdelay $0x3  }
0x37: {  	[smem:$0x3FB8] =	sst s10  }
0x38: {  	s10 =	sld [smem:$0x3FB9]  }
0x39: {  	_ = 	snop;
	(pc) =	sbr.ind lr, $3  }
0x3a: {  	_ = 	snop  }
0x3b: {  	_ = 	snop  }
0x3c: {  	p2 =	seq.s32 s10, $0x1;
	s10 =	sld [smem:$0x3FB8]  }
0x3d: {  	_ =	shalt  }
0x3e: {  	_ =	shalt  }
0x3f: {  	_ =	shalt  }
0x40: {  	_ =	shalt  }
0x41: {  	_ =	shalt  }
0x42: {  	_ =	shalt  }
0x43: {  	_ =	shalt  }
0x44: {  	_ =	shalt  }
0x45: {  	_ =	shalt  }
0x46: {  	_ =	shalt  }
0x47: {  	_ =	shalt  }
0x48: {  	_ =	shalt  }
0x49: {  	_ =	shalt  }
0x4a: {  	_ =	shalt  }
0x4b: {  	_ =	shalt  }
0x4c: {  	_ =	shalt  }
0x4d: {  	_ =	shalt  }
0x4e: {  	_ =	shalt  }
0x4f: {  	_ =	shalt  }
0x50: {  	_ =	shalt  }
0x51: {  	_ =	shalt  }
0x52: {  	_ =	shalt  }
0x53: {  	_ =	shalt  }
0x54: {  	_ =	shalt  }
0x55: {  	_ =	shalt  }
0x56: {  	_ =	shalt  }
0x57: {  	_ =	shalt  }
0x58: {  	_ =	shalt  }
0x59: {  	_ =	shalt  }
0x5a: {  	_ =	shalt  }
0x5b: {  	_ =	shalt  }
0x5c: {  	_ =	shalt  }
0x5d: {  	_ =	shalt  }
0x5e: {  	_ =	shalt  }
0x5f: {  	_ =	shalt  }
0x60: {  	_ =	shalt  }
0x61: {  	_ =	shalt  }
0x62: {  	_ =	shalt  }
0x63: {  	_ =	shalt  }
0x64: {  	_ =	shalt  }
0x65: {  	_ =	shalt  }
0x66: {  	_ =	shalt  }
0x67: {  	_ =	shalt  }
0x68: {  	_ =	shalt  }
0x69: {  	_ =	shalt  }
0x6a: {  	_ =	shalt  }
0x6b: {  	_ =	shalt  }
0x6c: {  	_ =	shalt  }
0x6d: {  	_ =	shalt  }
0x6e: {  	_ =	shalt  }
0x6f: {  	_ =	shalt  }
0x70: {  	_ =	shalt  }
0x71: {  	_ =	shalt  }
0x72: {  	_ =	shalt  }
0x73: {  	_ =	shalt  }
0x74: {  	_ =	shalt  }
0x75: {  	_ =	shalt  }
0x76: {  	_ =	shalt  }
0x77: {  	_ =	shalt  }
0x78: {  	_ =	shalt  }
0x79: {  	_ =	shalt  }
0x7a: {  	_ =	shalt  }
0x7b: {  	_ =	shalt  }
0x7c: {  	_ =	shalt  }
0x7d: {  	_ =	shalt  }
0x7e: {  	_ =	shalt  }
0x7f: {  	_ =	shalt  }
0x80: {  	_ =	shalt  }
0x81: {  	_ =	shalt  }
0x82: {  	_ =	shalt  }
0x83: {  	_ =	shalt  }
0x84: {  	_ =	shalt  }
0x85: {  	_ =	shalt  }
0x86: {  	_ =	shalt  }
0x87: {  	_ =	shalt  }
.Lfunc_end0:
.L_simem_size_0:
called_computation.1_lowered:
.L_overlay_start_0:
0x88: {  	s2 =	sld [smem:$0x3FD9]  }
0x89: {  	s3 =	sld [smem:$0x3FFE];
	_ =	sdelay $0x1  }
0x8a: {  	s1 =	srdreg.scid  }
0x8b: {  	s0 =	sand.u32 $0x1, s1  }
0x8c: {  	s17 =	sshll.u32 s0, $0xA;
	s2 =	sadd.s32 s3, s2  }
0x8d: {  	s2 =	sadd.s32 s2, s17  }
0x8e: {  	[smem:$0x3FC4] =	sst s2  }
0x8f: {  	_ = 	snop  }
0x90: {  	s2 =	sld [smem:$0x3FD0];
	(tm) =	ssettm $0x1  }
0x91: {  	s18 =	sld [smem:$0x3FFB];
	_ =	sdelay $0x3  }
0x92: {  	_ =	strace s18  }
0x93: {  	s3 =	sld [smem:$0x3FFC];
	_ =	sdelay $0x3  }
0x94: {  	_ =	strace s3  }
0x95: {  	s3 =	sld [smem:$0x3FFD];
	_ =	sdelay $0x3  }
0x96: {  	_ =	strace s3  }
0x97: {  	_ =	strace $0x8FFFFFFF  }
0x98: {  	s19 =	sld [smem:$0x3FDB];
	_ =	sdelay $0x1  }
0x99: {  	s4 =	simm.s32 $_scs_section_size  }
0x9a: {  	s5 =	simm.s32 $_size__tile_overlayer_lowered;
	s6 =	simm.s32 $_tile_overlayer_lowered  }
0x9b: {  	s22 =	simm.s32 $0x1BFF;
	s21 =	sshll.u32 s6, $0x1;
	s3 =	sadd.s32 s4, s19  }
0x9c: {  	s7 =	simm.s32 $0x0;
	s20 =	sshll.u32 s5, $0x1;
	s5 =	sadd.s32 s21, s3  }
0x9d: {  	[timem:s7], [sflag:s22] =	dma.local [hbm:s5], s20  }
0x9e: {  	_ =	swait.ge [sflag:s22], s20  }
0x9f: {  	s4 =	ssub.s32 $0x0, s20;
	[sflag:s22] =	ssyncset.done $0x0  }
0xa0: {  	[sflag:s22] =	ssyncadd.s32 s4;
	_ =	sdelay $0x1  }
0xa1: {  	s23 =	simm.s32 $0x1B8B  }
0xa2: {  	_ =	swait.ge [sflag:s23], $0x1  }
0xa3: {  	[sflag:s23] =	ssyncset.done $0x0  }
0xa4: {  	s25 =	simm.s32 $0x1B8E;
	s24 =	sld [smem:$0x3FFE];
	[sflag:s23] =	ssyncadd.s32 $0xFFFFFFFF  }
0xa5: {  	s26 =	simm.s32 $execute0_lowered;
	[smem:$0x3FD2] =	sst s25  }
0xa6: {  	s5 =	sshll.u32 s26, $0x1;
	_ =	strace $0x80000049;
	[dreg:$0x1] =	wrdreg $0xFFFFFFFF  }
0xa7: {  	s28 =	simm.s32 $_size_execute0_lowered;
	s3 =	sadd.s32 s3, s5;
	[dreg:$0x0] =	wrdreg $0x0  }
0xa8: {  	s5 =	sshll.u32 s28, $0x1;
	[dreg:$0x2] =	wrdreg s3  }
0xa9: {  	[dreg:$0x3] =	wrdreg s5  }
0xaa: {  	[dreg:$0x4] =	wrdreg $0xC0  }
0xab: {  	_ =	task [dreg:s7], $0x5FFFF  }
0xac: {  	[dreg:$0x1] =	wrdreg $0xFFFFFFFF  }
0xad: {  	[dreg:$0x0] =	wrdreg $0x60  }
0xae: {  	[dreg:$0x2] =	wrdreg s2  }
0xaf: {  	[dreg:$0x3] =	wrdreg s24  }
0xb0: {  	[dreg:$0x4] =	wrdreg $0x0  }
0xb1: {  	[dreg:$0x5] =	wrdreg $0x9  }
0xb2: {  	_ =	task.clear_ibuf [dreg:s7], $0x6FFFF;
	_ =	strace $0x90000049  }
0xb3: {  	s29 =	simm.s32 $0x9;
	_ =	strace $0x8000004B  }
0xb4: {  	_ =	swait.ge [sflag:s29], $0x1  }
0xb5: {  	[sflag:s29] =	ssyncadd.s32 $0xFFFFFFFF  }
0xb6: {  	_ =	strace $0x9000004B  }
0xb7: {  	_ =	sfence  }
0xb8: {  	s30 =	sld [smem:$0x0];
	_ =	sdelay $0x2  }
0xb9: {  	s31 =	sshll.u32 s1, $0xD;
	s1 =	sshrl.u32 s1, $0x2  }
0xba: {  	s3 =	sand.u32 $0x4000, s31;
	s1 =	sadd.s32 s1, s30  }
0xbb: {  	s0 =	sor.u32 s3, s0;
	s1 =	sshll.u32 s1, $0x11  }
0xbc: {  	s0 =	sor.u32 s1, s0  }
0xbd: {  	s0 =	sadd.s32 $0x8F2B, s0  }
0xbe: {  	[sflag:s0] =	ssyncadd.remote.s32 $0x1  }
0xbf: {  	_ =	sfence.sel $0xFFFF  }
0xc0: {  	[dreg:$0x0] =	wrdreg $0xFFFFFFFF;
	(pc) =	sbr.abs _section_cstart, $3  }
0xc1: {  	[dreg:$0x1] =	wrdreg $0xFFFFFFFF  }
0xc2: {  	_ =	task.clear_ibuf [dreg:s7], $0x2FFFF;
	_ =	strace $0x9FFFFFFF  }
0xc3: {  	(tm) =	ssettm $0x7FFFFFFF  }
tec
execute0_lowered:
.L_overlay_start_1:
0x0: {  	(tag) =	ssettag $0x1  }
0x1: {  	s0 =	rddreg [dreg:$0x0]  }
0x2: {  	s1 =	rddreg [dreg:$0x1]  }
0x3: {  	s2 =	srdreg.scid;
	s8 =	stileid.u32  }
0x4: {  	s3 =	rddreg [dreg:$0x2];
	s7 =	smul.u32 $0x50000, s8  }
0x5: {  	s10 =	simm.s32 $0x0;
	s28 =	simm.s32 $0x14000;
	s29 =	simm.s32 $0x15C00  }
0x6: {  	s30 =	simm.s32 $0x28;
	s2 =	sand.u32 $0x1, s2;
	s7 =	sshrl.u32 s7, $0x2  }
0x7: {  	s6 =	smul.u32 $0x14000, s8;
	[smem:$0x7FF] =	sst s10;
	s19 =	sadd.s32 s7, s3  }
0x8: {  	_ =	strace $0x8000004A;
	s12 =	sadd.s32 $0x1400, s19;
	[dreg:$0x6] =	wrdreg s19  }
0x9: {  	s5 =	sadd.s32 $0x2600, s1;
	s13 =	sadd.s32 $0x2800, s19;
	[dreg:$0x8] =	wrdreg s12  }
0xa: {  	s4 =	smul.u32 $0x140000, s2;
	s14 =	sadd.s32 $0x3C00, s19;
	[dreg:$0x9] =	wrdreg s13  }
0xb: {  	s31 =	ssub.s32 $0x2, s2;
	s15 =	sadd.s32 $0x5000, s19;
	[dreg:$0xa] =	wrdreg s14  }
0xc: {  	s2 =	sshll.u32 s2, $0x4;
	s16 =	sadd.s32 $0x6400, s19;
	[dreg:$0xb] =	wrdreg s15  }
0xd: {  	s9 =	sshrl.u32 s31, $0x1;
	s17 =	sadd.s32 $0x7800, s19;
	[dreg:$0xc] =	wrdreg s16  }
0xe: {  	s2 =	sor.u32 s8, s2;
	s18 =	sadd.s32 $0x8C00, s19;
	[dreg:$0xd] =	wrdreg s17  }
0xf: {  	s8 =	simm.s32 $0x17480;
	s20 =	sadd.s32 $0xA000, s19;
	[dreg:$0xe] =	wrdreg s18  }
0x10: {  	s4 =	sadd.s32 s6, s4;
	s21 =	sadd.s32 $0xB400, s19;
	[dreg:$0xf] =	wrdreg s20  }
0x11: {  	s6 =	smul.u32 $0x5, s2;
	s22 =	sadd.s32 $0xC800, s19;
	[dreg:$0x10] =	wrdreg s21  }
0x12: {  	s7 =	simm.s32 $0x1A000;
	s23 =	sadd.s32 $0xDC00, s19;
	[dreg:$0x11] =	wrdreg s22  }
0x13: {  	s4 =	sshrl.u32 s4, $0x3;
	s24 =	sadd.s32 $0xF000, s19;
	[dreg:$0x12] =	wrdreg s23  }
0x14: {  	s25 =	sadd.s32 $0x10400, s19;
	s26 =	sadd.s32 $0x11800, s19;
	[dreg:$0x13] =	wrdreg s24  }
0x15: {  	s1 =	sadd.s32 s4, s1;
	s4 =	ssub.s32 s31, s9;
	[dreg:$0x14] =	wrdreg s25  }
0x16: {  	[dreg:$0x15] =	wrdreg s26;
	s31 =	sadd.s32 $0x12C00, s19;
	s25 =	simm.s32 $0x17800  }
0x17: {  	s26 =	simm.s32 $0x9;
	s9 =	simm.s32 $0x1;
	s12 =	simm.s32 $0x2  }
0x18: {  	s13 =	simm.s32 $0x5;
	s14 =	simm.s32 $0x3;
	s15 =	simm.s32 $0x6  }
0x19: {  	s16 =	simm.s32 $0x4;
	s17 =	simm.s32 $0x7;
	s18 =	simm.s32 $0x8  }
0x1a: {  	s20 =	simm.s32 $0x15800;
	s21 =	simm.s32 $0x17300;
	s22 =	simm.s32 $0x15880  }
0x1b: {  	s23 =	simm.s32 $0x17380;
	s1 =	sadd.s32 $0x48600, s1;
	[dreg:$0x16] =	wrdreg s31  }
0x1c: {  	s24 =	simm.s32 $0x17400;
	s11 =	smax.u32 s4, $0x1;
	[dreg:$0x5] =	wrdreg s1  }
0x1d: {  	v0 =	vimm.f32 $0.0e+00;
	[dreg:$0x7] =	wrdreg s11;
	s1 =	simm.s32 $0x18C00;
	s11 =	simm.s32 $0x1B400  }
.LBB2_1:
0x1e: {  	[dreg:$0x4] =	wrdreg s10;
	s2 =	simm.s32 $0x70;
	s4 =	simm.s32 $0x3C0  }
.LBB2_2:
0x1f: {  	p0 =	sne.s32 s4, $0x4FC0;
	[tilespmem:s2+$0x17800] =	vst v0  }
0x20: {  	[tilespmem:s2+$0x17790] =	vst v0  }
0x21: {  	[tilespmem:s2+$0x177A0] =	vst v0  }
.Ltmp0:
0x22: {  	[tilespmem:s2+$0x177B0] =	vst v0;
	(pc) =	sbr.rel @p0 .LBB2_2-.Ltmp0, $4  }
0x23: {  	[tilespmem:s2+$0x177C0] =	vst v0  }
0x24: {  	[tilespmem:s2+$0x177D0] =	vst v0  }
0x25: {  	[tilespmem:s2+$0x177E0] =	vst v0  }
0x26: {  	[tilespmem:s2+$0x177F0] =	vst v0;
	s2 =	sshra.s32 s4, $0x2;
	s4 =	sadd.s32 $0x200, s4  }
0x27: {  	[tilespmem:s2+$0x17800] =	vst v0  }
0x28: {  	[tilespmem:s2+$0x17790] =	vst v0  }
0x29: {  	[tilespmem:s2+$0x177A0] =	vst v0  }
0x2a: {  	[tilespmem:s2+$0x177B0] =	vst v0  }
0x2b: {  	[tilespmem:s2+$0x177C0] =	vst v0  }
0x2c: {  	[tilespmem:s2+$0x177D0] =	vst v0  }
0x2d: {  	[tilespmem:s2+$0x177E0] =	vst v0  }
0x2e: {  	[tilespmem:s2+$0x177F0] =	vst v0  }
0x2f: {  	[spmem:s19] =	stream.linear.scatter [tilespmem:s25], [sflag:$0x9], $0x1400, $0x38;
	[tilespmem:$0x1C800] =	vst v63  }
0x30: {  	_ =	swait.ge [sflag:s26], $0x1400  }
0x31: {  	[sflag:s26] =	ssyncset.done $0x0  }
0x32: {  	s4 =	rddreg [dreg:$0x8];
	[sflag:s26] =	ssyncadd.s32 $0xFFFFEC00  }
0x33: {  	[spmem:s4] =	stream.linear.scatter [tilespmem:s25], [sflag:$0x9], $0x1400, $0x38;
	[tilespmem:$0x1C800] =	vst v63  }
0x34: {  	_ =	swait.ge [sflag:s26], $0x1400  }
0x35: {  	[sflag:s26] =	ssyncset.done $0x0  }
0x36: {  	s10 =	rddreg [dreg:$0x9];
	[sflag:s26] =	ssyncadd.s32 $0xFFFFEC00  }
0x37: {  	[spmem:s10] =	stream.linear.scatter [tilespmem:s25], [sflag:$0x9], $0x1400, $0x38;
	[tilespmem:$0x1C800] =	vst v63  }
0x38: {  	_ =	swait.ge [sflag:s26], $0x1400  }
0x39: {  	[sflag:s26] =	ssyncset.done $0x0  }
0x3a: {  	s19 =	rddreg [dreg:$0xa];
	[sflag:s26] =	ssyncadd.s32 $0xFFFFEC00  }
0x3b: {  	[spmem:s19] =	stream.linear.scatter [tilespmem:s25], [sflag:$0x9], $0x1400, $0x38;
	[tilespmem:$0x1C800] =	vst v63  }
0x3c: {  	_ =	swait.ge [sflag:s26], $0x1400  }
0x3d: {  	[sflag:s26] =	ssyncset.done $0x0  }
0x3e: {  	s4 =	rddreg [dreg:$0xb];
	[sflag:s26] =	ssyncadd.s32 $0xFFFFEC00  }
0x3f: {  	[spmem:s4] =	stream.linear.scatter [tilespmem:s25], [sflag:$0x9], $0x1400, $0x38;
	[tilespmem:$0x1C800] =	vst v63  }
0x40: {  	_ =	swait.ge [sflag:s26], $0x1400  }
0x41: {  	[sflag:s26] =	ssyncset.done $0x0  }
0x42: {  	s10 =	rddreg [dreg:$0xc];
	[sflag:s26] =	ssyncadd.s32 $0xFFFFEC00  }
0x43: {  	[spmem:s10] =	stream.linear.scatter [tilespmem:s25], [sflag:$0x9], $0x1400, $0x38;
	[tilespmem:$0x1C800] =	vst v63  }
0x44: {  	_ =	swait.ge [sflag:s26], $0x1400  }
0x45: {  	[sflag:s26] =	ssyncset.done $0x0  }
0x46: {  	s19 =	rddreg [dreg:$0xd];
	[sflag:s26] =	ssyncadd.s32 $0xFFFFEC00  }
0x47: {  	[spmem:s19] =	stream.linear.scatter [tilespmem:s25], [sflag:$0x9], $0x1400, $0x38;
	[tilespmem:$0x1C800] =	vst v63  }
0x48: {  	_ =	swait.ge [sflag:s26], $0x1400  }
0x49: {  	[sflag:s26] =	ssyncset.done $0x0  }
0x4a: {  	s4 =	rddreg [dreg:$0xe];
	[sflag:s26] =	ssyncadd.s32 $0xFFFFEC00  }
0x4b: {  	[spmem:s4] =	stream.linear.scatter [tilespmem:s25], [sflag:$0x9], $0x1400, $0x38;
	[tilespmem:$0x1C800] =	vst v63  }
0x4c: {  	_ =	swait.ge [sflag:s26], $0x1400  }
0x4d: {  	[sflag:s26] =	ssyncset.done $0x0  }
0x4e: {  	s10 =	rddreg [dreg:$0xf];
	[sflag:s26] =	ssyncadd.s32 $0xFFFFEC00  }
0x4f: {  	[spmem:s10] =	stream.linear.scatter [tilespmem:s25], [sflag:$0x9], $0x1400, $0x38;
	[tilespmem:$0x1C800] =	vst v63  }
0x50: {  	_ =	swait.ge [sflag:s26], $0x1400  }
0x51: {  	[sflag:s26] =	ssyncset.done $0x0  }
0x52: {  	s19 =	rddreg [dreg:$0x10];
	[sflag:s26] =	ssyncadd.s32 $0xFFFFEC00  }
0x53: {  	[spmem:s19] =	stream.linear.scatter [tilespmem:s25], [sflag:$0x9], $0x1400, $0x38;
	[tilespmem:$0x1C800] =	vst v63  }
0x54: {  	_ =	swait.ge [sflag:s26], $0x1400  }
0x55: {  	[sflag:s26] =	ssyncset.done $0x0  }
0x56: {  	s4 =	rddreg [dreg:$0x11];
	[sflag:s26] =	ssyncadd.s32 $0xFFFFEC00  }
0x57: {  	[spmem:s4] =	stream.linear.scatter [tilespmem:s25], [sflag:$0x9], $0x1400, $0x38;
	[tilespmem:$0x1C800] =	vst v63  }
0x58: {  	_ =	swait.ge [sflag:s26], $0x1400  }
0x59: {  	[sflag:s26] =	ssyncset.done $0x0  }
0x5a: {  	s10 =	rddreg [dreg:$0x12];
	[sflag:s26] =	ssyncadd.s32 $0xFFFFEC00  }
0x5b: {  	[spmem:s10] =	stream.linear.scatter [tilespmem:s25], [sflag:$0x9], $0x1400, $0x38;
	[tilespmem:$0x1C800] =	vst v63  }
0x5c: {  	_ =	swait.ge [sflag:s26], $0x1400  }
0x5d: {  	[sflag:s26] =	ssyncset.done $0x0  }
0x5e: {  	s19 =	rddreg [dreg:$0x13];
	[sflag:s26] =	ssyncadd.s32 $0xFFFFEC00  }
0x5f: {  	[spmem:s19] =	stream.linear.scatter [tilespmem:s25], [sflag:$0x9], $0x1400, $0x38;
	[tilespmem:$0x1C800] =	vst v63  }
0x60: {  	_ =	swait.ge [sflag:s26], $0x1400  }
0x61: {  	[sflag:s26] =	ssyncset.done $0x0  }
0x62: {  	s4 =	rddreg [dreg:$0x14];
	[sflag:s26] =	ssyncadd.s32 $0xFFFFEC00  }
0x63: {  	[spmem:s4] =	stream.linear.scatter [tilespmem:s25], [sflag:$0x9], $0x1400, $0x38;
	[tilespmem:$0x1C800] =	vst v63  }
0x64: {  	_ =	swait.ge [sflag:s26], $0x1400  }
0x65: {  	[sflag:s26] =	ssyncset.done $0x0  }
0x66: {  	s10 =	rddreg [dreg:$0x15];
	[sflag:s26] =	ssyncadd.s32 $0xFFFFEC00  }
0x67: {  	[spmem:s10] =	stream.linear.scatter [tilespmem:s25], [sflag:$0x9], $0x1400, $0x38;
	[tilespmem:$0x1C800] =	vst v63  }
0x68: {  	_ =	swait.ge [sflag:s26], $0x1400  }
0x69: {  	[sflag:s26] =	ssyncset.done $0x0  }
0x6a: {  	s19 =	rddreg [dreg:$0x16];
	[sflag:s26] =	ssyncadd.s32 $0xFFFFEC00  }
0x6b: {  	[spmem:s19] =	stream.linear.scatter [tilespmem:s25], [sflag:$0x9], $0x1400, $0x38;
	[tilespmem:$0x1C800] =	vst v63  }
0x6c: {  	_ =	swait.ge [sflag:s26], $0x1400  }
0x6d: {  	[sflag:s26] =	ssyncset.done $0x0  }
0x6e: {  	[sflag:s26] =	ssyncadd.s32 $0xFFFFEC00  }
0x6f: {  	s31 =	simm.s32 $0x0;
	s4 =	simm.s32 $0x0;
	[bflag:$0x0] =	sbarrier.arrive $0xFFFF  }
.LBB2_4:
0x70: {  	s2 =	sadd.s32 s6, s31  }
0x71: {  	s10 =	smul.u32 $0x380, s2;
	_ =	sdelay $0x1  }
0x72: {  	s2 =	smul.u32 $0x1C00, s2;
	s10 =	sadd.s32 s5, s10  }
0x73: {  	[tilespmem:s28], [sflag:$0x9] =	stream.linear.gather [hbm4b:s10+s4], $0x1900, $0x38;
	[tilespmem:$0x1C800] =	vst v63  }
0x74: {  	s2 =	sshrl.u32 s2, $0x3;
	_ =	swait.ge [sflag:s26], $0x1900  }
0x75: {  	s2 =	sadd.s32 s5, s2;
	[sflag:s26] =	ssyncset.done $0x0  }
0x76: {  	s2 =	sadd.s32 $0x23000, s2;
	[sflag:s26] =	ssyncadd.s32 $0xFFFFE700  }
0x77: {  	[tilespmem:s29], [sflag:$0x9] =	stream.linear.gather [hbm4b:s2+s4], $0x1900, $0x38;
	[tilespmem:$0x1C800] =	vst v63  }
0x78: {  	_ =	swait.ge [sflag:s26], $0x1900  }
0x79: {  	[sflag:s26] =	ssyncset.done $0x0  }
0x7a: {  	[sflag:s26] =	ssyncadd.s32 $0xFFFFE700  }
0x7b: {  	[tilespmem:s25], [sflag:$0x1] =	stream.indirect.gather [hbm4b:s0+s30], $0x80, s28, s30, $0xb8;
	[tilespmem:$0x1C800] =	vst v63  }
0x7c: {  	s10 =	simm.s32 $0x14080  }
0x7d: {  	[tilespmem:s1], [sflag:$0x2] =	stream.indirect.gather [hbm4b:s0+s30], $0x80, s10, s30, $0xb8;
	[tilespmem:$0x1C800] =	vst v63  }
0x7e: {  	s19 =	simm.s32 $0x14100  }
0x7f: {  	[tilespmem:s7], [sflag:$0x3] =	stream.indirect.gather [hbm4b:s0+s30], $0x80, s19, s30, $0xb8;
	[tilespmem:$0x1C800] =	vst v63  }
0x80: {  	_ =	swait.ge [sflag:s9], $0x1400  }
0x81: {  	[sflag:s9] =	ssyncset.done $0x0  }
0x82: {  	[sflag:s9] =	ssyncadd.s32 $0xFFFFEC00  }
0x83: {  	[spmem:s3] =	stream.indirect.scatter.add.f32 [tilespmem:s25], [sflag:$0x5], $0x80, s29, s30, $0xb8;
	[tilespmem:$0x1C800] =	vst v63  }
0x84: {  	s10 =	simm.s32 $0x14180  }
0x85: {  	[tilespmem:s11], [sflag:$0x4] =	stream.indirect.gather [hbm4b:s0+s30], $0x80, s10, s30, $0xb8;
	[tilespmem:$0x1C800] =	vst v63  }
0x86: {  	_ =	swait.ge [sflag:s12], $0x1400  }
0x87: {  	[sflag:s12] =	ssyncset.done $0x0  }
0x88: {  	s19 =	simm.s32 $0x15C80;
	[sflag:s12] =	ssyncadd.s32 $0xFFFFEC00  }
0x89: {  	[spmem:s3] =	stream.indirect.scatter.add.f32 [tilespmem:s1], [sflag:$0x6], $0x80, s19, s30, $0xb8;
	[tilespmem:$0x1C800] =	vst v63  }
0x8a: {  	_ =	swait.ge [sflag:s13], $0x1400  }
0x8b: {  	[sflag:s13] =	ssyncset.done $0x0  }
0x8c: {  	s10 =	simm.s32 $0x14200;
	[sflag:s13] =	ssyncadd.s32 $0xFFFFEC00  }
0x8d: {  	[tilespmem:s25], [sflag:$0x1] =	stream.indirect.gather [hbm4b:s0+s30], $0x80, s10, s30, $0xb8;
	[tilespmem:$0x1C800] =	vst v63  }
0x8e: {  	_ =	swait.ge [sflag:s14], $0x1400  }
0x8f: {  	[sflag:s14] =	ssyncset.done $0x0  }
0x90: {  	s19 =	simm.s32 $0x15D00;
	[sflag:s14] =	ssyncadd.s32 $0xFFFFEC00  }
0x91: {  	[spmem:s3] =	stream.indirect.scatter.add.f32 [tilespmem:s7], [sflag:$0x7], $0x80, s19, s30, $0xb8;
	[tilespmem:$0x1C800] =	vst v63  }
0x92: {  	_ =	swait.ge [sflag:s15], $0x1400  }
0x93: {  	[sflag:s15] =	ssyncset.done $0x0  }
0x94: {  	s10 =	simm.s32 $0x14280;
	[sflag:s15] =	ssyncadd.s32 $0xFFFFEC00  }
0x95: {  	[tilespmem:s1], [sflag:$0x2] =	stream.indirect.gather [hbm4b:s0+s30], $0x80, s10, s30, $0xb8;
	[tilespmem:$0x1C800] =	vst v63  }
0x96: {  	_ =	swait.ge [sflag:s16], $0x1400  }
0x97: {  	[sflag:s16] =	ssyncset.done $0x0  }
0x98: {  	s19 =	simm.s32 $0x15D80;
	[sflag:s16] =	ssyncadd.s32 $0xFFFFEC00  }
0x99: {  	[spmem:s3] =	stream.indirect.scatter.add.f32 [tilespmem:s11], [sflag:$0x8], $0x80, s19, s30, $0xb8;
	[tilespmem:$0x1C800] =	vst v63  }
0x9a: {  	_ =	swait.ge [sflag:s17], $0x1400  }
0x9b: {  	[sflag:s17] =	ssyncset.done $0x0  }
0x9c: {  	s10 =	simm.s32 $0x14300;
	[sflag:s17] =	ssyncadd.s32 $0xFFFFEC00  }
0x9d: {  	[tilespmem:s7], [sflag:$0x3] =	stream.indirect.gather [hbm4b:s0+s30], $0x80, s10, s30, $0xb8;
	[tilespmem:$0x1C800] =	vst v63  }
0x9e: {  	_ =	swait.ge [sflag:s9], $0x1400  }
0x9f: {  	[sflag:s9] =	ssyncset.done $0x0  }
0xa0: {  	s19 =	simm.s32 $0x15E00;
	[sflag:s9] =	ssyncadd.s32 $0xFFFFEC00  }
0xa1: {  	[spmem:s3] =	stream.indirect.scatter.add.f32 [tilespmem:s25], [sflag:$0x5], $0x80, s19, s30, $0xb8;
	[tilespmem:$0x1C800] =	vst v63  }
0xa2: {  	_ =	swait.ge [sflag:s18], $0x1400  }
0xa3: {  	[sflag:s18] =	ssyncset.done $0x0  }
0xa4: {  	s2 =	simm.s32 $0x800;
	s10 =	simm.s32 $0x14380;
	[sflag:s18] =	ssyncadd.s32 $0xFFFFEC00  }
.LBB2_5:
0xa5: {  	[tilespmem:s11], [sflag:$0x4] =	stream.indirect.gather [hbm4b:s0+s30], $0x80, s10, s30, $0xb8;
	[tilespmem:$0x1C800] =	vst v63  }
0xa6: {  	s10 =	smov.u32 s2  }
0xa7: {  	p0 =	sne.s32 s2, $0x5000;
	s2 =	sadd.s32 $0x800, s2;
	_ =	swait.ge [sflag:s12], $0x1400  }
0xa8: {  	s10 =	sshra.s32 s10, $0x2;
	[sflag:s12] =	ssyncset.done $0x0  }
0xa9: {  	s19 =	sadd.s32 $0x15C80, s10;
	[sflag:s12] =	ssyncadd.s32 $0xFFFFEC00  }
0xaa: {  	[spmem:s3] =	stream.indirect.scatter.add.f32 [tilespmem:s1], [sflag:$0x6], $0x80, s19, s30, $0xb8;
	[tilespmem:$0x1C800] =	vst v63  }
0xab: {  	_ =	swait.ge [sflag:s13], $0x1400  }
0xac: {  	[sflag:s13] =	ssyncset.done $0x0  }
0xad: {  	s19 =	sadd.s32 $0x14200, s10;
	[sflag:s13] =	ssyncadd.s32 $0xFFFFEC00  }
0xae: {  	[tilespmem:s25], [sflag:$0x1] =	stream.indirect.gather [hbm4b:s0+s30], $0x80, s19, s30, $0xb8;
	[tilespmem:$0x1C800] =	vst v63  }
0xaf: {  	_ =	swait.ge [sflag:s14], $0x1400  }
0xb0: {  	[sflag:s14] =	ssyncset.done $0x0  }
0xb1: {  	s19 =	sadd.s32 $0x15D00, s10;
	[sflag:s14] =	ssyncadd.s32 $0xFFFFEC00  }
0xb2: {  	[spmem:s3] =	stream.indirect.scatter.add.f32 [tilespmem:s7], [sflag:$0x7], $0x80, s19, s30, $0xb8;
	[tilespmem:$0x1C800] =	vst v63  }
0xb3: {  	_ =	swait.ge [sflag:s15], $0x1400  }
0xb4: {  	[sflag:s15] =	ssyncset.done $0x0  }
0xb5: {  	s19 =	sadd.s32 $0x14280, s10;
	[sflag:s15] =	ssyncadd.s32 $0xFFFFEC00  }
0xb6: {  	[tilespmem:s1], [sflag:$0x2] =	stream.indirect.gather [hbm4b:s0+s30], $0x80, s19, s30, $0xb8;
	[tilespmem:$0x1C800] =	vst v63  }
0xb7: {  	_ =	swait.ge [sflag:s16], $0x1400  }
0xb8: {  	[sflag:s16] =	ssyncset.done $0x0  }
0xb9: {  	s19 =	sadd.s32 $0x15D80, s10;
	[sflag:s16] =	ssyncadd.s32 $0xFFFFEC00  }
0xba: {  	[spmem:s3] =	stream.indirect.scatter.add.f32 [tilespmem:s11], [sflag:$0x8], $0x80, s19, s30, $0xb8;
	[tilespmem:$0x1C800] =	vst v63  }
0xbb: {  	_ =	swait.ge [sflag:s17], $0x1400  }
0xbc: {  	[sflag:s17] =	ssyncset.done $0x0  }
0xbd: {  	s19 =	sadd.s32 $0x14300, s10;
	[sflag:s17] =	ssyncadd.s32 $0xFFFFEC00  }
0xbe: {  	[tilespmem:s7], [sflag:$0x3] =	stream.indirect.gather [hbm4b:s0+s30], $0x80, s19, s30, $0xb8;
	[tilespmem:$0x1C800] =	vst v63  }
0xbf: {  	_ =	swait.ge [sflag:s9], $0x1400  }
0xc0: {  	[sflag:s9] =	ssyncset.done $0x0  }
.Ltmp1:
0xc1: {  	s19 =	sadd.s32 $0x15E00, s10;
	[sflag:s9] =	ssyncadd.s32 $0xFFFFEC00;
	(pc) =	sbr.rel @p0 .LBB2_5-.Ltmp1, $4  }
0xc2: {  	[spmem:s3] =	stream.indirect.scatter.add.f32 [tilespmem:s25], [sflag:$0x5], $0x80, s19, s30, $0xb8;
	[tilespmem:$0x1C800] =	vst v63  }
0xc3: {  	_ =	swait.ge [sflag:s18], $0x1400  }
0xc4: {  	[sflag:s18] =	ssyncset.done $0x0  }
0xc5: {  	s10 =	sadd.s32 $0x14380, s10;
	[sflag:s18] =	ssyncadd.s32 $0xFFFFEC00  }
0xc6: {  	[tilespmem:s11], [sflag:$0x4] =	stream.indirect.gather [hbm4b:s0+s30], $0x80, s10, s30, $0xb8;
	[tilespmem:$0x1C800] =	vst v63  }
0xc7: {  	_ =	swait.ge [sflag:s12], $0x1400  }
0xc8: {  	[sflag:s12] =	ssyncset.done $0x0  }
0xc9: {  	s2 =	simm.s32 $0x17280;
	[sflag:s12] =	ssyncadd.s32 $0xFFFFEC00  }
0xca: {  	[spmem:s3] =	stream.indirect.scatter.add.f32 [tilespmem:s1], [sflag:$0x6], $0x80, s2, s30, $0xb8;
	[tilespmem:$0x1C800] =	vst v63  }
0xcb: {  	_ =	swait.ge [sflag:s13], $0x1400  }
0xcc: {  	[sflag:s13] =	ssyncset.done $0x0  }
0xcd: {  	[sflag:s13] =	ssyncadd.s32 $0xFFFFEC00  }
0xce: {  	[tilespmem:s25], [sflag:$0x1] =	stream.indirect.gather [hbm4b:s0+s30], $0x80, s20, s30, $0xb8;
	[tilespmem:$0x1C800] =	vst v63  }
0xcf: {  	_ =	swait.ge [sflag:s14], $0x1400  }
0xd0: {  	[sflag:s14] =	ssyncset.done $0x0  }
0xd1: {  	[sflag:s14] =	ssyncadd.s32 $0xFFFFEC00  }
0xd2: {  	[spmem:s3] =	stream.indirect.scatter.add.f32 [tilespmem:s7], [sflag:$0x7], $0x80, s21, s30, $0xb8;
	[tilespmem:$0x1C800] =	vst v63  }
0xd3: {  	_ =	swait.ge [sflag:s15], $0x1400  }
0xd4: {  	[sflag:s15] =	ssyncset.done $0x0  }
0xd5: {  	[sflag:s15] =	ssyncadd.s32 $0xFFFFEC00  }
0xd6: {  	[tilespmem:s1], [sflag:$0x2] =	stream.indirect.gather [hbm4b:s0+s30], $0x80, s22, s30, $0xb8;
	[tilespmem:$0x1C800] =	vst v63  }
0xd7: {  	_ =	swait.ge [sflag:s16], $0x1400  }
0xd8: {  	[sflag:s16] =	ssyncset.done $0x0  }
0xd9: {  	[sflag:s16] =	ssyncadd.s32 $0xFFFFEC00  }
0xda: {  	[spmem:s3] =	stream.indirect.scatter.add.f32 [tilespmem:s11], [sflag:$0x8], $0x80, s23, s30, $0xb8;
	[tilespmem:$0x1C800] =	vst v63  }
0xdb: {  	_ =	swait.ge [sflag:s17], $0x1400  }
0xdc: {  	[sflag:s17] =	ssyncset.done $0x0  }
0xdd: {  	[sflag:s17] =	ssyncadd.s32 $0xFFFFEC00  }
0xde: {  	_ =	swait.ge [sflag:s9], $0x1400  }
0xdf: {  	[sflag:s9] =	ssyncset.done $0x0  }
0xe0: {  	[sflag:s9] =	ssyncadd.s32 $0xFFFFEC00  }
0xe1: {  	[spmem:s3] =	stream.indirect.scatter.add.f32 [tilespmem:s25], [sflag:$0x5], $0x80, s24, s30, $0xb8;
	[tilespmem:$0x1C800] =	vst v63  }
0xe2: {  	_ =	swait.ge [sflag:s18], $0x1400  }
0xe3: {  	[sflag:s18] =	ssyncset.done $0x0  }
0xe4: {  	[sflag:s18] =	ssyncadd.s32 $0xFFFFEC00  }
0xe5: {  	_ =	swait.ge [sflag:s12], $0x1400  }
0xe6: {  	[sflag:s12] =	ssyncset.done $0x0  }
0xe7: {  	s31 =	sadd.s32 $0x1, s31;
	[sflag:s12] =	ssyncadd.s32 $0xFFFFEC00  }
0xe8: {  	[spmem:s3] =	stream.indirect.scatter.add.f32 [tilespmem:s1], [sflag:$0x6], $0x80, s8, s30, $0xb8;
	[tilespmem:$0x1C800] =	vst v63  }
0xe9: {  	p0 =	sne.s32 s31, $0x5;
	_ =	swait.ge [sflag:s13], $0x1400  }
.Ltmp2:
0xea: {  	[sflag:s13] =	ssyncset.done $0x0;
	(pc) =	sbr.rel @p0 .LBB2_4-.Ltmp2, $4  }
0xeb: {  	[sflag:s13] =	ssyncadd.s32 $0xFFFFEC00  }
0xec: {  	_ =	swait.ge [sflag:s15], $0x1400  }
0xed: {  	[sflag:s15] =	ssyncset.done $0x0  }
0xee: {  	[sflag:s15] =	ssyncadd.s32 $0xFFFFEC00  }
0xef: {  	s2 =	stileid.u32;
	[bflag:$0x0] =	sbarrier.arrive $0xFFFF  }
0xf0: {  	s2 =	sshll.u32 s2, $0x6;
	s19 =	rddreg [dreg:$0x6]  }
0xf1: {  	s10 =	rddreg [dreg:$0x5];
	s2 =	sor.u32 $0x1C09, s2;
	s4 =	sshrl.u32 s19, $0x3  }
0xf2: {  	[hbm:s10], [sflag:s2] =	dma.local [spmem:s4], $0x2800  }
0xf3: {  	_ =	swait.ge [sflag:s26], $0x2800  }
0xf4: {  	s4 =	rddreg [dreg:$0x4]  }
0xf5: {  	s31 =	rddreg [dreg:$0x7];
	s10 =	sadd.s32 $0x1, s4  }
0xf6: {  	p0 =	sne.s32 s10, s31  }
.Ltmp3:
0xf7: {  	_ = 	snop;
	(pc) =	sbr.rel @p0 .LBB2_1-.Ltmp3, $3  }
0xf8: {  	_ =	sdelay $0x1  }
0xf9: {  	[sflag:s26] =	ssyncset.done $0x0  }
0xfa: {  	[sflag:s26] =	ssyncadd.s32 $0xFFFFD800  }
0xfb: {  	_ =	sfence.sel $0x180000  }
0xfc: {  	[bflag:$0x0] =	sbarrier.arrive $0xFFFF  }
0xfd: {  	_ =	strace $0x9000004A  }
0xfe: {  	s0 =	stileid.u32;
	[bflag:$0x2] =	sbarrier.arrive $0xFFFF  }
0xff: {  	p0 =	sne.s32 s0, $0x0;
	s0 =	rddreg [dreg:$0x3]  }
0x100: {  	s0 =	sadd.s32 @!p0 $0x100000, s0  }
0x101: {  	[sflag:s0] =	ssyncadd.tile.s32 @!p0 $0x1;
	_ =	shalt  }
.Lfunc_end2:
_tile_overlayer_lowered:
.L_overlay_start_2:
0x102: {  	(tag) =	ssettag $0x2  }
0x103: {  	s0 =	rddreg [dreg:$0x0];
	s2 =	stileid.u32  }
0x104: {  	s1 =	rddreg [dreg:$0x1];
	p0 =	sne.s32 s2, $0x0  }
0x105: {  	s3 =	rddreg [dreg:$0x2];
	[bflag:$0x3] =	sbarrier.arrive $0xFFFF;
	s2 =	simm.s32 @!p0 $0x1C09  }
0x106: {  	[timem:s3], [sflag:s2] =	dma.local @!p0 [hbm:s0], s1  }
0x107: {  	s0 =	simm.s32 @!p0 $0x9  }
0x108: {  	_ =	swait.ge @!p0 [sflag:s0], s1  }
0x109: {  	s1 =	ssub.s32 @!p0 $0x0, s1;
	[sflag:s0] =	ssyncset.done @!p0 $0x0  }
0x10a: {  	[sflag:s0] =	ssyncadd.s32 @!p0 s1  }
0x10b: {  	[bflag:$0x3] =	sbarrier.arrive $0xFFFF  }
0x10c: {  	_ =	shalt  }

// kernel: kernel.7.cloned.1.call-start
scs
__scs_entry_jumppad:
0x0: {  	(pc) =	sbr.rel $0x88, $3  }
0x1: {  	(tag) =	ssettag $0x0;
	lr =	simm.s32 $0x1  }
0x2: {  	[smem:$0x3F9D] =	sst lr;
	_ =	strace $0xD0000000  }
0x3: {  	_ = 	snop  }
0x4: {  	_ = 	snop  }
0x5: {  	_ = 	snop  }
0x6: {  	_ = 	snop  }
0x7: {  	_ = 	snop  }
__scs_overlays_trampoline_lowered:
0x8: {  	[smem:$0x3FAC] =	sst s0  }
0x9: {  	[smem:$0x3FAD] =	sst s1  }
0xa: {  	[smem:$0x3FAE] =	sst s2  }
0xb: {  	[smem:$0x3FAF] =	sst s3  }
0xc: {  	[smem:$0x3FB0] =	sst s4  }
0xd: {  	[smem:$0x3FB1] =	sst s5  }
0xe: {  	[smem:$0x3FB2] =	sst s6  }
0xf: {  	[smem:$0x3FB3] =	sst s7  }
0x10: {  	[smem:$0x3FB4] =	sst s8  }
0x11: {  	[smem:$0x3FB5] =	sst s9;
	s0 =	simm.s32 @!p0 $0x0  }
0x12: {  	s1 =	sld [smem:$0x3F9B];
	s0 =	simm.s32 @p0 $0x1  }
0x13: {  	[smem:$0x3FB6] =	sst s0;
	s0 =	simm.s32 @!p1 $0x0  }
0x14: {  	s2 =	sld [smem:$0x3F9A];
	s0 =	simm.s32 @p1 $0x1  }
0x15: {  	[smem:$0x3FB7] =	sst s0;
	s0 =	simm.s32 @!p2 $0x0  }
0x16: {  	s3 =	sld [smem:$0x3FDB];
	s0 =	simm.s32 @p2 $0x1  }
0x17: {  	s4 =	simm.s32 $0x1BF5;
	[smem:$0x3FB9] =	sst s0  }
0x18: {  	s0 =	sld [smem:$0x3F9C];
	_ =	swait.ge [sflag:s4], $0x0  }
0x19: {  	s7 =	sld [smem:$0x3F9D]  }
0x1a: {  	s8 =	sadd.s32 $0xFFFFE003, lr  }
0x1b: {  	s9 =	sadd.s32 $0xFFFFFEF7, lr;
	s5 =	simm.s32 $0xFFFFFFFF;
	p2 =	slt.u32 s8, $0xFFFFF086  }
0x1c: {  	p1 =	slt.u32 s9, $0xF7A;
	s5 =	simm.s32 @!p2 $0x0  }
0x1d: {  	s5 =	simm.s32 @p1 $0x1;
	p0 =	seq.s32 s7, s2  }
0x1e: {  	s7 =	smul.u32 @!p0 $0xF7A, s2;
	p2 =	seq.s32 @!p0 s5, $0x0  }
0x1f: {  	s9 =	smul.u32 $0xF7A, s1;
	s8 =	simm.s32 @!p0 $0x1BF5;
	p2 =	por !p2, p0  }
0x20: {  	[sflag:s8] =	ssyncset.s32 @!p0 $0xFFFFF086;
	s6 =	sadd.s32 @!p0 s3, s7;
	s7 =	simm.s32 @!p0 $0x108  }
0x21: {  	s3 =	sadd.s32 s3, s9;
	s6 =	sadd.s32 @!p0 $0x88, s6;
	s7 =	simm.s32 @p2 $0x1082  }
0x22: {  	[simem:s7], [sflag:s8] =	dma.local @!p0 [hbm:s6], $0xF7A  }
0x23: {  	s9 =	sor.u32 $0xD0000000, s2;
	s6 =	simm.s32 $0x108;
	_ =	swait.ge @!p0 [sflag:s8], $0x0  }
0x24: {  	s3 =	sadd.s32 $0x88, s3;
	s6 =	simm.s32 @!p1 $0x1082;
	[sflag:s4] =	ssyncset.s32 $0xFFFFF086  }
0x25: {  	[simem:s6], [sflag:s4] =	dma.local [hbm:s3], $0xF7A  }
0x26: {  	[smem:$0x3F9D] =	sst s1;
	(tag) =	ssettag s2;
	_ =	strace s9  }
0x27: {  	s1 =	sld [smem:$0x3FAD]  }
0x28: {  	s2 =	sld [smem:$0x3FAE]  }
0x29: {  	s4 =	sld [smem:$0x3FB0]  }
0x2a: {  	p0 =	seq.s32 s5, $0x0;
	s5 =	sld [smem:$0x3FB1]  }
0x2b: {  	s6 =	sld [smem:$0x3FB2]  }
0x2c: {  	s7 =	sld [smem:$0x3FB3]  }
0x2d: {  	s3 =	simm.s32 $0x108;
	s8 =	sld [smem:$0x3FB4]  }
0x2e: {  	s3 =	simm.s32 @!p0 $0x1082;
	s9 =	sld [smem:$0x3FB5]  }
0x2f: {  	lr =	sadd.s32 s0, s3;
	s0 =	sld [smem:$0x3FAC]  }
0x30: {  	s3 =	sld [smem:$0x3FAF]  }
0x31: {  	[smem:$0x3FB8] =	sst s10  }
0x32: {  	s10 =	sld [smem:$0x3FB6];
	_ =	sdelay $0x3  }
0x33: {  	p0 =	seq.s32 s10, $0x1;
	s10 =	sld [smem:$0x3FB8];
	_ =	sdelay $0x3  }
0x34: {  	[smem:$0x3FB8] =	sst s10  }
0x35: {  	s10 =	sld [smem:$0x3FB7];
	_ =	sdelay $0x3  }
0x36: {  	p1 =	seq.s32 s10, $0x1;
	s10 =	sld [smem:$0x3FB8];
	_ =	sdelay $0x3  }
0x37: {  	[smem:$0x3FB8] =	sst s10  }
0x38: {  	s10 =	sld [smem:$0x3FB9]  }
0x39: {  	_ = 	snop;
	(pc) =	sbr.ind lr, $3  }
0x3a: {  	_ = 	snop  }
0x3b: {  	_ = 	snop  }
0x3c: {  	p2 =	seq.s32 s10, $0x1;
	s10 =	sld [smem:$0x3FB8]  }
0x3d: {  	_ =	shalt  }
0x3e: {  	_ =	shalt  }
0x3f: {  	_ =	shalt  }
0x40: {  	_ =	shalt  }
0x41: {  	_ =	shalt  }
0x42: {  	_ =	shalt  }
0x43: {  	_ =	shalt  }
0x44: {  	_ =	shalt  }
0x45: {  	_ =	shalt  }
0x46: {  	_ =	shalt  }
0x47: {  	_ =	shalt  }
0x48: {  	_ =	shalt  }
0x49: {  	_ =	shalt  }
0x4a: {  	_ =	shalt  }
0x4b: {  	_ =	shalt  }
0x4c: {  	_ =	shalt  }
0x4d: {  	_ =	shalt  }
0x4e: {  	_ =	shalt  }
0x4f: {  	_ =	shalt  }
0x50: {  	_ =	shalt  }
0x51: {  	_ =	shalt  }
0x52: {  	_ =	shalt  }
0x53: {  	_ =	shalt  }
0x54: {  	_ =	shalt  }
0x55: {  	_ =	shalt  }
0x56: {  	_ =	shalt  }
0x57: {  	_ =	shalt  }
0x58: {  	_ =	shalt  }
0x59: {  	_ =	shalt  }
0x5a: {  	_ =	shalt  }
0x5b: {  	_ =	shalt  }
0x5c: {  	_ =	shalt  }
0x5d: {  	_ =	shalt  }
0x5e: {  	_ =	shalt  }
0x5f: {  	_ =	shalt  }
0x60: {  	_ =	shalt  }
0x61: {  	_ =	shalt  }
0x62: {  	_ =	shalt  }
0x63: {  	_ =	shalt  }
0x64: {  	_ =	shalt  }
0x65: {  	_ =	shalt  }
0x66: {  	_ =	shalt  }
0x67: {  	_ =	shalt  }
0x68: {  	_ =	shalt  }
0x69: {  	_ =	shalt  }
0x6a: {  	_ =	shalt  }
0x6b: {  	_ =	shalt  }
0x6c: {  	_ =	shalt  }
0x6d: {  	_ =	shalt  }
0x6e: {  	_ =	shalt  }
0x6f: {  	_ =	shalt  }
0x70: {  	_ =	shalt  }
0x71: {  	_ =	shalt  }
0x72: {  	_ =	shalt  }
0x73: {  	_ =	shalt  }
0x74: {  	_ =	shalt  }
0x75: {  	_ =	shalt  }
0x76: {  	_ =	shalt  }
0x77: {  	_ =	shalt  }
0x78: {  	_ =	shalt  }
0x79: {  	_ =	shalt  }
0x7a: {  	_ =	shalt  }
0x7b: {  	_ =	shalt  }
0x7c: {  	_ =	shalt  }
0x7d: {  	_ =	shalt  }
0x7e: {  	_ =	shalt  }
0x7f: {  	_ =	shalt  }
0x80: {  	_ =	shalt  }
0x81: {  	_ =	shalt  }
0x82: {  	_ =	shalt  }
0x83: {  	_ =	shalt  }
0x84: {  	_ =	shalt  }
0x85: {  	_ =	shalt  }
0x86: {  	_ =	shalt  }
0x87: {  	_ =	shalt  }
.Lfunc_end0:
.L_simem_size_0:
called_computation_lowered:
.L_overlay_start_0:
0x88: {  	s2 =	sld [smem:$0x3FD9]  }
0x89: {  	s3 =	sld [smem:$0x3FFE];
	_ =	sdelay $0x1  }
0x8a: {  	s1 =	srdreg.scid  }
0x8b: {  	s0 =	sand.u32 $0x1, s1  }
0x8c: {  	s17 =	sshll.u32 s0, $0xA;
	s2 =	sadd.s32 s3, s2  }
0x8d: {  	s2 =	sadd.s32 s2, s17  }
0x8e: {  	[smem:$0x3FC4] =	sst s2  }
0x8f: {  	_ = 	snop  }
0x90: {  	s2 =	sld [smem:$0x3FD0];
	(tm) =	ssettm $0x1  }
0x91: {  	s18 =	sld [smem:$0x3FFB];
	_ =	sdelay $0x3  }
0x92: {  	_ =	strace s18  }
0x93: {  	s3 =	sld [smem:$0x3FFC];
	_ =	sdelay $0x3  }
0x94: {  	_ =	strace s3  }
0x95: {  	s3 =	sld [smem:$0x3FFD];
	_ =	sdelay $0x3  }
0x96: {  	_ =	strace s3  }
0x97: {  	_ =	strace $0x8FFFFFFF  }
0x98: {  	s19 =	sld [smem:$0x3FDB];
	_ =	sdelay $0x1  }
0x99: {  	s4 =	simm.s32 $_scs_section_size  }
0x9a: {  	s5 =	simm.s32 $_size__tile_overlayer_lowered;
	s6 =	simm.s32 $_tile_overlayer_lowered  }
0x9b: {  	s22 =	simm.s32 $0x1BFF;
	s21 =	sshll.u32 s6, $0x1;
	s3 =	sadd.s32 s4, s19  }
0x9c: {  	s7 =	simm.s32 $0x0;
	s20 =	sshll.u32 s5, $0x1;
	s5 =	sadd.s32 s21, s3  }
0x9d: {  	[timem:s7], [sflag:s22] =	dma.local [hbm:s5], s20  }
0x9e: {  	_ =	swait.ge [sflag:s22], s20  }
0x9f: {  	s4 =	ssub.s32 $0x0, s20;
	[sflag:s22] =	ssyncset.done $0x0  }
0xa0: {  	[sflag:s22] =	ssyncadd.s32 s4;
	_ =	sdelay $0x1  }
0xa1: {  	s23 =	simm.s32 $0x1B8B  }
0xa2: {  	_ =	swait.ge [sflag:s23], $0x1  }
0xa3: {  	[sflag:s23] =	ssyncset.done $0x0  }
0xa4: {  	s25 =	simm.s32 $0x1B8E;
	s24 =	sld [smem:$0x3FFE];
	[sflag:s23] =	ssyncadd.s32 $0xFFFFFFFF  }
0xa5: {  	s26 =	simm.s32 $execute0_lowered;
	[smem:$0x3FD2] =	sst s25  }
0xa6: {  	s5 =	sshll.u32 s26, $0x1;
	_ =	strace $0x80000046;
	[dreg:$0x1] =	wrdreg $0xFFFFFFFF  }
0xa7: {  	s28 =	simm.s32 $_size_execute0_lowered;
	s3 =	sadd.s32 s3, s5;
	[dreg:$0x0] =	wrdreg $0x0  }
0xa8: {  	s5 =	sshll.u32 s28, $0x1;
	[dreg:$0x2] =	wrdreg s3  }
0xa9: {  	[dreg:$0x3] =	wrdreg s5  }
0xaa: {  	[dreg:$0x4] =	wrdreg $0xC0  }
0xab: {  	_ =	task [dreg:s7], $0x5FFFF  }
0xac: {  	[dreg:$0x1] =	wrdreg $0xFFFFFFFF  }
0xad: {  	[dreg:$0x0] =	wrdreg $0x60  }
0xae: {  	[dreg:$0x2] =	wrdreg s2  }
0xaf: {  	[dreg:$0x3] =	wrdreg s24  }
0xb0: {  	[dreg:$0x4] =	wrdreg $0x0  }
0xb1: {  	[dreg:$0x5] =	wrdreg $0x9  }
0xb2: {  	_ =	task.clear_ibuf [dreg:s7], $0x6FFFF;
	_ =	strace $0x90000046  }
0xb3: {  	s29 =	simm.s32 $0x9;
	_ =	strace $0x80000048  }
0xb4: {  	_ =	swait.ge [sflag:s29], $0x1  }
0xb5: {  	[sflag:s29] =	ssyncadd.s32 $0xFFFFFFFF  }
0xb6: {  	_ =	strace $0x90000048  }
0xb7: {  	_ =	sfence  }
0xb8: {  	s30 =	sld [smem:$0x0];
	_ =	sdelay $0x2  }
0xb9: {  	s31 =	sshll.u32 s1, $0xD;
	s1 =	sshrl.u32 s1, $0x2  }
0xba: {  	s3 =	sand.u32 $0x4000, s31;
	s1 =	sadd.s32 s1, s30  }
0xbb: {  	s0 =	sor.u32 s3, s0;
	s1 =	sshll.u32 s1, $0x11  }
0xbc: {  	s0 =	sor.u32 s1, s0  }
0xbd: {  	s0 =	sadd.s32 $0x8F2B, s0  }
0xbe: {  	[sflag:s0] =	ssyncadd.remote.s32 $0x1  }
0xbf: {  	_ =	sfence.sel $0xFFFF  }
0xc0: {  	[dreg:$0x0] =	wrdreg $0xFFFFFFFF;
	(pc) =	sbr.abs _section_cstart, $3  }
0xc1: {  	[dreg:$0x1] =	wrdreg $0xFFFFFFFF  }
0xc2: {  	_ =	task.clear_ibuf [dreg:s7], $0x2FFFF;
	_ =	strace $0x9FFFFFFF  }
0xc3: {  	(tm) =	ssettm $0x7FFFFFFF  }
tec
execute0_lowered:
.L_overlay_start_1:
0x0: {  	(tag) =	ssettag $0x1  }
0x1: {  	s2 =	rddreg [dreg:$0x0]  }
0x2: {  	s4 =	rddreg [dreg:$0x1]  }
0x3: {  	s5 =	rddreg [dreg:$0x2]  }
0x4: {  	s3 =	srdreg.scid;
	s1 =	stileid.u32  }
0x5: {  	s0 =	rddreg [dreg:$0x3];
	s14 =	simm.s32 $0x5380;
	s15 =	simm.s32 $0x2800  }
0x6: {  	s16 =	simm.s32 $0x2;
	s17 =	simm.s32 $0x80;
	s18 =	simm.s32 $0x400  }
0x7: {  	s19 =	simm.s32 $0x5C00;
	s20 =	simm.s32 $0x5700;
	s7 =	smul.u32 $0x500, s1  }
0x8: {  	s21 =	simm.s32 $0x5980;
	s6 =	sand.u32 $0x1, s3;
	s9 =	smul.u32 $0x4E20, s1  }
0x9: {  	s3 =	simm.s32 $0x0;
	s10 =	sshrl.u32 s1, $0x3;
	s12 =	smul.u32 $0x5000, s1  }
0xa: {  	s26 =	sshll.u32 s1, $0x7;
	s8 =	sshll.u32 s6, $0x7;
	s22 =	smul.u32 $0x4E200, s6  }
0xb: {  	[smem:$0x7FF] =	sst s3;
	s6 =	ssub.s32 $0x2, s6;
	s23 =	smul.u32 $0x50000, s10  }
0xc: {  	s7 =	sor.u32 s8, s7;
	_ =	strace $0x80000047;
	s24 =	sshrl.u32 s6, $0x1  }
0xd: {  	s29 =	sshrl.u32 s12, $0x2;
	s12 =	simm.s32 $0x5000;
	s7 =	sshrl.u32 s7, $0x3  }
0xe: {  	s11 =	sadd.s32 s9, s22;
	s9 =	ssub.s32 s6, s24;
	s28 =	sshrl.u32 s23, $0x2  }
0xf: {  	s6 =	sand.u32 $0x380, s26;
	s22 =	simm.s32 $0x100;
	s23 =	simm.s32 $0x3  }
0x10: {  	s24 =	simm.s32 $0x0;
	s25 =	sshrl.u32 s11, $0x3;
	s13 =	sadd.s32 s7, s4  }
0x11: {  	s7 =	sadd.s32 s28, s5;
	s5 =	sadd.s32 s29, s5;
	s30 =	sadd.s32 $0x320, s11  }
0x12: {  	s9 =	smax.u32 s9, $0x1;
	s10 =	sadd.s32 $0x640, s11;
	s4 =	sadd.s32 s2, s25  }
0x13: {  	s6 =	sadd.s32 s6, s7;
	s7 =	sadd.s32 $0x80, s5;
	s31 =	sshrl.u32 s30, $0x3  }
0x14: {  	v0 =	vimm.f32 $0.0e+00;
	v1 =	vimm.f32 $1.000000000e+00;
	s8 =	sadd.s32 $0x1C00, s13;
	s13 =	simm.s32 $0x1;
	s11 =	sadd.s32 s31, s2  }
.LBB2_1:
0x15: {  	s25 =	simm.s32 $0x40;
	s26 =	simm.s32 $0x0  }
.LBB2_2:
0x16: {  	p0 =	sne.s32 s25, $0x9FC0;
	[tilespmem:s26+$0x2800] =	vst v0;
	s26 =	smov.u32 s25;
	s25 =	sadd.s32 $0x40, s25  }
.Ltmp0:
0x17: {  	(pc) =	sbr.rel @p0 .LBB2_2-.Ltmp0, $2  }
0x18: {  	_ =	sdelay $0x2  }
0x19: {  	s26 =	sshra.s32 s26, $0x2  }
0x1a: {  	[tilespmem:s26+$0x2800] =	vst v0;
	s25 =	simm.s32 $0x0;
	s26 =	smov.u32 s10  }
0x1b: {  	[tilespmem:s12], [sflag:$0x1] =	stream.linear.gather [hbm4b:s4+s25], $0x320, $0x38;
	[tilespmem:$0x5E80] =	vst v63  }
.LBB2_4:
0x1c: {  	_ =	swait.ge [sflag:s13], $0x320  }
0x1d: {  	[sflag:s13] =	ssyncset.done $0x0  }
0x1e: {  	s28 =	sadd.s32 s25, s11;
	[sflag:s13] =	ssyncadd.s32 $0xFFFFFCE0  }
0x1f: {  	[tilespmem:s14], [sflag:$0x2] =	stream.linear.gather [hbm4b:s28+s3], $0x320, $0x38;
	[tilespmem:$0x5E80] =	vst v63  }
0x20: {  	v2 =	vld [tilespmem:$0x5000];
	_ =	sdelay $0x7  }
0x21: {  	[tilespmem:v2+s15+$0x0] =	vst.idx.add.f32.msk $0xffff, v1  }
0x22: {  	v2 =	vld [tilespmem:$0x5010];
	_ =	sdelay $0x7  }
0x23: {  	[tilespmem:v2+s15+$0x0] =	vst.idx.add.f32.msk $0xffff, v1  }
0x24: {  	v2 =	vld [tilespmem:$0x5020];
	_ =	sdelay $0x7  }
0x25: {  	[tilespmem:v2+s15+$0x0] =	vst.idx.add.f32.msk $0xffff, v1  }
0x26: {  	v2 =	vld [tilespmem:$0x5030];
	_ =	sdelay $0x7  }
0x27: {  	[tilespmem:v2+s15+$0x0] =	vst.idx.add.f32.msk $0xffff, v1  }
0x28: {  	v2 =	vld [tilespmem:$0x5040];
	_ =	sdelay $0x7  }
0x29: {  	[tilespmem:v2+s15+$0x0] =	vst.idx.add.f32.msk $0xffff, v1  }
0x2a: {  	v2 =	vld [tilespmem:$0x5050];
	_ =	sdelay $0x7  }
0x2b: {  	[tilespmem:v2+s15+$0x0] =	vst.idx.add.f32.msk $0xffff, v1  }
0x2c: {  	v2 =	vld [tilespmem:$0x5060];
	_ =	sdelay $0x7  }
0x2d: {  	[tilespmem:v2+s15+$0x0] =	vst.idx.add.f32.msk $0xffff, v1  }
0x2e: {  	v2 =	vld [tilespmem:$0x5070];
	_ =	sdelay $0x7  }
0x2f: {  	[tilespmem:v2+s15+$0x0] =	vst.idx.add.f32.msk $0xffff, v1  }
0x30: {  	v2 =	vld [tilespmem:$0x5080];
	_ =	sdelay $0x7  }
0x31: {  	[tilespmem:v2+s15+$0x0] =	vst.idx.add.f32.msk $0xffff, v1  }
0x32: {  	v2 =	vld [tilespmem:$0x5090];
	_ =	sdelay $0x7  }
0x33: {  	[tilespmem:v2+s15+$0x0] =	vst.idx.add.f32.msk $0xffff, v1  }
0x34: {  	v2 =	vld [tilespmem:$0x50A0];
	_ =	sdelay $0x7  }
0x35: {  	[tilespmem:v2+s15+$0x0] =	vst.idx.add.f32.msk $0xffff, v1  }
0x36: {  	v2 =	vld [tilespmem:$0x50B0];
	_ =	sdelay $0x7  }
0x37: {  	[tilespmem:v2+s15+$0x0] =	vst.idx.add.f32.msk $0xffff, v1  }
0x38: {  	v2 =	vld [tilespmem:$0x50C0];
	_ =	sdelay $0x7  }
0x39: {  	[tilespmem:v2+s15+$0x0] =	vst.idx.add.f32.msk $0xffff, v1  }
0x3a: {  	v2 =	vld [tilespmem:$0x50D0];
	_ =	sdelay $0x7  }
0x3b: {  	[tilespmem:v2+s15+$0x0] =	vst.idx.add.f32.msk $0xffff, v1  }
0x3c: {  	v2 =	vld [tilespmem:$0x50E0];
	_ =	sdelay $0x7  }
0x3d: {  	[tilespmem:v2+s15+$0x0] =	vst.idx.add.f32.msk $0xffff, v1  }
0x3e: {  	v2 =	vld [tilespmem:$0x50F0];
	_ =	sdelay $0x7  }
0x3f: {  	[tilespmem:v2+s15+$0x0] =	vst.idx.add.f32.msk $0xffff, v1  }
0x40: {  	v2 =	vld [tilespmem:$0x5100];
	_ =	sdelay $0x7  }
0x41: {  	[tilespmem:v2+s15+$0x0] =	vst.idx.add.f32.msk $0xffff, v1  }
0x42: {  	v2 =	vld [tilespmem:$0x5110];
	_ =	sdelay $0x7  }
0x43: {  	[tilespmem:v2+s15+$0x0] =	vst.idx.add.f32.msk $0xffff, v1  }
0x44: {  	v2 =	vld [tilespmem:$0x5120];
	_ =	sdelay $0x7  }
0x45: {  	[tilespmem:v2+s15+$0x0] =	vst.idx.add.f32.msk $0xffff, v1  }
0x46: {  	v2 =	vld [tilespmem:$0x5130];
	_ =	sdelay $0x7  }
0x47: {  	[tilespmem:v2+s15+$0x0] =	vst.idx.add.f32.msk $0xffff, v1  }
0x48: {  	v2 =	vld [tilespmem:$0x5140];
	_ =	sdelay $0x7  }
0x49: {  	[tilespmem:v2+s15+$0x0] =	vst.idx.add.f32.msk $0xffff, v1  }
0x4a: {  	v2 =	vld [tilespmem:$0x5150];
	_ =	sdelay $0x7  }
0x4b: {  	[tilespmem:v2+s15+$0x0] =	vst.idx.add.f32.msk $0xffff, v1  }
0x4c: {  	v2 =	vld [tilespmem:$0x5160];
	_ =	sdelay $0x7  }
0x4d: {  	[tilespmem:v2+s15+$0x0] =	vst.idx.add.f32.msk $0xffff, v1  }
0x4e: {  	v2 =	vld [tilespmem:$0x5170];
	_ =	sdelay $0x7  }
0x4f: {  	[tilespmem:v2+s15+$0x0] =	vst.idx.add.f32.msk $0xffff, v1  }
0x50: {  	v2 =	vld [tilespmem:$0x5180];
	_ =	sdelay $0x7  }
0x51: {  	[tilespmem:v2+s15+$0x0] =	vst.idx.add.f32.msk $0xffff, v1  }
0x52: {  	v2 =	vld [tilespmem:$0x5190];
	_ =	sdelay $0x7  }
0x53: {  	[tilespmem:v2+s15+$0x0] =	vst.idx.add.f32.msk $0xffff, v1  }
0x54: {  	v2 =	vld [tilespmem:$0x51A0];
	_ =	sdelay $0x7  }
0x55: {  	[tilespmem:v2+s15+$0x0] =	vst.idx.add.f32.msk $0xffff, v1  }
0x56: {  	v2 =	vld [tilespmem:$0x51B0];
	_ =	sdelay $0x7  }
0x57: {  	[tilespmem:v2+s15+$0x0] =	vst.idx.add.f32.msk $0xffff, v1  }
0x58: {  	v2 =	vld [tilespmem:$0x51C0];
	_ =	sdelay $0x7  }
0x59: {  	[tilespmem:v2+s15+$0x0] =	vst.idx.add.f32.msk $0xffff, v1  }
0x5a: {  	v2 =	vld [tilespmem:$0x51D0];
	_ =	sdelay $0x7  }
0x5b: {  	[tilespmem:v2+s15+$0x0] =	vst.idx.add.f32.msk $0xffff, v1  }
0x5c: {  	v2 =	vld [tilespmem:$0x51E0];
	_ =	sdelay $0x7  }
0x5d: {  	[tilespmem:v2+s15+$0x0] =	vst.idx.add.f32.msk $0xffff, v1  }
0x5e: {  	v2 =	vld [tilespmem:$0x51F0];
	_ =	sdelay $0x7  }
0x5f: {  	[tilespmem:v2+s15+$0x0] =	vst.idx.add.f32.msk $0xffff, v1  }
0x60: {  	v2 =	vld [tilespmem:$0x5200];
	_ =	sdelay $0x7  }
0x61: {  	[tilespmem:v2+s15+$0x0] =	vst.idx.add.f32.msk $0xffff, v1  }
0x62: {  	v2 =	vld [tilespmem:$0x5210];
	_ =	sdelay $0x7  }
0x63: {  	[tilespmem:v2+s15+$0x0] =	vst.idx.add.f32.msk $0xffff, v1  }
0x64: {  	v2 =	vld [tilespmem:$0x5220];
	_ =	sdelay $0x7  }
0x65: {  	[tilespmem:v2+s15+$0x0] =	vst.idx.add.f32.msk $0xffff, v1  }
0x66: {  	v2 =	vld [tilespmem:$0x5230];
	_ =	sdelay $0x7  }
0x67: {  	[tilespmem:v2+s15+$0x0] =	vst.idx.add.f32.msk $0xffff, v1  }
0x68: {  	v2 =	vld [tilespmem:$0x5240];
	_ =	sdelay $0x7  }
0x69: {  	[tilespmem:v2+s15+$0x0] =	vst.idx.add.f32.msk $0xffff, v1  }
0x6a: {  	v2 =	vld [tilespmem:$0x5250];
	_ =	sdelay $0x7  }
0x6b: {  	[tilespmem:v2+s15+$0x0] =	vst.idx.add.f32.msk $0xffff, v1  }
0x6c: {  	v2 =	vld [tilespmem:$0x5260];
	_ =	sdelay $0x7  }
0x6d: {  	[tilespmem:v2+s15+$0x0] =	vst.idx.add.f32.msk $0xffff, v1  }
0x6e: {  	v2 =	vld [tilespmem:$0x5270];
	_ =	sdelay $0x7  }
0x6f: {  	[tilespmem:v2+s15+$0x0] =	vst.idx.add.f32.msk $0xffff, v1  }
0x70: {  	v2 =	vld [tilespmem:$0x5280];
	_ =	sdelay $0x7  }
0x71: {  	[tilespmem:v2+s15+$0x0] =	vst.idx.add.f32.msk $0xffff, v1  }
0x72: {  	v2 =	vld [tilespmem:$0x5290];
	_ =	sdelay $0x7  }
0x73: {  	[tilespmem:v2+s15+$0x0] =	vst.idx.add.f32.msk $0xffff, v1  }
0x74: {  	v2 =	vld [tilespmem:$0x52A0];
	_ =	sdelay $0x7  }
0x75: {  	[tilespmem:v2+s15+$0x0] =	vst.idx.add.f32.msk $0xffff, v1  }
0x76: {  	v2 =	vld [tilespmem:$0x52B0];
	_ =	sdelay $0x7  }
0x77: {  	[tilespmem:v2+s15+$0x0] =	vst.idx.add.f32.msk $0xffff, v1  }
0x78: {  	v2 =	vld [tilespmem:$0x52C0];
	_ =	sdelay $0x7  }
0x79: {  	[tilespmem:v2+s15+$0x0] =	vst.idx.add.f32.msk $0xffff, v1  }
0x7a: {  	v2 =	vld [tilespmem:$0x52D0];
	_ =	sdelay $0x7  }
0x7b: {  	[tilespmem:v2+s15+$0x0] =	vst.idx.add.f32.msk $0xffff, v1  }
0x7c: {  	v2 =	vld [tilespmem:$0x52E0];
	_ =	sdelay $0x7  }
0x7d: {  	[tilespmem:v2+s15+$0x0] =	vst.idx.add.f32.msk $0xffff, v1  }
0x7e: {  	v2 =	vld [tilespmem:$0x52F0];
	_ =	sdelay $0x7  }
0x7f: {  	[tilespmem:v2+s15+$0x0] =	vst.idx.add.f32.msk $0xffff, v1  }
0x80: {  	v2 =	vld [tilespmem:$0x5300];
	_ =	sdelay $0x7  }
0x81: {  	[tilespmem:v2+s15+$0x0] =	vst.idx.add.f32.msk $0xffff, v1  }
0x82: {  	v2 =	vld [tilespmem:$0x5310];
	_ =	sdelay $0x7  }
0x83: {  	[tilespmem:v2+s15+$0x0] =	vst.idx.add.f32.msk $0xffff, v1  }
0x84: {  	_ =	swait.ge [sflag:s16], $0x320  }
0x85: {  	s31 =	sshrl.u32 s26, $0x3;
	[sflag:s16] =	ssyncset.done $0x0  }
0x86: {  	s28 =	sadd.s32 s2, s31;
	[sflag:s16] =	ssyncadd.s32 $0xFFFFFCE0  }
0x87: {  	[tilespmem:s12], [sflag:$0x1] =	stream.linear.gather [hbm4b:s28+s3], $0x320, $0x38;
	[tilespmem:$0x5E80] =	vst v63  }
0x88: {  	v2 =	vld [tilespmem:$0x5380];
	_ =	sdelay $0x7  }
0x89: {  	[tilespmem:v2+s15+$0x0] =	vst.idx.add.f32.msk $0xffff, v1  }
0x8a: {  	v2 =	vld [tilespmem:$0x5390];
	_ =	sdelay $0x7  }
0x8b: {  	[tilespmem:v2+s15+$0x0] =	vst.idx.add.f32.msk $0xffff, v1  }
0x8c: {  	v2 =	vld [tilespmem:$0x53A0];
	_ =	sdelay $0x7  }
0x8d: {  	[tilespmem:v2+s15+$0x0] =	vst.idx.add.f32.msk $0xffff, v1  }
0x8e: {  	v2 =	vld [tilespmem:$0x53B0];
	_ =	sdelay $0x7  }
0x8f: {  	[tilespmem:v2+s15+$0x0] =	vst.idx.add.f32.msk $0xffff, v1  }
0x90: {  	v2 =	vld [tilespmem:$0x53C0];
	_ =	sdelay $0x7  }
0x91: {  	[tilespmem:v2+s15+$0x0] =	vst.idx.add.f32.msk $0xffff, v1  }
0x92: {  	v2 =	vld [tilespmem:$0x53D0];
	_ =	sdelay $0x7  }
0x93: {  	[tilespmem:v2+s15+$0x0] =	vst.idx.add.f32.msk $0xffff, v1  }
0x94: {  	v2 =	vld [tilespmem:$0x53E0];
	_ =	sdelay $0x7  }
0x95: {  	[tilespmem:v2+s15+$0x0] =	vst.idx.add.f32.msk $0xffff, v1  }
0x96: {  	v2 =	vld [tilespmem:$0x53F0];
	_ =	sdelay $0x7  }
0x97: {  	[tilespmem:v2+s15+$0x0] =	vst.idx.add.f32.msk $0xffff, v1  }
0x98: {  	v2 =	vld [tilespmem:$0x5400];
	_ =	sdelay $0x7  }
0x99: {  	[tilespmem:v2+s15+$0x0] =	vst.idx.add.f32.msk $0xffff, v1  }
0x9a: {  	v2 =	vld [tilespmem:$0x5410];
	_ =	sdelay $0x7  }
0x9b: {  	[tilespmem:v2+s15+$0x0] =	vst.idx.add.f32.msk $0xffff, v1  }
0x9c: {  	v2 =	vld [tilespmem:$0x5420];
	_ =	sdelay $0x7  }
0x9d: {  	[tilespmem:v2+s15+$0x0] =	vst.idx.add.f32.msk $0xffff, v1  }
0x9e: {  	v2 =	vld [tilespmem:$0x5430];
	_ =	sdelay $0x7  }
0x9f: {  	[tilespmem:v2+s15+$0x0] =	vst.idx.add.f32.msk $0xffff, v1  }
0xa0: {  	v2 =	vld [tilespmem:$0x5440];
	_ =	sdelay $0x7  }
0xa1: {  	[tilespmem:v2+s15+$0x0] =	vst.idx.add.f32.msk $0xffff, v1  }
0xa2: {  	v2 =	vld [tilespmem:$0x5450];
	_ =	sdelay $0x7  }
0xa3: {  	[tilespmem:v2+s15+$0x0] =	vst.idx.add.f32.msk $0xffff, v1  }
0xa4: {  	v2 =	vld [tilespmem:$0x5460];
	_ =	sdelay $0x7  }
0xa5: {  	[tilespmem:v2+s15+$0x0] =	vst.idx.add.f32.msk $0xffff, v1  }
0xa6: {  	v2 =	vld [tilespmem:$0x5470];
	_ =	sdelay $0x7  }
0xa7: {  	[tilespmem:v2+s15+$0x0] =	vst.idx.add.f32.msk $0xffff, v1  }
0xa8: {  	v2 =	vld [tilespmem:$0x5480];
	_ =	sdelay $0x7  }
0xa9: {  	[tilespmem:v2+s15+$0x0] =	vst.idx.add.f32.msk $0xffff, v1  }
0xaa: {  	v2 =	vld [tilespmem:$0x5490];
	_ =	sdelay $0x7  }
0xab: {  	[tilespmem:v2+s15+$0x0] =	vst.idx.add.f32.msk $0xffff, v1  }
0xac: {  	v2 =	vld [tilespmem:$0x54A0];
	_ =	sdelay $0x7  }
0xad: {  	[tilespmem:v2+s15+$0x0] =	vst.idx.add.f32.msk $0xffff, v1  }
0xae: {  	v2 =	vld [tilespmem:$0x54B0];
	_ =	sdelay $0x7  }
0xaf: {  	[tilespmem:v2+s15+$0x0] =	vst.idx.add.f32.msk $0xffff, v1  }
0xb0: {  	v2 =	vld [tilespmem:$0x54C0];
	_ =	sdelay $0x7  }
0xb1: {  	[tilespmem:v2+s15+$0x0] =	vst.idx.add.f32.msk $0xffff, v1  }
0xb2: {  	v2 =	vld [tilespmem:$0x54D0];
	_ =	sdelay $0x7  }
0xb3: {  	[tilespmem:v2+s15+$0x0] =	vst.idx.add.f32.msk $0xffff, v1  }
0xb4: {  	v2 =	vld [tilespmem:$0x54E0];
	_ =	sdelay $0x7  }
0xb5: {  	[tilespmem:v2+s15+$0x0] =	vst.idx.add.f32.msk $0xffff, v1  }
0xb6: {  	v2 =	vld [tilespmem:$0x54F0];
	_ =	sdelay $0x7  }
0xb7: {  	[tilespmem:v2+s15+$0x0] =	vst.idx.add.f32.msk $0xffff, v1  }
0xb8: {  	v2 =	vld [tilespmem:$0x5500];
	_ =	sdelay $0x7  }
0xb9: {  	[tilespmem:v2+s15+$0x0] =	vst.idx.add.f32.msk $0xffff, v1  }
0xba: {  	v2 =	vld [tilespmem:$0x5510];
	_ =	sdelay $0x7  }
0xbb: {  	[tilespmem:v2+s15+$0x0] =	vst.idx.add.f32.msk $0xffff, v1  }
0xbc: {  	v2 =	vld [tilespmem:$0x5520];
	_ =	sdelay $0x7  }
0xbd: {  	[tilespmem:v2+s15+$0x0] =	vst.idx.add.f32.msk $0xffff, v1  }
0xbe: {  	v2 =	vld [tilespmem:$0x5530];
	_ =	sdelay $0x7  }
0xbf: {  	[tilespmem:v2+s15+$0x0] =	vst.idx.add.f32.msk $0xffff, v1  }
0xc0: {  	v2 =	vld [tilespmem:$0x5540];
	_ =	sdelay $0x7  }
0xc1: {  	[tilespmem:v2+s15+$0x0] =	vst.idx.add.f32.msk $0xffff, v1  }
0xc2: {  	v2 =	vld [tilespmem:$0x5550];
	_ =	sdelay $0x7  }
0xc3: {  	[tilespmem:v2+s15+$0x0] =	vst.idx.add.f32.msk $0xffff, v1  }
0xc4: {  	v2 =	vld [tilespmem:$0x5560];
	_ =	sdelay $0x7  }
0xc5: {  	[tilespmem:v2+s15+$0x0] =	vst.idx.add.f32.msk $0xffff, v1  }
0xc6: {  	v2 =	vld [tilespmem:$0x5570];
	_ =	sdelay $0x7  }
0xc7: {  	[tilespmem:v2+s15+$0x0] =	vst.idx.add.f32.msk $0xffff, v1  }
0xc8: {  	v2 =	vld [tilespmem:$0x5580];
	_ =	sdelay $0x7  }
0xc9: {  	[tilespmem:v2+s15+$0x0] =	vst.idx.add.f32.msk $0xffff, v1  }
0xca: {  	v2 =	vld [tilespmem:$0x5590];
	_ =	sdelay $0x7  }
0xcb: {  	[tilespmem:v2+s15+$0x0] =	vst.idx.add.f32.msk $0xffff, v1  }
0xcc: {  	v2 =	vld [tilespmem:$0x55A0];
	_ =	sdelay $0x7  }
0xcd: {  	[tilespmem:v2+s15+$0x0] =	vst.idx.add.f32.msk $0xffff, v1  }
0xce: {  	v2 =	vld [tilespmem:$0x55B0];
	_ =	sdelay $0x7  }
0xcf: {  	[tilespmem:v2+s15+$0x0] =	vst.idx.add.f32.msk $0xffff, v1  }
0xd0: {  	v2 =	vld [tilespmem:$0x55C0];
	_ =	sdelay $0x7  }
0xd1: {  	[tilespmem:v2+s15+$0x0] =	vst.idx.add.f32.msk $0xffff, v1  }
0xd2: {  	v2 =	vld [tilespmem:$0x55D0];
	_ =	sdelay $0x7  }
0xd3: {  	[tilespmem:v2+s15+$0x0] =	vst.idx.add.f32.msk $0xffff, v1  }
0xd4: {  	v2 =	vld [tilespmem:$0x55E0];
	_ =	sdelay $0x7  }
0xd5: {  	[tilespmem:v2+s15+$0x0] =	vst.idx.add.f32.msk $0xffff, v1  }
0xd6: {  	v2 =	vld [tilespmem:$0x55F0];
	_ =	sdelay $0x7  }
0xd7: {  	[tilespmem:v2+s15+$0x0] =	vst.idx.add.f32.msk $0xffff, v1  }
0xd8: {  	v2 =	vld [tilespmem:$0x5600];
	_ =	sdelay $0x7  }
0xd9: {  	[tilespmem:v2+s15+$0x0] =	vst.idx.add.f32.msk $0xffff, v1  }
0xda: {  	v2 =	vld [tilespmem:$0x5610];
	_ =	sdelay $0x7  }
0xdb: {  	[tilespmem:v2+s15+$0x0] =	vst.idx.add.f32.msk $0xffff, v1  }
0xdc: {  	v2 =	vld [tilespmem:$0x5620];
	_ =	sdelay $0x7  }
0xdd: {  	[tilespmem:v2+s15+$0x0] =	vst.idx.add.f32.msk $0xffff, v1  }
0xde: {  	v2 =	vld [tilespmem:$0x5630];
	_ =	sdelay $0x7  }
0xdf: {  	[tilespmem:v2+s15+$0x0] =	vst.idx.add.f32.msk $0xffff, v1  }
0xe0: {  	v2 =	vld [tilespmem:$0x5640];
	_ =	sdelay $0x7  }
0xe1: {  	[tilespmem:v2+s15+$0x0] =	vst.idx.add.f32.msk $0xffff, v1  }
0xe2: {  	v2 =	vld [tilespmem:$0x5650];
	_ =	sdelay $0x7  }
0xe3: {  	[tilespmem:v2+s15+$0x0] =	vst.idx.add.f32.msk $0xffff, v1  }
0xe4: {  	v2 =	vld [tilespmem:$0x5660];
	_ =	sdelay $0x7  }
0xe5: {  	[tilespmem:v2+s15+$0x0] =	vst.idx.add.f32.msk $0xffff, v1  }
0xe6: {  	v2 =	vld [tilespmem:$0x5670];
	_ =	sdelay $0x7  }
0xe7: {  	[tilespmem:v2+s15+$0x0] =	vst.idx.add.f32.msk $0xffff, v1  }
0xe8: {  	v2 =	vld [tilespmem:$0x5680];
	_ =	sdelay $0x7  }
0xe9: {  	[tilespmem:v2+s15+$0x0] =	vst.idx.add.f32.msk $0xffff, v1  }
0xea: {  	v2 =	vld [tilespmem:$0x5690];
	_ =	sdelay $0x2  }
0xeb: {  	p0 =	sne.s32 s25, $0x898  }
.Ltmp1:
0xec: {  	_ = 	snop;
	(pc) =	sbr.rel @p0 .LBB2_4-.Ltmp1, $2  }
0xed: {  	_ =	sdelay $0x2  }
0xee: {  	s26 =	sadd.s32 $0x640, s26;
	s25 =	sadd.s32 $0xC8, s25;
	[tilespmem:v2+s15+$0x0] =	vst.idx.add.f32.msk $0xffff, v1  }
0xef: {  	_ =	swait.ge [sflag:s13], $0x320  }
0xf0: {  	[sflag:s13] =	ssyncset.done $0x0  }
0xf1: {  	[sflag:s13] =	ssyncadd.s32 $0xFFFFFCE0  }
0xf2: {  	v2 =	vld [tilespmem:$0x5000];
	_ =	sdelay $0x7  }
0xf3: {  	[tilespmem:v2+s15+$0x0] =	vst.idx.add.f32.msk $0xffff, v1  }
0xf4: {  	v2 =	vld [tilespmem:$0x5010];
	_ =	sdelay $0x7  }
0xf5: {  	[tilespmem:v2+s15+$0x0] =	vst.idx.add.f32.msk $0xffff, v1  }
0xf6: {  	v2 =	vld [tilespmem:$0x5020];
	_ =	sdelay $0x7  }
0xf7: {  	[tilespmem:v2+s15+$0x0] =	vst.idx.add.f32.msk $0xffff, v1  }
0xf8: {  	v2 =	vld [tilespmem:$0x5030];
	_ =	sdelay $0x7  }
0xf9: {  	[tilespmem:v2+s15+$0x0] =	vst.idx.add.f32.msk $0xffff, v1  }
0xfa: {  	v2 =	vld [tilespmem:$0x5040];
	_ =	sdelay $0x7  }
0xfb: {  	[tilespmem:v2+s15+$0x0] =	vst.idx.add.f32.msk $0xffff, v1  }
0xfc: {  	v2 =	vld [tilespmem:$0x5050];
	_ =	sdelay $0x7  }
0xfd: {  	[tilespmem:v2+s15+$0x0] =	vst.idx.add.f32.msk $0xffff, v1  }
0xfe: {  	v2 =	vld [tilespmem:$0x5060];
	_ =	sdelay $0x7  }
0xff: {  	[tilespmem:v2+s15+$0x0] =	vst.idx.add.f32.msk $0xffff, v1  }
0x100: {  	v2 =	vld [tilespmem:$0x5070];
	_ =	sdelay $0x7  }
0x101: {  	[tilespmem:v2+s15+$0x0] =	vst.idx.add.f32.msk $0xffff, v1  }
0x102: {  	v2 =	vld [tilespmem:$0x5080];
	_ =	sdelay $0x7  }
0x103: {  	[tilespmem:v2+s15+$0x0] =	vst.idx.add.f32.msk $0xffff, v1  }
0x104: {  	v2 =	vld [tilespmem:$0x5090];
	_ =	sdelay $0x7  }
0x105: {  	[tilespmem:v2+s15+$0x0] =	vst.idx.add.f32.msk $0xffff, v1  }
0x106: {  	v2 =	vld [tilespmem:$0x50A0];
	_ =	sdelay $0x7  }
0x107: {  	[tilespmem:v2+s15+$0x0] =	vst.idx.add.f32.msk $0xffff, v1  }
0x108: {  	v2 =	vld [tilespmem:$0x50B0];
	_ =	sdelay $0x7  }
0x109: {  	[tilespmem:v2+s15+$0x0] =	vst.idx.add.f32.msk $0xffff, v1  }
0x10a: {  	v2 =	vld [tilespmem:$0x50C0];
	_ =	sdelay $0x7  }
0x10b: {  	[tilespmem:v2+s15+$0x0] =	vst.idx.add.f32.msk $0xffff, v1  }
0x10c: {  	v2 =	vld [tilespmem:$0x50D0];
	_ =	sdelay $0x7  }
0x10d: {  	[tilespmem:v2+s15+$0x0] =	vst.idx.add.f32.msk $0xffff, v1  }
0x10e: {  	v2 =	vld [tilespmem:$0x50E0];
	_ =	sdelay $0x7  }
0x10f: {  	[tilespmem:v2+s15+$0x0] =	vst.idx.add.f32.msk $0xffff, v1  }
0x110: {  	v2 =	vld [tilespmem:$0x50F0];
	_ =	sdelay $0x7  }
0x111: {  	[tilespmem:v2+s15+$0x0] =	vst.idx.add.f32.msk $0xffff, v1  }
0x112: {  	v2 =	vld [tilespmem:$0x5100];
	_ =	sdelay $0x7  }
0x113: {  	[tilespmem:v2+s15+$0x0] =	vst.idx.add.f32.msk $0xffff, v1  }
0x114: {  	v2 =	vld [tilespmem:$0x5110];
	_ =	sdelay $0x7  }
0x115: {  	[tilespmem:v2+s15+$0x0] =	vst.idx.add.f32.msk $0xffff, v1  }
0x116: {  	v2 =	vld [tilespmem:$0x5120];
	_ =	sdelay $0x7  }
0x117: {  	[tilespmem:v2+s15+$0x0] =	vst.idx.add.f32.msk $0xffff, v1  }
0x118: {  	v2 =	vld [tilespmem:$0x5130];
	_ =	sdelay $0x7  }
0x119: {  	[tilespmem:v2+s15+$0x0] =	vst.idx.add.f32.msk $0xffff, v1  }
0x11a: {  	v2 =	vld [tilespmem:$0x5140];
	_ =	sdelay $0x7  }
0x11b: {  	[tilespmem:v2+s15+$0x0] =	vst.idx.add.f32.msk $0xffff, v1  }
0x11c: {  	v2 =	vld [tilespmem:$0x5150];
	_ =	sdelay $0x7  }
0x11d: {  	[tilespmem:v2+s15+$0x0] =	vst.idx.add.f32.msk $0xffff, v1  }
0x11e: {  	v2 =	vld [tilespmem:$0x5160];
	_ =	sdelay $0x7  }
0x11f: {  	[tilespmem:v2+s15+$0x0] =	vst.idx.add.f32.msk $0xffff, v1  }
0x120: {  	v2 =	vld [tilespmem:$0x5170];
	_ =	sdelay $0x7  }
0x121: {  	[tilespmem:v2+s15+$0x0] =	vst.idx.add.f32.msk $0xffff, v1  }
0x122: {  	v2 =	vld [tilespmem:$0x5180];
	_ =	sdelay $0x7  }
0x123: {  	[tilespmem:v2+s15+$0x0] =	vst.idx.add.f32.msk $0xffff, v1  }
0x124: {  	v2 =	vld [tilespmem:$0x5190];
	_ =	sdelay $0x7  }
0x125: {  	[tilespmem:v2+s15+$0x0] =	vst.idx.add.f32.msk $0xffff, v1  }
0x126: {  	v2 =	vld [tilespmem:$0x51A0];
	_ =	sdelay $0x7  }
0x127: {  	[tilespmem:v2+s15+$0x0] =	vst.idx.add.f32.msk $0xffff, v1  }
0x128: {  	v2 =	vld [tilespmem:$0x51B0];
	_ =	sdelay $0x7  }
0x129: {  	[tilespmem:v2+s15+$0x0] =	vst.idx.add.f32.msk $0xffff, v1  }
0x12a: {  	v2 =	vld [tilespmem:$0x51C0];
	_ =	sdelay $0x7  }
0x12b: {  	[tilespmem:v2+s15+$0x0] =	vst.idx.add.f32.msk $0xffff, v1  }
0x12c: {  	v2 =	vld [tilespmem:$0x51D0];
	_ =	sdelay $0x7  }
0x12d: {  	[tilespmem:v2+s15+$0x0] =	vst.idx.add.f32.msk $0xffff, v1  }
0x12e: {  	v2 =	vld [tilespmem:$0x51E0];
	_ =	sdelay $0x7  }
0x12f: {  	[tilespmem:v2+s15+$0x0] =	vst.idx.add.f32.msk $0xffff, v1  }
0x130: {  	v2 =	vld [tilespmem:$0x51F0];
	_ =	sdelay $0x7  }
0x131: {  	[tilespmem:v2+s15+$0x0] =	vst.idx.add.f32.msk $0xffff, v1  }
0x132: {  	v2 =	vld [tilespmem:$0x5200];
	_ =	sdelay $0x7  }
0x133: {  	[tilespmem:v2+s15+$0x0] =	vst.idx.add.f32.msk $0xffff, v1  }
0x134: {  	v2 =	vld [tilespmem:$0x5210];
	_ =	sdelay $0x7  }
0x135: {  	[tilespmem:v2+s15+$0x0] =	vst.idx.add.f32.msk $0xffff, v1  }
0x136: {  	v2 =	vld [tilespmem:$0x5220];
	_ =	sdelay $0x7  }
0x137: {  	[tilespmem:v2+s15+$0x0] =	vst.idx.add.f32.msk $0xffff, v1  }
0x138: {  	v2 =	vld [tilespmem:$0x5230];
	_ =	sdelay $0x7  }
0x139: {  	[tilespmem:v2+s15+$0x0] =	vst.idx.add.f32.msk $0xffff, v1  }
0x13a: {  	v2 =	vld [tilespmem:$0x5240];
	_ =	sdelay $0x7  }
0x13b: {  	[tilespmem:v2+s15+$0x0] =	vst.idx.add.f32.msk $0xffff, v1  }
0x13c: {  	v2 =	vld [tilespmem:$0x5250];
	_ =	sdelay $0x7  }
0x13d: {  	[tilespmem:v2+s15+$0x0] =	vst.idx.add.f32.msk $0xffff, v1  }
0x13e: {  	v2 =	vld [tilespmem:$0x5260];
	_ =	sdelay $0x7  }
0x13f: {  	[tilespmem:v2+s15+$0x0] =	vst.idx.add.f32.msk $0xffff, v1  }
0x140: {  	v2 =	vld [tilespmem:$0x5270];
	_ =	sdelay $0x7  }
0x141: {  	[tilespmem:v2+s15+$0x0] =	vst.idx.add.f32.msk $0xffff, v1  }
0x142: {  	v2 =	vld [tilespmem:$0x5280];
	_ =	sdelay $0x7  }
0x143: {  	[tilespmem:v2+s15+$0x0] =	vst.idx.add.f32.msk $0xffff, v1  }
0x144: {  	v2 =	vld [tilespmem:$0x5290];
	_ =	sdelay $0x7  }
0x145: {  	[tilespmem:v2+s15+$0x0] =	vst.idx.add.f32.msk $0xffff, v1  }
0x146: {  	v2 =	vld [tilespmem:$0x52A0];
	_ =	sdelay $0x7  }
0x147: {  	[tilespmem:v2+s15+$0x0] =	vst.idx.add.f32.msk $0xffff, v1  }
0x148: {  	v2 =	vld [tilespmem:$0x52B0];
	_ =	sdelay $0x7  }
0x149: {  	[tilespmem:v2+s15+$0x0] =	vst.idx.add.f32.msk $0xffff, v1  }
0x14a: {  	v2 =	vld [tilespmem:$0x52C0];
	_ =	sdelay $0x7  }
0x14b: {  	[tilespmem:v2+s15+$0x0] =	vst.idx.add.f32.msk $0xffff, v1  }
0x14c: {  	v2 =	vld [tilespmem:$0x52D0];
	_ =	sdelay $0x7  }
0x14d: {  	[tilespmem:v2+s15+$0x0] =	vst.idx.add.f32.msk $0xffff, v1  }
0x14e: {  	v2 =	vld [tilespmem:$0x52E0];
	_ =	sdelay $0x7  }
0x14f: {  	[tilespmem:v2+s15+$0x0] =	vst.idx.add.f32.msk $0xffff, v1  }
0x150: {  	v2 =	vld [tilespmem:$0x52F0];
	_ =	sdelay $0x7  }
0x151: {  	[tilespmem:v2+s15+$0x0] =	vst.idx.add.f32.msk $0xffff, v1  }
0x152: {  	v2 =	vld [tilespmem:$0x5300];
	_ =	sdelay $0x7  }
0x153: {  	[tilespmem:v2+s15+$0x0] =	vst.idx.add.f32.msk $0xffff, v1  }
0x154: {  	v2 =	vld [tilespmem:$0x5310];
	_ =	sdelay $0x7  }
0x155: {  	s25 =	simm.s32 $0x3;
	[tilespmem:v2+s15+$0x0] =	vst.idx.add.f32.msk $0xffff, v1  }
0x156: {  	[spmem:s6] =	stream.strided.scatter [tilespmem:s15], [sflag:$0x3], $0x2800, s18, s17, $0x38;
	[tilespmem:$0x5E80] =	vst v63  }
0x157: {  	_ =	swait.ge [sflag:s25], $0x2800  }
0x158: {  	[sflag:s25] =	ssyncset.done $0x0  }
0x159: {  	[sflag:s25] =	ssyncadd.s32 $0xFFFFD800  }
0x15a: {  	[bflag:$0x0] =	sbarrier.arrive $0xFFFF  }
0x15b: {  	[tilespmem:s19], [sflag:$0x3] =	stream.strided.gather [spmem:s5], $0x280, s18, s17, $0x38;
	[tilespmem:$0x5E80] =	vst v63  }
0x15c: {  	_ =	swait.ge [sflag:s25], $0x280  }
0x15d: {  	[sflag:s25] =	ssyncset.done $0x0  }
0x15e: {  	s26 =	simm.s32 $0x180;
	[sflag:s25] =	ssyncadd.s32 $0xFFFFFD80  }
0x15f: {  	[tilespmem:s20], [sflag:$0x1] =	stream.strided.gather [spmem:s7], $0x280, s18, s17, $0x38;
	[tilespmem:$0x5E80] =	vst v63  }
.LBB2_6:
0x160: {  	s28 =	sadd.s32 $0xFFFFFFFF, s25  }
0x161: {  	s28 =	sshrl.u32 s28, $0x3  }
0x162: {  	s28 =	smul.u32 $0x50000, s28;
	_ =	sdelay $0x1  }
0x163: {  	_ =	swait.ge [sflag:s13], $0x280;
	s29 =	sadd.s32 $0xFFFFFF80, s26;
	s28 =	sshra.s32 s28, $0x2  }
0x164: {  	[sflag:s13] =	ssyncset.done $0x0;
	s29 =	sand.u32 $0x300, s29;
	s28 =	sadd.s32 s28, s5  }
0x165: {  	[sflag:s13] =	ssyncadd.s32 $0xFFFFFD80;
	s28 =	sadd.s32 s29, s28  }
0x166: {  	[tilespmem:s21], [sflag:$0x2] =	stream.strided.gather [spmem:s28], $0x280, s18, s17, $0x38;
	[tilespmem:$0x5E80] =	vst v63  }
0x167: {  	v2 =	vld [tilespmem:$0x5C00]  }
0x168: {  	v3 =	vld [tilespmem:$0x5700]  }
0x169: {  	v4 =	vld [tilespmem:$0x5C10]  }
0x16a: {  	v5 =	vld [tilespmem:$0x5710]  }
0x16b: {  	v6 =	vld [tilespmem:$0x5C20]  }
0x16c: {  	v7 =	vld [tilespmem:$0x5720]  }
0x16d: {  	v8 =	vld [tilespmem:$0x5C30]  }
0x16e: {  	v9 =	vld [tilespmem:$0x5730]  }
0x16f: {  	v10 =	vld [tilespmem:$0x5C40]  }
0x170: {  	v11 =	vld [tilespmem:$0x5740]  }
0x171: {  	v12 =	vld [tilespmem:$0x5C50]  }
0x172: {  	v13 =	vld [tilespmem:$0x5750]  }
0x173: {  	v14 =	vld [tilespmem:$0x5C60]  }
0x174: {  	v15 =	vld [tilespmem:$0x5760]  }
0x175: {  	v16 =	vld [tilespmem:$0x5C70]  }
0x176: {  	v17 =	vld [tilespmem:$0x5770]  }
0x177: {  	v18 =	vld [tilespmem:$0x5C80]  }
0x178: {  	v19 =	vld [tilespmem:$0x5780]  }
0x179: {  	v20 =	vld [tilespmem:$0x5C90]  }
0x17a: {  	v21 =	vld [tilespmem:$0x5790]  }
0x17b: {  	v22 =	vld [tilespmem:$0x5CA0]  }
0x17c: {  	v23 =	vld [tilespmem:$0x57A0]  }
0x17d: {  	v24 =	vld [tilespmem:$0x5CB0]  }
0x17e: {  	v25 =	vld [tilespmem:$0x57B0]  }
0x17f: {  	v26 =	vld [tilespmem:$0x5CC0]  }
0x180: {  	v27 =	vld [tilespmem:$0x57C0]  }
0x181: {  	v28 =	vld [tilespmem:$0x5CD0]  }
0x182: {  	v29 =	vld [tilespmem:$0x57D0]  }
0x183: {  	v30 =	vld [tilespmem:$0x5CE0]  }
0x184: {  	v31 =	vld [tilespmem:$0x57E0]  }
0x185: {  	v32 =	vld [tilespmem:$0x5CF0]  }
0x186: {  	v33 =	vld [tilespmem:$0x57F0]  }
0x187: {  	v34 =	vld [tilespmem:$0x5D00]  }
0x188: {  	v35 =	vld [tilespmem:$0x5800]  }
0x189: {  	v36 =	vld [tilespmem:$0x5D10]  }
0x18a: {  	v37 =	vld [tilespmem:$0x5810]  }
0x18b: {  	v38 =	vld [tilespmem:$0x5D20]  }
0x18c: {  	v39 =	vld [tilespmem:$0x5820]  }
0x18d: {  	v40 =	vld [tilespmem:$0x5D30]  }
0x18e: {  	v41 =	vld [tilespmem:$0x5830]  }
0x18f: {  	v42 =	vld [tilespmem:$0x5D40]  }
0x190: {  	v43 =	vld [tilespmem:$0x5840]  }
0x191: {  	v44 =	vld [tilespmem:$0x5D50]  }
0x192: {  	v45 =	vld [tilespmem:$0x5850]  }
0x193: {  	v46 =	vld [tilespmem:$0x5D60]  }
0x194: {  	v56 =	vld [tilespmem:$0x5D90];
	v2 =	vadd.f32 v3, v2  }
0x195: {  	v57 =	vld [tilespmem:$0x5890];
	v4 =	vadd.f32 v5, v4  }
0x196: {  	v58 =	vld [tilespmem:$0x5DA0];
	[tilespmem:$0x5C00] =	vst v2;
	v2 =	vadd.f32 v7, v6  }
0x197: {  	v59 =	vld [tilespmem:$0x58A0];
	[tilespmem:$0x5C10] =	vst v4;
	v4 =	vadd.f32 v9, v8  }
0x198: {  	v60 =	vld [tilespmem:$0x5DB0];
	[tilespmem:$0x5C20] =	vst v2;
	v2 =	vadd.f32 v11, v10  }
0x199: {  	v61 =	vld [tilespmem:$0x58B0];
	[tilespmem:$0x5C30] =	vst v4;
	v4 =	vadd.f32 v13, v12  }
0x19a: {  	v62 =	vld [tilespmem:$0x5DC0];
	[tilespmem:$0x5C40] =	vst v2;
	v2 =	vadd.f32 v15, v14  }
0x19b: {  	v63 =	vld [tilespmem:$0x58C0];
	[tilespmem:$0x5C50] =	vst v4;
	v4 =	vadd.f32 v17, v16  }
0x19c: {  	v47 =	vld [tilespmem:$0x58E0];
	[tilespmem:$0x5C60] =	vst v2;
	v2 =	vadd.f32 v19, v18  }
0x19d: {  	v48 =	vld [tilespmem:$0x5DF0];
	[tilespmem:$0x5C70] =	vst v4;
	v4 =	vadd.f32 v21, v20  }
0x19e: {  	v49 =	vld [tilespmem:$0x58F0];
	[tilespmem:$0x5C80] =	vst v2;
	v2 =	vadd.f32 v23, v22  }
0x19f: {  	v50 =	vld [tilespmem:$0x5E00];
	[tilespmem:$0x5C90] =	vst v4;
	v4 =	vadd.f32 v25, v24  }
0x1a0: {  	v51 =	vld [tilespmem:$0x5900];
	[tilespmem:$0x5CA0] =	vst v2;
	v2 =	vadd.f32 v27, v26  }
0x1a1: {  	v52 =	vld [tilespmem:$0x5E10];
	[tilespmem:$0x5CB0] =	vst v4;
	v4 =	vadd.f32 v29, v28  }
0x1a2: {  	v53 =	vld [tilespmem:$0x5E40];
	[tilespmem:$0x5CC0] =	vst v2;
	v2 =	vadd.f32 v31, v30  }
0x1a3: {  	v3 =	vld [tilespmem:$0x5860];
	[tilespmem:$0x5CD0] =	vst v4;
	v4 =	vadd.f32 v33, v32  }
0x1a4: {  	v5 =	vld [tilespmem:$0x5D70];
	[tilespmem:$0x5CE0] =	vst v2;
	v2 =	vadd.f32 v35, v34  }
0x1a5: {  	v6 =	vld [tilespmem:$0x5870];
	[tilespmem:$0x5CF0] =	vst v4;
	v4 =	vadd.f32 v37, v36  }
0x1a6: {  	v7 =	vld [tilespmem:$0x5D80];
	[tilespmem:$0x5D00] =	vst v2;
	v2 =	vadd.f32 v39, v38  }
0x1a7: {  	v8 =	vld [tilespmem:$0x5880];
	[tilespmem:$0x5D10] =	vst v4;
	v4 =	vadd.f32 v41, v40  }
0x1a8: {  	v54 =	vld [tilespmem:$0x5940];
	[tilespmem:$0x5D20] =	vst v2;
	v2 =	vadd.f32 v43, v42  }
0x1a9: {  	v55 =	vld [tilespmem:$0x5E50];
	[tilespmem:$0x5D30] =	vst v4;
	v4 =	vadd.f32 v45, v44  }
0x1aa: {  	v29 =	vld [tilespmem:$0x5DD0];
	[tilespmem:$0x5D40] =	vst v2;
	v2 =	vadd.f32 v3, v46  }
0x1ab: {  	v31 =	vld [tilespmem:$0x58D0];
	[tilespmem:$0x5D50] =	vst v4;
	v4 =	vadd.f32 v6, v5  }
0x1ac: {  	v33 =	vld [tilespmem:$0x5DE0];
	[tilespmem:$0x5D60] =	vst v2;
	v2 =	vadd.f32 v8, v7  }
0x1ad: {  	v3 =	vld [tilespmem:$0x5910];
	[tilespmem:$0x5D70] =	vst v4;
	v4 =	vadd.f32 v57, v56  }
0x1ae: {  	v5 =	vld [tilespmem:$0x5E20];
	[tilespmem:$0x5D80] =	vst v2;
	v2 =	vadd.f32 v59, v58  }
0x1af: {  	v6 =	vld [tilespmem:$0x5920];
	[tilespmem:$0x5D90] =	vst v4;
	v4 =	vadd.f32 v61, v60  }
0x1b0: {  	v7 =	vld [tilespmem:$0x5E30];
	[tilespmem:$0x5DA0] =	vst v2;
	v2 =	vadd.f32 v63, v62  }
0x1b1: {  	v8 =	vld [tilespmem:$0x5930];
	[tilespmem:$0x5DB0] =	vst v4;
	v4 =	vadd.f32 v31, v29  }
0x1b2: {  	v56 =	vld [tilespmem:$0x5950];
	[tilespmem:$0x5DC0] =	vst v2;
	v2 =	vadd.f32 v47, v33  }
0x1b3: {  	v57 =	vld [tilespmem:$0x5E60];
	[tilespmem:$0x5DD0] =	vst v4;
	v4 =	vadd.f32 v49, v48  }
0x1b4: {  	v58 =	vld [tilespmem:$0x5960];
	[tilespmem:$0x5DE0] =	vst v2;
	v2 =	vadd.f32 v51, v50  }
0x1b5: {  	v3 =	vadd.f32 v3, v52;
	[tilespmem:$0x5DF0] =	vst v4;
	v4 =	vld [tilespmem:$0x5E70]  }
0x1b6: {  	[tilespmem:$0x5E00] =	vst v2;
	v2 =	vadd.f32 v6, v5;
	v5 =	vld [tilespmem:$0x5970]  }
0x1b7: {  	[tilespmem:$0x5E10] =	vst v3;
	v3 =	vadd.f32 v8, v7  }
0x1b8: {  	[tilespmem:$0x5E20] =	vst v2;
	v2 =	vadd.f32 v54, v53  }
0x1b9: {  	[tilespmem:$0x5E30] =	vst v3;
	v3 =	vadd.f32 v56, v55  }
0x1ba: {  	[tilespmem:$0x5E40] =	vst v2;
	v2 =	vadd.f32 v58, v57  }
0x1bb: {  	s30 =	sshrl.u32 s25, $0x3;
	[tilespmem:$0x5E50] =	vst v3;
	v3 =	vadd.f32 v5, v4  }
0x1bc: {  	s28 =	smul.u32 $0x50000, s30;
	[tilespmem:$0x5E60] =	vst v2  }
0x1bd: {  	[tilespmem:$0x5E70] =	vst v3  }
0x1be: {  	s28 =	sshra.s32 s28, $0x2;
	_ =	swait.ge [sflag:s16], $0x280  }
0x1bf: {  	s31 =	sand.u32 $0x380, s26;
	s28 =	sadd.s32 s28, s5;
	[sflag:s16] =	ssyncset.done $0x0  }
0x1c0: {  	s28 =	sadd.s32 s31, s28;
	[sflag:s16] =	ssyncadd.s32 $0xFFFFFD80  }
0x1c1: {  	[tilespmem:s20], [sflag:$0x1] =	stream.strided.gather [spmem:s28], $0x280, s18, s17, $0x38;
	[tilespmem:$0x5E80] =	vst v63  }
0x1c2: {  	v2 =	vld [tilespmem:$0x5C00]  }
0x1c3: {  	v3 =	vld [tilespmem:$0x5980]  }
0x1c4: {  	v4 =	vld [tilespmem:$0x5C10]  }
0x1c5: {  	v5 =	vld [tilespmem:$0x5990]  }
0x1c6: {  	v6 =	vld [tilespmem:$0x5C20]  }
0x1c7: {  	v7 =	vld [tilespmem:$0x59A0]  }
0x1c8: {  	v8 =	vld [tilespmem:$0x5C30]  }
0x1c9: {  	v9 =	vld [tilespmem:$0x59B0]  }
0x1ca: {  	v10 =	vld [tilespmem:$0x5C40]  }
0x1cb: {  	v11 =	vld [tilespmem:$0x59C0]  }
0x1cc: {  	v12 =	vld [tilespmem:$0x5C50]  }
0x1cd: {  	v13 =	vld [tilespmem:$0x59D0]  }
0x1ce: {  	v14 =	vld [tilespmem:$0x5C60]  }
0x1cf: {  	v59 =	vld [tilespmem:$0x59E0]  }
0x1d0: {  	v16 =	vld [tilespmem:$0x5C70]  }
0x1d1: {  	v60 =	vld [tilespmem:$0x59F0]  }
0x1d2: {  	v18 =	vld [tilespmem:$0x5C80]  }
0x1d3: {  	v61 =	vld [tilespmem:$0x5A00]  }
0x1d4: {  	v20 =	vld [tilespmem:$0x5C90]  }
0x1d5: {  	v62 =	vld [tilespmem:$0x5A10]  }
0x1d6: {  	v22 =	vld [tilespmem:$0x5CA0]  }
0x1d7: {  	v63 =	vld [tilespmem:$0x5A20]  }
0x1d8: {  	v24 =	vld [tilespmem:$0x5CB0]  }
0x1d9: {  	v25 =	vld [tilespmem:$0x5A30]  }
0x1da: {  	v26 =	vld [tilespmem:$0x5CC0]  }
0x1db: {  	v27 =	vld [tilespmem:$0x5A40]  }
0x1dc: {  	v28 =	vld [tilespmem:$0x5CD0]  }
0x1dd: {  	v29 =	vld [tilespmem:$0x5A50]  }
0x1de: {  	v30 =	vld [tilespmem:$0x5CE0]  }
0x1df: {  	v31 =	vld [tilespmem:$0x5A60]  }
0x1e0: {  	v32 =	vld [tilespmem:$0x5CF0]  }
0x1e1: {  	v48 =	vld [tilespmem:$0x5A70]  }
0x1e2: {  	v49 =	vld [tilespmem:$0x5D00]  }
0x1e3: {  	v50 =	vld [tilespmem:$0x5A80]  }
0x1e4: {  	v51 =	vld [tilespmem:$0x5D10]  }
0x1e5: {  	v52 =	vld [tilespmem:$0x5A90]  }
0x1e6: {  	v53 =	vld [tilespmem:$0x5D20]  }
0x1e7: {  	v54 =	vld [tilespmem:$0x5AA0]  }
0x1e8: {  	v55 =	vld [tilespmem:$0x5D30]  }
0x1e9: {  	v56 =	vld [tilespmem:$0x5AB0]  }
0x1ea: {  	v57 =	vld [tilespmem:$0x5D40]  }
0x1eb: {  	v58 =	vld [tilespmem:$0x5AC0]  }
0x1ec: {  	v44 =	vld [tilespmem:$0x5D50]  }
0x1ed: {  	v45 =	vld [tilespmem:$0x5AD0]  }
0x1ee: {  	v46 =	vld [tilespmem:$0x5D60]  }
0x1ef: {  	v47 =	vld [tilespmem:$0x5D70];
	v2 =	vadd.f32 v3, v2  }
0x1f0: {  	v33 =	vld [tilespmem:$0x5B70];
	v4 =	vadd.f32 v5, v4  }
0x1f1: {  	v35 =	vld [tilespmem:$0x5E00];
	[tilespmem:$0x5C00] =	vst v2;
	v2 =	vadd.f32 v7, v6  }
0x1f2: {  	v7 =	vld [tilespmem:$0x5AF0];
	[tilespmem:$0x5C10] =	vst v4;
	v4 =	vadd.f32 v9, v8  }
0x1f3: {  	v37 =	vld [tilespmem:$0x5B80];
	[tilespmem:$0x5C20] =	vst v2;
	v2 =	vadd.f32 v11, v10  }
0x1f4: {  	v39 =	vld [tilespmem:$0x5E10];
	[tilespmem:$0x5C30] =	vst v4;
	v4 =	vadd.f32 v13, v12  }
0x1f5: {  	v3 =	vld [tilespmem:$0x5AE0];
	[tilespmem:$0x5C40] =	vst v2;
	v2 =	vadd.f32 v59, v14  }
0x1f6: {  	v5 =	vld [tilespmem:$0x5DA0];
	[tilespmem:$0x5C50] =	vst v4;
	v4 =	vadd.f32 v60, v16  }
0x1f7: {  	v8 =	vld [tilespmem:$0x5D80];
	v7 =	vadd.f32 v7, v47;
	[tilespmem:$0x5C60] =	vst v2  }
0x1f8: {  	v6 =	vld [tilespmem:$0x5B20];
	v2 =	vadd.f32 v61, v18;
	[tilespmem:$0x5C70] =	vst v4  }
0x1f9: {  	v59 =	vld [tilespmem:$0x5DB0];
	v4 =	vadd.f32 v62, v20;
	[tilespmem:$0x5D70] =	vst v7  }
0x1fa: {  	v60 =	vld [tilespmem:$0x5B30];
	[tilespmem:$0x5C80] =	vst v2;
	v2 =	vadd.f32 v63, v22  }
0x1fb: {  	v61 =	vld [tilespmem:$0x5DC0];
	[tilespmem:$0x5C90] =	vst v4;
	v4 =	vadd.f32 v25, v24  }
0x1fc: {  	v62 =	vld [tilespmem:$0x5B40];
	[tilespmem:$0x5CA0] =	vst v2;
	v2 =	vadd.f32 v27, v26  }
0x1fd: {  	v63 =	vld [tilespmem:$0x5DD0];
	[tilespmem:$0x5CB0] =	vst v4;
	v4 =	vadd.f32 v29, v28  }
0x1fe: {  	v25 =	vld [tilespmem:$0x5B50];
	[tilespmem:$0x5CC0] =	vst v2;
	v2 =	vadd.f32 v31, v30  }
0x1ff: {  	v27 =	vld [tilespmem:$0x5DE0];
	[tilespmem:$0x5CD0] =	vst v4;
	v4 =	vadd.f32 v48, v32  }
0x200: {  	v29 =	vld [tilespmem:$0x5B60];
	[tilespmem:$0x5CE0] =	vst v2;
	v2 =	vadd.f32 v50, v49  }
0x201: {  	v31 =	vld [tilespmem:$0x5DF0];
	[tilespmem:$0x5CF0] =	vst v4;
	v4 =	vadd.f32 v52, v51  }
0x202: {  	[tilespmem:$0x5D00] =	vst v2;
	v2 =	vadd.f32 v54, v53;
	v53 =	vld [tilespmem:$0x5E50]  }
0x203: {  	[tilespmem:$0x5D10] =	vst v4;
	v4 =	vadd.f32 v56, v55;
	v54 =	vld [tilespmem:$0x5BD0]  }
0x204: {  	v48 =	vld [tilespmem:$0x5B90];
	[tilespmem:$0x5D20] =	vst v2;
	v2 =	vadd.f32 v6, v5  }
0x205: {  	v5 =	vld [tilespmem:$0x5E20];
	[tilespmem:$0x5D30] =	vst v4;
	v4 =	vadd.f32 v60, v59  }
0x206: {  	v6 =	vld [tilespmem:$0x5BA0];
	[tilespmem:$0x5DA0] =	vst v2;
	v2 =	vadd.f32 v62, v61  }
0x207: {  	v49 =	vld [tilespmem:$0x5E30];
	[tilespmem:$0x5DB0] =	vst v4;
	v4 =	vadd.f32 v25, v63  }
0x208: {  	v50 =	vld [tilespmem:$0x5BB0];
	v59 =	vadd.f32 v54, v53;
	[tilespmem:$0x5DC0] =	vst v2  }
0x209: {  	v51 =	vld [tilespmem:$0x5E40];
	v2 =	vadd.f32 v29, v27;
	[tilespmem:$0x5DD0] =	vst v4  }
0x20a: {  	v52 =	vld [tilespmem:$0x5BC0];
	v4 =	vadd.f32 v33, v31;
	[tilespmem:$0x5E50] =	vst v59  }
0x20b: {  	v61 =	vld [tilespmem:$0x5E70];
	v5 =	vadd.f32 v6, v5;
	[tilespmem:$0x5DE0] =	vst v2  }
0x20c: {  	v62 =	vld [tilespmem:$0x5BF0];
	v6 =	vadd.f32 v3, v46;
	[tilespmem:$0x5DF0] =	vst v4  }
0x20d: {  	v55 =	vld [tilespmem:$0x5B00];
	v2 =	vadd.f32 v37, v35;
	[tilespmem:$0x5E20] =	vst v5  }
0x20e: {  	v56 =	vld [tilespmem:$0x5D90];
	v4 =	vadd.f32 v48, v39;
	[tilespmem:$0x5D60] =	vst v6  }
0x20f: {  	v60 =	vld [tilespmem:$0x5BE0];
	v5 =	vadd.f32 v45, v44;
	[tilespmem:$0x5E00] =	vst v2  }
0x210: {  	[tilespmem:$0x5E10] =	vst v4;
	v4 =	vadd.f32 v50, v49;
	v2 =	vadd.f32 v58, v57;
	v57 =	vld [tilespmem:$0x5B10]  }
0x211: {  	v63 =	vadd.f32 v62, v61;
	v58 =	vld [tilespmem:$0x5E60];
	[tilespmem:$0x5D50] =	vst v5  }
0x212: {  	[tilespmem:$0x5E30] =	vst v4;
	v4 =	vadd.f32 v52, v51  }
0x213: {  	p0 =	sne.s32 s25, $0xF;
	[tilespmem:$0x5E70] =	vst v63  }
.Ltmp2:
0x214: {  	[tilespmem:$0x5E40] =	vst v4;
	v4 =	vadd.f32 v55, v8;
	(pc) =	sbr.rel @p0 .LBB2_6-.Ltmp2, $4  }
0x215: {  	[tilespmem:$0x5D40] =	vst v2;
	v3 =	vadd.f32 v57, v56  }
0x216: {  	v8 =	vadd.f32 v60, v58;
	[tilespmem:$0x5D80] =	vst v4  }
0x217: {  	[tilespmem:$0x5D90] =	vst v3  }
0x218: {  	s26 =	sadd.s32 $0x100, s26;
	s25 =	sadd.s32 $0x2, s25;
	[tilespmem:$0x5E60] =	vst v8  }
0x219: {  	_ =	swait.ge [sflag:s13], $0x280  }
0x21a: {  	[sflag:s13] =	ssyncset.done $0x0  }
0x21b: {  	[sflag:s13] =	ssyncadd.s32 $0xFFFFFD80  }
0x21c: {  	v8 =	vld [tilespmem:$0x5C00]  }
0x21d: {  	v9 =	vld [tilespmem:$0x5700]  }
0x21e: {  	v10 =	vld [tilespmem:$0x5C10]  }
0x21f: {  	v11 =	vld [tilespmem:$0x5710]  }
0x220: {  	v12 =	vld [tilespmem:$0x5C20]  }
0x221: {  	v13 =	vld [tilespmem:$0x5720]  }
0x222: {  	v14 =	vld [tilespmem:$0x5C30]  }
0x223: {  	v15 =	vld [tilespmem:$0x5730]  }
0x224: {  	v16 =	vld [tilespmem:$0x5C40]  }
0x225: {  	v17 =	vld [tilespmem:$0x5740]  }
0x226: {  	v18 =	vld [tilespmem:$0x5C50]  }
0x227: {  	v19 =	vld [tilespmem:$0x5750]  }
0x228: {  	v20 =	vld [tilespmem:$0x5C60]  }
0x229: {  	v21 =	vld [tilespmem:$0x5760]  }
0x22a: {  	v22 =	vld [tilespmem:$0x5C70]  }
0x22b: {  	v23 =	vld [tilespmem:$0x5770]  }
0x22c: {  	v24 =	vld [tilespmem:$0x5C80]  }
0x22d: {  	v25 =	vld [tilespmem:$0x5780]  }
0x22e: {  	v26 =	vld [tilespmem:$0x5C90]  }
0x22f: {  	v27 =	vld [tilespmem:$0x5790]  }
0x230: {  	v28 =	vld [tilespmem:$0x5CA0]  }
0x231: {  	v29 =	vld [tilespmem:$0x57A0]  }
0x232: {  	v30 =	vld [tilespmem:$0x5CB0]  }
0x233: {  	v31 =	vld [tilespmem:$0x57B0]  }
0x234: {  	v32 =	vld [tilespmem:$0x5CC0]  }
0x235: {  	v33 =	vld [tilespmem:$0x57C0]  }
0x236: {  	v34 =	vld [tilespmem:$0x5CD0]  }
0x237: {  	v35 =	vld [tilespmem:$0x57D0]  }
0x238: {  	v36 =	vld [tilespmem:$0x5CE0]  }
0x239: {  	v37 =	vld [tilespmem:$0x57E0]  }
0x23a: {  	v38 =	vld [tilespmem:$0x5CF0]  }
0x23b: {  	v39 =	vld [tilespmem:$0x57F0]  }
0x23c: {  	v40 =	vld [tilespmem:$0x5D00]  }
0x23d: {  	v41 =	vld [tilespmem:$0x5800]  }
0x23e: {  	v42 =	vld [tilespmem:$0x5D10]  }
0x23f: {  	v43 =	vld [tilespmem:$0x5810]  }
0x240: {  	v44 =	vld [tilespmem:$0x5D20]  }
0x241: {  	v45 =	vld [tilespmem:$0x5820]  }
0x242: {  	v46 =	vld [tilespmem:$0x5D30]  }
0x243: {  	v47 =	vld [tilespmem:$0x5830];
	v8 =	vadd.f32 v9, v8  }
0x244: {  	v51 =	vld [tilespmem:$0x5870];
	v10 =	vadd.f32 v11, v10  }
0x245: {  	v55 =	vld [tilespmem:$0x5DA0];
	v48 =	vadd.f32 v13, v12;
	[tilespmem:$0x5C00] =	vst v8  }
0x246: {  	v57 =	vld [tilespmem:$0x58A0];
	v49 =	vadd.f32 v15, v14;
	[tilespmem:$0x5C10] =	vst v10  }
0x247: {  	v59 =	vld [tilespmem:$0x5DB0];
	v50 =	vadd.f32 v17, v16;
	[tilespmem:$0x5C20] =	vst v48  }
0x248: {  	v61 =	vld [tilespmem:$0x58B0];
	v52 =	vadd.f32 v19, v18;
	[tilespmem:$0x5C30] =	vst v49  }
0x249: {  	v63 =	vld [tilespmem:$0x5DC0];
	v53 =	vadd.f32 v21, v20;
	[tilespmem:$0x5C40] =	vst v50  }
0x24a: {  	v11 =	vld [tilespmem:$0x5840];
	v54 =	vadd.f32 v23, v22;
	[tilespmem:$0x5C50] =	vst v52  }
0x24b: {  	v12 =	vld [tilespmem:$0x5850];
	v56 =	vadd.f32 v25, v24;
	[tilespmem:$0x5C60] =	vst v53  }
0x24c: {  	v13 =	vld [tilespmem:$0x5860];
	v58 =	vadd.f32 v27, v26;
	[tilespmem:$0x5C70] =	vst v54  }
0x24d: {  	v15 =	vld [tilespmem:$0x5880];
	v60 =	vadd.f32 v29, v28;
	[tilespmem:$0x5C80] =	vst v56  }
0x24e: {  	v16 =	vld [tilespmem:$0x5890];
	v62 =	vadd.f32 v31, v30;
	[tilespmem:$0x5C90] =	vst v58  }
0x24f: {  	v32 =	vadd.f32 v33, v32;
	v33 =	vld [tilespmem:$0x58C0];
	[tilespmem:$0x5CA0] =	vst v60  }
0x250: {  	v34 =	vadd.f32 v35, v34;
	v35 =	vld [tilespmem:$0x5DD0];
	[tilespmem:$0x5CB0] =	vst v62  }
0x251: {  	v36 =	vadd.f32 v37, v36;
	v37 =	vld [tilespmem:$0x58D0];
	[tilespmem:$0x5CC0] =	vst v32  }
0x252: {  	v38 =	vadd.f32 v39, v38;
	v39 =	vld [tilespmem:$0x5DE0];
	[tilespmem:$0x5CD0] =	vst v34  }
0x253: {  	v40 =	vadd.f32 v41, v40;
	v41 =	vld [tilespmem:$0x58E0];
	[tilespmem:$0x5CE0] =	vst v36  }
0x254: {  	v42 =	vadd.f32 v43, v42;
	v43 =	vld [tilespmem:$0x5DF0];
	[tilespmem:$0x5CF0] =	vst v38  }
0x255: {  	v44 =	vadd.f32 v45, v44;
	v45 =	vld [tilespmem:$0x58F0];
	[tilespmem:$0x5D00] =	vst v40  }
0x256: {  	v9 =	vadd.f32 v47, v46;
	v47 =	vld [tilespmem:$0x5E00];
	[tilespmem:$0x5D10] =	vst v42  }
0x257: {  	v51 =	vadd.f32 v51, v7;
	[tilespmem:$0x5D20] =	vst v44;
	v48 =	vld [tilespmem:$0x5900]  }
0x258: {  	[tilespmem:$0x5D30] =	vst v9;
	v49 =	vld [tilespmem:$0x5E10];
	v2 =	vadd.f32 v11, v2  }
0x259: {  	v50 =	vld [tilespmem:$0x5910];
	[tilespmem:$0x5D70] =	vst v51;
	v5 =	vadd.f32 v12, v5  }
0x25a: {  	v52 =	vld [tilespmem:$0x5E20];
	[tilespmem:$0x5D40] =	vst v2;
	v2 =	vadd.f32 v13, v6  }
0x25b: {  	v53 =	vld [tilespmem:$0x5920];
	v3 =	vadd.f32 v16, v3;
	[tilespmem:$0x5D50] =	vst v5  }
0x25c: {  	v54 =	vld [tilespmem:$0x5E30];
	[tilespmem:$0x5D60] =	vst v2;
	v2 =	vadd.f32 v15, v4  }
0x25d: {  	v56 =	vld [tilespmem:$0x5E40];
	[tilespmem:$0x5D90] =	vst v3;
	v3 =	vadd.f32 v61, v59  }
0x25e: {  	v58 =	vld [tilespmem:$0x5E50];
	[tilespmem:$0x5D80] =	vst v2;
	v2 =	vadd.f32 v57, v55  }
0x25f: {  	v60 =	vld [tilespmem:$0x5E60];
	[tilespmem:$0x5DB0] =	vst v3;
	v3 =	vadd.f32 v37, v35  }
0x260: {  	v55 =	vld [tilespmem:$0x5930];
	[tilespmem:$0x5DA0] =	vst v2;
	v2 =	vadd.f32 v33, v63  }
0x261: {  	v62 =	vld [tilespmem:$0x5E70];
	[tilespmem:$0x5DD0] =	vst v3;
	v3 =	vadd.f32 v45, v43  }
0x262: {  	v59 =	vld [tilespmem:$0x5950];
	[tilespmem:$0x5DC0] =	vst v2;
	v2 =	vadd.f32 v41, v39  }
0x263: {  	v57 =	vld [tilespmem:$0x5940];
	[tilespmem:$0x5DF0] =	vst v3;
	v3 =	vadd.f32 v50, v49  }
0x264: {  	v63 =	vld [tilespmem:$0x5970];
	[tilespmem:$0x5DE0] =	vst v2;
	v2 =	vadd.f32 v48, v47  }
0x265: {  	v61 =	vld [tilespmem:$0x5960];
	[tilespmem:$0x5E10] =	vst v3;
	v3 =	vadd.f32 v55, v54  }
0x266: {  	[tilespmem:$0x5E00] =	vst v2;
	v2 =	vadd.f32 v53, v52  }
0x267: {  	[tilespmem:$0x5E30] =	vst v3;
	v3 =	vadd.f32 v59, v58  }
0x268: {  	[tilespmem:$0x5E20] =	vst v2;
	v2 =	vadd.f32 v57, v56  }
0x269: {  	[tilespmem:$0x5E50] =	vst v3;
	v3 =	vadd.f32 v63, v62  }
0x26a: {  	[tilespmem:$0x5E40] =	vst v2;
	v2 =	vadd.f32 v61, v60  }
0x26b: {  	[tilespmem:$0x5E70] =	vst v3  }
0x26c: {  	s25 =	simm.s32 $0x0;
	s26 =	simm.s32 $0x40;
	[tilespmem:$0x5E60] =	vst v2  }
.LBB2_8:
0x26d: {  	p0 =	sne.s32 s26, $0x9C0;
	v2 =	vld [tilespmem:s25+$0x5C00];
	_ =	sdelay $0x4  }
0x26e: {  	v2 =	vmax.f32 v2, $1.000000000e+00  }
0x26f: {  	v3 =	vshrl.u32 v2, $0x1;
	v2 =	vmul.f32 $5.000000000e-01, v2  }
0x270: {  	v3 =	vsub.s32 $0x5F3759DF, v3  }
0x271: {  	v4 =	vmul.f32 v3, v2;
	_ =	sdelay $0x1  }
0x272: {  	v4 =	vmul.f32 v3, v4;
	_ =	sdelay $0x1  }
0x273: {  	v4 =	vsub.f32 $1.500000000e+00, v4;
	_ =	sdelay $0x1  }
0x274: {  	v3 =	vmul.f32 v3, v4;
	_ =	sdelay $0x1  }
0x275: {  	v4 =	vmul.f32 v3, v2;
	_ =	sdelay $0x1  }
0x276: {  	v4 =	vmul.f32 v4, v3;
	_ =	sdelay $0x1  }
0x277: {  	v4 =	vsub.f32 $1.500000000e+00, v4;
	_ =	sdelay $0x1  }
0x278: {  	v3 =	vmul.f32 v4, v3;
	_ =	sdelay $0x1  }
0x279: {  	v2 =	vmul.f32 v3, v2;
	_ =	sdelay $0x1  }
0x27a: {  	v2 =	vmul.f32 v2, v3;
	_ =	sdelay $0x1  }
.Ltmp3:
0x27b: {  	v2 =	vsub.f32 $1.500000000e+00, v2;
	(pc) =	sbr.rel @p0 .LBB2_8-.Ltmp3, $3  }
0x27c: {  	_ = 	snop  }
0x27d: {  	v2 =	vmul.f32 v2, v3;
	_ =	sdelay $0x1  }
0x27e: {  	[tilespmem:s25+$0x5C00] =	vst v2;
	s25 =	sshra.s32 s26, $0x2;
	s26 =	sadd.s32 $0x40, s26  }
0x27f: {  	v2 =	vld [tilespmem:s25+$0x5C00];
	_ =	sdelay $0x4  }
0x280: {  	v2 =	vmax.f32 v2, $1.000000000e+00  }
0x281: {  	v3 =	vshrl.u32 v2, $0x1;
	v2 =	vmul.f32 $5.000000000e-01, v2  }
0x282: {  	v3 =	vsub.s32 $0x5F3759DF, v3  }
0x283: {  	v4 =	vmul.f32 v3, v2;
	_ =	sdelay $0x1  }
0x284: {  	v4 =	vmul.f32 v3, v4;
	_ =	sdelay $0x1  }
0x285: {  	v4 =	vsub.f32 $1.500000000e+00, v4;
	_ =	sdelay $0x1  }
0x286: {  	v3 =	vmul.f32 v3, v4;
	_ =	sdelay $0x1  }
0x287: {  	v4 =	vmul.f32 v3, v2;
	_ =	sdelay $0x1  }
0x288: {  	v4 =	vmul.f32 v4, v3;
	_ =	sdelay $0x1  }
0x289: {  	v4 =	vsub.f32 $1.500000000e+00, v4;
	_ =	sdelay $0x1  }
0x28a: {  	v3 =	vmul.f32 v4, v3;
	_ =	sdelay $0x1  }
0x28b: {  	v2 =	vmul.f32 v3, v2;
	_ =	sdelay $0x1  }
0x28c: {  	v2 =	vmul.f32 v2, v3;
	_ =	sdelay $0x1  }
0x28d: {  	v2 =	vsub.f32 $1.500000000e+00, v2;
	_ =	sdelay $0x1  }
0x28e: {  	s24 =	sadd.s32 $0x1, s24;
	v2 =	vmul.f32 v2, v3  }
0x28f: {  	p0 =	sne.s32 s24, s9  }
.Ltmp4:
0x290: {  	[tilespmem:s25+$0x5C00] =	vst v2;
	(pc) =	sbr.rel @p0 .LBB2_1-.Ltmp4, $4  }
0x291: {  	[hbm4b:s8+s17] =	stream.strided.scatter [tilespmem:s19], [sflag:$0x3], $0x280, s22, s17, $0x38;
	[tilespmem:$0x5E80] =	vst v63  }
0x292: {  	_ =	swait.ge [sflag:s23], $0x280  }
0x293: {  	[sflag:s23] =	ssyncset.done $0x0  }
0x294: {  	[sflag:s23] =	ssyncadd.s32 $0xFFFFFD80  }
0x295: {  	_ =	sfence.sel $0x180000  }
0x296: {  	[bflag:$0x0] =	sbarrier.arrive $0xFFFF  }
0x297: {  	p0 =	sne.s32 s1, $0x0;
	_ =	strace $0x90000047  }
0x298: {  	s0 =	sadd.s32 @!p0 $0x100000, s0;
	[bflag:$0x2] =	sbarrier.arrive $0xFFFF  }
0x299: {  	[sflag:s0] =	ssyncadd.tile.s32 @!p0 $0x1;
	_ =	shalt  }
.Lfunc_end2:
_tile_overlayer_lowered:
.L_overlay_start_2:
0x29a: {  	(tag) =	ssettag $0x2  }
0x29b: {  	s0 =	rddreg [dreg:$0x0];
	s2 =	stileid.u32  }
0x29c: {  	s1 =	rddreg [dreg:$0x1];
	p0 =	sne.s32 s2, $0x0  }
0x29d: {  	s3 =	rddreg [dreg:$0x2];
	[bflag:$0x3] =	sbarrier.arrive $0xFFFF;
	s2 =	simm.s32 @!p0 $0x1C03  }
0x29e: {  	[timem:s3], [sflag:s2] =	dma.local @!p0 [hbm:s0], s1  }
0x29f: {  	s0 =	simm.s32 @!p0 $0x3  }
0x2a0: {  	_ =	swait.ge @!p0 [sflag:s0], s1  }
0x2a1: {  	s1 =	ssub.s32 @!p0 $0x0, s1;
	[sflag:s0] =	ssyncset.done @!p0 $0x0  }
0x2a2: {  	[sflag:s0] =	ssyncadd.s32 @!p0 s1  }
0x2a3: {  	[bflag:$0x3] =	sbarrier.arrive $0xFFFF  }
0x2a4: {  	_ =	shalt  }

</sc_bundles>
